<compile_context>
chip_gen: v7x
topology: tpu7x:2x2x1
jax: 0.10.2.dev20260603
libtpu: 0.0.44.dev20260713+nightly
codegen_flags: <defaults>
</compile_context>

<pallas_src>
import functools

import jax
import jax.numpy as jnp
from jax import lax
from jax.experimental import pallas as pl
from jax.experimental.pallas import tpu as pltpu
from jax.experimental.pallas import tpu_sc as plsc

E = 320000
C = 128


NBUF = 8


def _pick_ch(n_rows):
    for ch in (2500, 2560, 2400, 2048, 2000, 1920, 1664, 1600, 1536, 1280,
               1024, 1000, 768, 512, 256, 128):
        if n_rows % ch == 0:
            return ch
    raise ValueError(f"no chunk size for {n_rows}")


def _in_copy(hbm_ref, buf_ref, sem_ref, row0, s, ch):
    return pltpu.make_async_copy(
        hbm_ref.at[pl.ds(row0, ch), :], buf_ref.at[s], sem_ref.at[s])


def _out_copy(out_hbm, outbuf, sem_ref, i, s, ch):
    return pltpu.make_async_copy(
        outbuf.at[s], out_hbm.at[pl.ds(i, 1), :], sem_ref.at[s])


def _tc_body(nchunk, row_off, ch, linv_hbm, adj_hbm, w_ref, b_ref, out_hbm,
             linv_buf, adj_buf, outbuf, sem_l, sem_a, sem_o):
    w = w_ref[...]
    bias = b_ref[0, 0]
    for s in range(NBUF):
        _in_copy(linv_hbm, linv_buf, sem_l, row_off + s * ch, s, ch).start()
        _in_copy(adj_hbm, adj_buf, sem_a, row_off + s * ch, s, ch).start()

    def outer(g, carry):
        for s in range(NBUF):
            i = g * NBUF + s
            _in_copy(linv_hbm, linv_buf, sem_l, row_off + i * ch, s, ch).wait()
            _in_copy(adj_hbm, adj_buf, sem_a, row_off + i * ch, s, ch).wait()

            h = jnp.maximum(adj_buf[s] * linv_buf[s], 0.0)
            res = jax.lax.dot_general(
                w, h, (((1,), (1,)), ((), ())),
                preferred_element_type=jnp.float32,
            ) + bias

            @pl.when(g > 0)
            def _wait_out():
                _out_copy(out_hbm, outbuf, sem_o, i - NBUF, s, ch).wait()

            outbuf[s] = res

            @pl.when(i + NBUF < nchunk)
            def _next_in():
                _in_copy(linv_hbm, linv_buf, sem_l,
                         row_off + (i + NBUF) * ch, s, ch).start()
                _in_copy(adj_hbm, adj_buf, sem_a,
                         row_off + (i + NBUF) * ch, s, ch).start()

            _out_copy(out_hbm, outbuf, sem_o, i, s, ch).start()
        return carry

    jax.lax.fori_loop(0, nchunk // NBUF, outer, 0)

    for t in range((nchunk // NBUF) * NBUF, nchunk):
        s = t % NBUF
        _in_copy(linv_hbm, linv_buf, sem_l, row_off + t * ch, s, ch).wait()
        _in_copy(adj_hbm, adj_buf, sem_a, row_off + t * ch, s, ch).wait()
        h = jnp.maximum(adj_buf[s] * linv_buf[s], 0.0)
        res = jax.lax.dot_general(
            w, h, (((1,), (1,)), ((), ())),
            preferred_element_type=jnp.float32,
        ) + bias
        _out_copy(out_hbm, outbuf, sem_o, t - NBUF, s, ch).wait()
        outbuf[s] = res
        _out_copy(out_hbm, outbuf, sem_o, t, s, ch).start()

    for t in range(nchunk - NBUF, nchunk):
        _out_copy(out_hbm, outbuf, sem_o, t, t % NBUF, ch).wait()


def _tc_part(Linv, adjacency, W, b2d, n_rows, row_off):
    ch = _pick_ch(n_rows)
    nchunk = n_rows // ch
    out = pl.pallas_call(
        functools.partial(_tc_body, nchunk, row_off, ch),
        in_specs=[
            pl.BlockSpec(memory_space=pltpu.MemorySpace.HBM),
            pl.BlockSpec(memory_space=pltpu.MemorySpace.HBM),
            pl.BlockSpec(memory_space=pltpu.MemorySpace.VMEM),
            pl.BlockSpec(memory_space=pltpu.MemorySpace.VMEM),
        ],
        out_specs=pl.BlockSpec(memory_space=pltpu.MemorySpace.HBM),
        out_shape=jax.ShapeDtypeStruct((nchunk, ch), jnp.float32),
        scratch_shapes=[
            pltpu.VMEM((NBUF, ch, C), jnp.float32),
            pltpu.VMEM((NBUF, ch, C), jnp.float32),
            pltpu.VMEM((NBUF, 1, ch), jnp.float32),
            pltpu.SemaphoreType.DMA((NBUF,)),
            pltpu.SemaphoreType.DMA((NBUF,)),
            pltpu.SemaphoreType.DMA((NBUF,)),
        ],
    )(Linv, adjacency, W, b2d)
    return out.reshape(n_rows)



NC = 2
NS = 16
NW = NC * NS
CHS = 80


def _sc_in_copy(hbm_ref, buf_ref, sem_ref, base, ch, chs):
    return pltpu.make_async_copy(
        hbm_ref.at[pl.ds(base + ch * chs, chs), :], buf_ref, sem_ref)


def _sc_compute_chunk(lbuf, abuf, w_v, b_v, out_v, out_base):
    bias = b_v[...]
    wsl = [w_v[pl.ds(16 * j, 16)] for j in range(C // 16)]
    mask15 = lax.iota(jnp.int32, 16) == 15

    @plsc.parallel_loop(0, CHS)
    def row(r):
        hs = []
        for j in range(C // 16):
            a = abuf[r, pl.ds(16 * j, 16)]
            l = lbuf[r, pl.ds(16 * j, 16)]
            hs.append(jnp.maximum(a * l, 0.0) * wsl[j])
        while len(hs) > 1:
            hs = [hs[k] + hs[k + 1] for k in range(0, len(hs) - 1, 2)] + (
                [hs[-1]] if len(hs) % 2 else [])
        tot = plsc.cumsum(hs[0]) + bias
        idx = jnp.full((16,), out_base + r, jnp.int32)
        plsc.store_scatter(out_v, [idx], tot, mask=mask15)


def _sc_part(Linv_sc, adjacency, W, b16, n_rows, row_off):
    rw = n_rows // NW
    nch = rw // CHS
    mesh = plsc.VectorSubcoreMesh(core_axis_name="c", subcore_axis_name="s")

    @functools.partial(
        pl.kernel, mesh=mesh,
        compiler_params=pltpu.CompilerParams(needs_layout_passes=False),
        out_type=jax.ShapeDtypeStruct((n_rows,), jnp.float32),
        scratch_types=[
            pltpu.VMEM((CHS, C), jnp.float32),
            pltpu.VMEM((CHS, C), jnp.float32),
            pltpu.VMEM((CHS, C), jnp.float32),
            pltpu.VMEM((CHS, C), jnp.float32),
            pltpu.VMEM((rw,), jnp.float32),
            pltpu.VMEM((C,), jnp.float32),
            pltpu.VMEM((16,), jnp.float32),
            pltpu.SemaphoreType.DMA,
            pltpu.SemaphoreType.DMA,
            pltpu.SemaphoreType.DMA,
            pltpu.SemaphoreType.DMA,
        ],
    )
    def sck(linv_hbm, adj_hbm, w_hbm, b_hbm, out_hbm,
            lbuf0, lbuf1, abuf0, abuf1, out_v, w_v, b_v,
            sl0, sl1, sa0, sa1):
        wid = lax.axis_index("s") * NC + lax.axis_index("c")
        base = row_off + wid * rw

        pltpu.sync_copy(w_hbm, w_v)
        pltpu.sync_copy(b_hbm, b_v)

        _sc_in_copy(linv_hbm, lbuf0, sl0, base, 0, CHS).start()
        _sc_in_copy(adj_hbm, abuf0, sa0, base, 0, CHS).start()
        _sc_in_copy(linv_hbm, lbuf1, sl1, base, 1, CHS).start()
        _sc_in_copy(adj_hbm, abuf1, sa1, base, 1, CHS).start()

        def pair(p, carry):
            ch0 = p * 2
            _sc_in_copy(linv_hbm, lbuf0, sl0, base, ch0, CHS).wait()
            _sc_in_copy(adj_hbm, abuf0, sa0, base, ch0, CHS).wait()
            _sc_compute_chunk(lbuf0, abuf0, w_v, b_v, out_v, ch0 * CHS)

            @pl.when(ch0 + 2 < nch)
            def _n0():
                _sc_in_copy(linv_hbm, lbuf0, sl0, base, ch0 + 2, CHS).start()
                _sc_in_copy(adj_hbm, abuf0, sa0, base, ch0 + 2, CHS).start()

            ch1 = ch0 + 1
            _sc_in_copy(linv_hbm, lbuf1, sl1, base, ch1, CHS).wait()
            _sc_in_copy(adj_hbm, abuf1, sa1, base, ch1, CHS).wait()
            _sc_compute_chunk(lbuf1, abuf1, w_v, b_v, out_v, ch1 * CHS)

            @pl.when(ch1 + 2 < nch)
            def _n1():
                _sc_in_copy(linv_hbm, lbuf1, sl1, base, ch1 + 2, CHS).start()
                _sc_in_copy(adj_hbm, abuf1, sa1, base, ch1 + 2, CHS).start()

            return carry

        lax.fori_loop(0, nch // 2, pair, 0)

        if nch % 2:
            ch = nch - 1
            _sc_in_copy(linv_hbm, lbuf0, sl0, base, ch, CHS).wait()
            _sc_in_copy(adj_hbm, abuf0, sa0, base, ch, CHS).wait()
            _sc_compute_chunk(lbuf0, abuf0, w_v, b_v, out_v, ch * CHS)

        pltpu.sync_copy(out_v, out_hbm.at[pl.ds(wid * rw, rw)])

    return sck(Linv_sc, adjacency, W.reshape(C), b16)


E_SC = 25600


def kernel(x_e, Linv, adjacency, W, b):
    del x_e
    parts = []
    if E_SC:
        b16 = jnp.broadcast_to(b, (16,))
        parts.append(_sc_part(Linv, adjacency, W, b16, E_SC, 0))
    parts.append(_tc_part(Linv, adjacency, W, b.reshape(1, 1), E - E_SC, E_SC))
    out = parts[0] if len(parts) == 1 else jnp.concatenate(parts)
    return out.reshape(E, 1)

# --- scband reference (transcript-rebuilt; emitter-appended) ---
"""Pipeline reference for scband-dist2-cycle-layer-4191888081073 (READ-ONLY COPY).

The authoritative reference and input builder live on the scoring server;
editing this copy changes nothing except your own understanding.
"""

import jax, jax.numpy as jnp
import numpy as np

E = 320000
C = 128

def setup_inputs(seed: int = 0) -> dict:
    key = jax.random.key(seed)
    k1, k2, k3, k4, k5 = jax.random.split(key, 5)
    x_e = jax.random.normal(k1, (E, C), dtype=jnp.float32)
    Linv = jax.random.normal(k2, (E, C), dtype=jnp.float32)
    adjacency = jax.random.uniform(k3, (E, C), dtype=jnp.float32)
    # fc_neigh: Linear(channels, 1) -> weight [1, C], bias [1]
    W = jax.random.normal(k4, (1, C), dtype=jnp.float32) * (1.0 / np.sqrt(C))
    b = jax.random.uniform(k5, (1,), dtype=jnp.float32, minval=-1.0/np.sqrt(C), maxval=1.0/np.sqrt(C))
    return {"x_e": x_e, "Linv": Linv, "adjacency": adjacency, "W": W, "b": b}

def reference(x_e, Linv, adjacency, W, b):
    # x_e input is overwritten in the original forward: x_e = adjacency * Linv
    h = adjacency * Linv
    # Aggregation(aggr_func='sum', update_func='relu') over a single-tensor list:
    # sum of one tensor is identity, then relu
    h = jax.nn.relu(h)
    # fc_neigh: Linear(channels -> 1)
    rst = h @ W.T + b
    return rst

if __name__ == "__main__":
    import jax
    _d = setup_inputs()
    print(jax.jit(kernel)(*tuple(_d.values())))

</pallas_src>

<mosaic_0001>
#map = affine_map<(d0, d1) -> (0, 0)>
#map1 = affine_map<(d0, d1) -> (0)>
module attributes {stable_mosaic.version = 14 : i64} {
  func.func @sck(%arg0: i32, %arg1: i32, %arg2: memref<320000x128xf32, #tpu.memory_space<hbm>>, %arg3: memref<320000x128xf32, #tpu.memory_space<hbm>>, %arg4: memref<128xf32, #tpu.memory_space<hbm>>, %arg5: memref<16xf32, #tpu.memory_space<hbm>>, %arg6: memref<25600xf32, #tpu.memory_space<hbm>>, %arg7: memref<80x128xf32, #tpu.memory_space<vmem>>, %arg8: memref<80x128xf32, #tpu.memory_space<vmem>>, %arg9: memref<80x128xf32, #tpu.memory_space<vmem>>, %arg10: memref<80x128xf32, #tpu.memory_space<vmem>>, %arg11: memref<800xf32, #tpu.memory_space<vmem>>, %arg12: memref<128xf32, #tpu.memory_space<vmem>>, %arg13: memref<16xf32, #tpu.memory_space<vmem>>, %arg14: memref<!tpu.dma_semaphore, #tpu.memory_space<semaphore_mem>>, %arg15: memref<!tpu.dma_semaphore, #tpu.memory_space<semaphore_mem>>, %arg16: memref<!tpu.dma_semaphore, #tpu.memory_space<semaphore_mem>>, %arg17: memref<!tpu.dma_semaphore, #tpu.memory_space<semaphore_mem>>) attributes {dimension_semantics = [#tpu.dimension_semantics<core_parallel>, #tpu.dimension_semantics<subcore_parallel>], iteration_bounds = array<i64: 2, 16>, scalar_prefetch = 0 : i64, scratch_operands = 11 : i64, tpu.core_type = #tpu.core_type<sc_vector_subcore>, window_params = [{transform_indices = #map}, {transform_indices = #map}, {transform_indices = #map1}, {transform_indices = #map1}, {transform_indices = #map1}]} {
    %mul3A = arith.constant 2 : i32
    %mul3A_0 = arith.muli %arg1, %mul3A : i32
    %add3A = arith.addi %mul3A_0, %arg0 : i32
    %mul3A_1 = arith.constant 800 : i32
    %mul3A_2 = arith.muli %add3A, %mul3A_1 : i32
    %add3A_3 = arith.constant 0 : i32
    %add3A_4 = arith.addi %add3A_3, %mul3A_2 : i32
    "tpu.region"() ({
      %run_scoped3A = tpu.sem_alloc : memref<!tpu.dma_semaphore, #tpu.memory_space<semaphore_mem>>
      tpu.enqueue_dma source(%arg4 : memref<128xf32, #tpu.memory_space<hbm>>) target(%arg12 : memref<128xf32, #tpu.memory_space<vmem>>) target_semaphore(%run_scoped3A : memref<!tpu.dma_semaphore, #tpu.memory_space<semaphore_mem>>)
      tpu.wait_dma2 semaphore(%run_scoped3A : memref<!tpu.dma_semaphore, #tpu.memory_space<semaphore_mem>>) src(%arg4 : memref<128xf32, #tpu.memory_space<hbm>>) dst(%arg12 : memref<128xf32, #tpu.memory_space<vmem>>)
      tpu.yield
    }) : () -> ()
    "tpu.region"() ({
      %run_scoped3A = tpu.sem_alloc : memref<!tpu.dma_semaphore, #tpu.memory_space<semaphore_mem>>
      tpu.enqueue_dma source(%arg5 : memref<16xf32, #tpu.memory_space<hbm>>) target(%arg13 : memref<16xf32, #tpu.memory_space<vmem>>) target_semaphore(%run_scoped3A : memref<!tpu.dma_semaphore, #tpu.memory_space<semaphore_mem>>)
      tpu.wait_dma2 semaphore(%run_scoped3A : memref<!tpu.dma_semaphore, #tpu.memory_space<semaphore_mem>>) src(%arg5 : memref<16xf32, #tpu.memory_space<hbm>>) dst(%arg13 : memref<16xf32, #tpu.memory_space<vmem>>)
      tpu.yield
    }) : () -> ()
    %add3A_5 = arith.constant 0 : i32
    %add3A_6 = arith.addi %add3A_4, %add3A_5 : i32
    %dma_start3A = arith.constant 0 : i32
    %dma_start3A_7 = tpu.memref_slice %arg2[%add3A_6, %dma_start3A] : memref<320000x128xf32, #tpu.memory_space<hbm>> -> memref<80x128xf32, #tpu.memory_space<hbm>>
    %dma_start3A_8 = arith.constant 0 : i32
    %dma_start3A_9 = tpu.memref_slice %arg2[%add3A_6, %dma_start3A_8] : memref<320000x128xf32, #tpu.memory_space<hbm>> -> memref<80x128xf32, #tpu.memory_space<hbm>>
    tpu.enqueue_dma source(%dma_start3A_9 : memref<80x128xf32, #tpu.memory_space<hbm>>) target(%arg7 : memref<80x128xf32, #tpu.memory_space<vmem>>) target_semaphore(%arg14 : memref<!tpu.dma_semaphore, #tpu.memory_space<semaphore_mem>>)
    %add3A_10 = arith.constant 0 : i32
    %add3A_11 = arith.addi %add3A_4, %add3A_10 : i32
    %dma_start3A_12 = arith.constant 0 : i32
    %dma_start3A_13 = tpu.memref_slice %arg3[%add3A_11, %dma_start3A_12] : memref<320000x128xf32, #tpu.memory_space<hbm>> -> memref<80x128xf32, #tpu.memory_space<hbm>>
    %dma_start3A_14 = arith.constant 0 : i32
    %dma_start3A_15 = tpu.memref_slice %arg3[%add3A_11, %dma_start3A_14] : memref<320000x128xf32, #tpu.memory_space<hbm>> -> memref<80x128xf32, #tpu.memory_space<hbm>>
    tpu.enqueue_dma source(%dma_start3A_15 : memref<80x128xf32, #tpu.memory_space<hbm>>) target(%arg9 : memref<80x128xf32, #tpu.memory_space<vmem>>) target_semaphore(%arg16 : memref<!tpu.dma_semaphore, #tpu.memory_space<semaphore_mem>>)
    %add3A_16 = arith.constant 80 : i32
    %add3A_17 = arith.addi %add3A_4, %add3A_16 : i32
    %dma_start3A_18 = arith.constant 0 : i32
    %dma_start3A_19 = tpu.memref_slice %arg2[%add3A_17, %dma_start3A_18] : memref<320000x128xf32, #tpu.memory_space<hbm>> -> memref<80x128xf32, #tpu.memory_space<hbm>>
    %dma_start3A_20 = arith.constant 0 : i32
    %dma_start3A_21 = tpu.memref_slice %arg2[%add3A_17, %dma_start3A_20] : memref<320000x128xf32, #tpu.memory_space<hbm>> -> memref<80x128xf32, #tpu.memory_space<hbm>>
    tpu.enqueue_dma source(%dma_start3A_21 : memref<80x128xf32, #tpu.memory_space<hbm>>) target(%arg8 : memref<80x128xf32, #tpu.memory_space<vmem>>) target_semaphore(%arg15 : memref<!tpu.dma_semaphore, #tpu.memory_space<semaphore_mem>>)
    %add3A_22 = arith.constant 80 : i32
    %add3A_23 = arith.addi %add3A_4, %add3A_22 : i32
    %dma_start3A_24 = arith.constant 0 : i32
    %dma_start3A_25 = tpu.memref_slice %arg3[%add3A_23, %dma_start3A_24] : memref<320000x128xf32, #tpu.memory_space<hbm>> -> memref<80x128xf32, #tpu.memory_space<hbm>>
    %dma_start3A_26 = arith.constant 0 : i32
    %dma_start3A_27 = tpu.memref_slice %arg3[%add3A_23, %dma_start3A_26] : memref<320000x128xf32, #tpu.memory_space<hbm>> -> memref<80x128xf32, #tpu.memory_space<hbm>>
    tpu.enqueue_dma source(%dma_start3A_27 : memref<80x128xf32, #tpu.memory_space<hbm>>) target(%arg10 : memref<80x128xf32, #tpu.memory_space<vmem>>) target_semaphore(%arg17 : memref<!tpu.dma_semaphore, #tpu.memory_space<semaphore_mem>>)
    %scan3A = arith.constant 0 : i32
    %scan3A_28 = arith.constant 0 : i32
    %scan3A_29 = arith.constant 5 : i32
    %scan3A_30 = arith.addi %scan3A_28, %scan3A_29 : i32
    %scan3A_31 = arith.constant 1 : i32
    scf.for %scan3A_35 = %scan3A_28 to %scan3A_30 step %scan3A_31  : i32 {
      %mul3A_36 = arith.constant 2 : i32
      %mul3A_37 = arith.muli %scan3A_35, %mul3A_36 : i32
      %mul3A_38 = arith.constant 80 : i32
      %mul3A_39 = arith.muli %mul3A_37, %mul3A_38 : i32
      %add3A_40 = arith.addi %add3A_4, %mul3A_39 : i32
      %dma_wait3A = arith.constant 0 : i32
      %dma_wait3A_41 = tpu.memref_slice %arg2[%add3A_40, %dma_wait3A] : memref<320000x128xf32, #tpu.memory_space<hbm>> -> memref<80x128xf32, #tpu.memory_space<hbm>>
      %dma_wait3A_42 = arith.constant 0 : i32
      %dma_wait3A_43 = tpu.memref_slice %arg2[%add3A_40, %dma_wait3A_42] : memref<320000x128xf32, #tpu.memory_space<hbm>> -> memref<80x128xf32, #tpu.memory_space<hbm>>
      tpu.wait_dma2 semaphore(%arg14 : memref<!tpu.dma_semaphore, #tpu.memory_space<semaphore_mem>>) src(%dma_wait3A_43 : memref<80x128xf32, #tpu.memory_space<hbm>>) dst(%arg7 : memref<80x128xf32, #tpu.memory_space<vmem>>)
      %mul3A_44 = arith.constant 80 : i32
      %mul3A_45 = arith.muli %mul3A_37, %mul3A_44 : i32
      %add3A_46 = arith.addi %add3A_4, %mul3A_45 : i32
      %dma_wait3A_47 = arith.constant 0 : i32
      %dma_wait3A_48 = tpu.memref_slice %arg3[%add3A_46, %dma_wait3A_47] : memref<320000x128xf32, #tpu.memory_space<hbm>> -> memref<80x128xf32, #tpu.memory_space<hbm>>
      %dma_wait3A_49 = arith.constant 0 : i32
      %dma_wait3A_50 = tpu.memref_slice %arg3[%add3A_46, %dma_wait3A_49] : memref<320000x128xf32, #tpu.memory_space<hbm>> -> memref<80x128xf32, #tpu.memory_space<hbm>>
      tpu.wait_dma2 semaphore(%arg16 : memref<!tpu.dma_semaphore, #tpu.memory_space<semaphore_mem>>) src(%dma_wait3A_50 : memref<80x128xf32, #tpu.memory_space<hbm>>) dst(%arg9 : memref<80x128xf32, #tpu.memory_space<vmem>>)
      %mul3A_51 = arith.constant 80 : i32
      %mul3A_52 = arith.muli %mul3A_37, %mul3A_51 : i32
      %get3A = arith.constant 0 : index
      %get3A_53 = tpu.vector_load %arg13[%get3A] {strides = array<i32>} : memref<16xf32, #tpu.memory_space<vmem>>, vector<16xf32>,
      %get3A_54 = arith.constant 0 : index
      %get3A_55 = tpu.vector_load %arg12[%get3A_54] {strides = array<i32>} : memref<128xf32, #tpu.memory_space<vmem>>, vector<16xf32>,
      %get3A_56 = arith.constant 16 : index
      %get3A_57 = tpu.vector_load %arg12[%get3A_56] {strides = array<i32>} : memref<128xf32, #tpu.memory_space<vmem>>, vector<16xf32>,
      %get3A_58 = arith.constant 32 : index
      %get3A_59 = tpu.vector_load %arg12[%get3A_58] {strides = array<i32>} : memref<128xf32, #tpu.memory_space<vmem>>, vector<16xf32>,
      %get3A_60 = arith.constant 48 : index
      %get3A_61 = tpu.vector_load %arg12[%get3A_60] {strides = array<i32>} : memref<128xf32, #tpu.memory_space<vmem>>, vector<16xf32>,
      %get3A_62 = arith.constant 64 : index
      %get3A_63 = tpu.vector_load %arg12[%get3A_62] {strides = array<i32>} : memref<128xf32, #tpu.memory_space<vmem>>, vector<16xf32>,
      %get3A_64 = arith.constant 80 : index
      %get3A_65 = tpu.vector_load %arg12[%get3A_64] {strides = array<i32>} : memref<128xf32, #tpu.memory_space<vmem>>, vector<16xf32>,
      %get3A_66 = arith.constant 96 : index
      %get3A_67 = tpu.vector_load %arg12[%get3A_66] {strides = array<i32>} : memref<128xf32, #tpu.memory_space<vmem>>, vector<16xf32>,
      %get3A_68 = arith.constant 112 : index
      %get3A_69 = tpu.vector_load %arg12[%get3A_68] {strides = array<i32>} : memref<128xf32, #tpu.memory_space<vmem>>, vector<16xf32>,
      %iota3A = tpu.iota {dimensions = array<i32: 0>} : vector<16xi32>
      %eq3A = arith.constant 15 : i32
      %eq3A_70 = vector.broadcast %eq3A : i32 to vector<16xi32>
      %eq3A_71 = arith.cmpi eq, %iota3A, %eq3A_70 : vector<16xi32>
      %parallel_loop3A = arith.constant 0 : i32
      %parallel_loop3A_72 = arith.constant 80 : i32
      %parallel_loop3A_73 = arith.constant 1 : i32
      scf.for %parallel_loop3A_128 = %parallel_loop3A to %parallel_loop3A_72 step %parallel_loop3A_73  : i32 {
        %parallel_loop3A_129 = arith.index_cast %parallel_loop3A_128 : i32 to index
        %parallel_loop3A_130 = arith.constant 0 : index
        %parallel_loop3A_131 = tpu.vector_load %arg9[%parallel_loop3A_129, %parallel_loop3A_130] {strides = array<i32>} : memref<80x128xf32, #tpu.memory_space<vmem>>, vector<16xf32>,
        %parallel_loop3A_132 = arith.index_cast %parallel_loop3A_128 : i32 to index
        %parallel_loop3A_133 = arith.constant 0 : index
        %parallel_loop3A_134 = tpu.vector_load %arg7[%parallel_loop3A_132, %parallel_loop3A_133] {strides = array<i32>} : memref<80x128xf32, #tpu.memory_space<vmem>>, vector<16xf32>,
        %parallel_loop3A_135 = arith.mulf %parallel_loop3A_131, %parallel_loop3A_134 : vector<16xf32>
        %parallel_loop3A_136 = arith.constant 0.000000e+00 : f32
        %parallel_loop3A_137 = vector.broadcast %parallel_loop3A_136 : f32 to vector<16xf32>
        %parallel_loop3A_138 = arith.maximumf %parallel_loop3A_135, %parallel_loop3A_137 : vector<16xf32>
        %parallel_loop3A_139 = arith.mulf %parallel_loop3A_138, %get3A_55 : vector<16xf32>
        %parallel_loop3A_140 = arith.index_cast %parallel_loop3A_128 : i32 to index
        %parallel_loop3A_141 = arith.constant 16 : index
        %parallel_loop3A_142 = tpu.vector_load %arg9[%parallel_loop3A_140, %parallel_loop3A_141] {strides = array<i32>} : memref<80x128xf32, #tpu.memory_space<vmem>>, vector<16xf32>,
        %parallel_loop3A_143 = arith.index_cast %parallel_loop3A_128 : i32 to index
        %parallel_loop3A_144 = arith.constant 16 : index
        %parallel_loop3A_145 = tpu.vector_load %arg7[%parallel_loop3A_143, %parallel_loop3A_144] {strides = array<i32>} : memref<80x128xf32, #tpu.memory_space<vmem>>, vector<16xf32>,
        %parallel_loop3A_146 = arith.mulf %parallel_loop3A_142, %parallel_loop3A_145 : vector<16xf32>
        %parallel_loop3A_147 = arith.constant 0.000000e+00 : f32
        %parallel_loop3A_148 = vector.broadcast %parallel_loop3A_147 : f32 to vector<16xf32>
        %parallel_loop3A_149 = arith.maximumf %parallel_loop3A_146, %parallel_loop3A_148 : vector<16xf32>
        %parallel_loop3A_150 = arith.mulf %parallel_loop3A_149, %get3A_57 : vector<16xf32>
        %parallel_loop3A_151 = arith.index_cast %parallel_loop3A_128 : i32 to index
        %parallel_loop3A_152 = arith.constant 32 : index
        %parallel_loop3A_153 = tpu.vector_load %arg9[%parallel_loop3A_151, %parallel_loop3A_152] {strides = array<i32>} : memref<80x128xf32, #tpu.memory_space<vmem>>, vector<16xf32>,
        %parallel_loop3A_154 = arith.index_cast %parallel_loop3A_128 : i32 to index
        %parallel_loop3A_155 = arith.constant 32 : index
        %parallel_loop3A_156 = tpu.vector_load %arg7[%parallel_loop3A_154, %parallel_loop3A_155] {strides = array<i32>} : memref<80x128xf32, #tpu.memory_space<vmem>>, vector<16xf32>,
        %parallel_loop3A_157 = arith.mulf %parallel_loop3A_153, %parallel_loop3A_156 : vector<16xf32>
        %parallel_loop3A_158 = arith.constant 0.000000e+00 : f32
        %parallel_loop3A_159 = vector.broadcast %parallel_loop3A_158 : f32 to vector<16xf32>
        %parallel_loop3A_160 = arith.maximumf %parallel_loop3A_157, %parallel_loop3A_159 : vector<16xf32>
        %parallel_loop3A_161 = arith.mulf %parallel_loop3A_160, %get3A_59 : vector<16xf32>
        %parallel_loop3A_162 = arith.index_cast %parallel_loop3A_128 : i32 to index
        %parallel_loop3A_163 = arith.constant 48 : index
        %parallel_loop3A_164 = tpu.vector_load %arg9[%parallel_loop3A_162, %parallel_loop3A_163] {strides = array<i32>} : memref<80x128xf32, #tpu.memory_space<vmem>>, vector<16xf32>,
        %parallel_loop3A_165 = arith.index_cast %parallel_loop3A_128 : i32 to index
        %parallel_loop3A_166 = arith.constant 48 : index
        %parallel_loop3A_167 = tpu.vector_load %arg7[%parallel_loop3A_165, %parallel_loop3A_166] {strides = array<i32>} : memref<80x128xf32, #tpu.memory_space<vmem>>, vector<16xf32>,
        %parallel_loop3A_168 = arith.mulf %parallel_loop3A_164, %parallel_loop3A_167 : vector<16xf32>
        %parallel_loop3A_169 = arith.constant 0.000000e+00 : f32
        %parallel_loop3A_170 = vector.broadcast %parallel_loop3A_169 : f32 to vector<16xf32>
        %parallel_loop3A_171 = arith.maximumf %parallel_loop3A_168, %parallel_loop3A_170 : vector<16xf32>
        %parallel_loop3A_172 = arith.mulf %parallel_loop3A_171, %get3A_61 : vector<16xf32>
        %parallel_loop3A_173 = arith.index_cast %parallel_loop3A_128 : i32 to index
        %parallel_loop3A_174 = arith.constant 64 : index
        %parallel_loop3A_175 = tpu.vector_load %arg9[%parallel_loop3A_173, %parallel_loop3A_174] {strides = array<i32>} : memref<80x128xf32, #tpu.memory_space<vmem>>, vector<16xf32>,
        %parallel_loop3A_176 = arith.index_cast %parallel_loop3A_128 : i32 to index
        %parallel_loop3A_177 = arith.constant 64 : index
        %parallel_loop3A_178 = tpu.vector_load %arg7[%parallel_loop3A_176, %parallel_loop3A_177] {strides = array<i32>} : memref<80x128xf32, #tpu.memory_space<vmem>>, vector<16xf32>,
        %parallel_loop3A_179 = arith.mulf %parallel_loop3A_175, %parallel_loop3A_178 : vector<16xf32>
        %parallel_loop3A_180 = arith.constant 0.000000e+00 : f32
        %parallel_loop3A_181 = vector.broadcast %parallel_loop3A_180 : f32 to vector<16xf32>
        %parallel_loop3A_182 = arith.maximumf %parallel_loop3A_179, %parallel_loop3A_181 : vector<16xf32>
        %parallel_loop3A_183 = arith.mulf %parallel_loop3A_182, %get3A_63 : vector<16xf32>
        %parallel_loop3A_184 = arith.index_cast %parallel_loop3A_128 : i32 to index
        %parallel_loop3A_185 = arith.constant 80 : index
        %parallel_loop3A_186 = tpu.vector_load %arg9[%parallel_loop3A_184, %parallel_loop3A_185] {strides = array<i32>} : memref<80x128xf32, #tpu.memory_space<vmem>>, vector<16xf32>,
        %parallel_loop3A_187 = arith.index_cast %parallel_loop3A_128 : i32 to index
        %parallel_loop3A_188 = arith.constant 80 : index
        %parallel_loop3A_189 = tpu.vector_load %arg7[%parallel_loop3A_187, %parallel_loop3A_188] {strides = array<i32>} : memref<80x128xf32, #tpu.memory_space<vmem>>, vector<16xf32>,
        %parallel_loop3A_190 = arith.mulf %parallel_loop3A_186, %parallel_loop3A_189 : vector<16xf32>
        %parallel_loop3A_191 = arith.constant 0.000000e+00 : f32
        %parallel_loop3A_192 = vector.broadcast %parallel_loop3A_191 : f32 to vector<16xf32>
        %parallel_loop3A_193 = arith.maximumf %parallel_loop3A_190, %parallel_loop3A_192 : vector<16xf32>
        %parallel_loop3A_194 = arith.mulf %parallel_loop3A_193, %get3A_65 : vector<16xf32>
        %parallel_loop3A_195 = arith.index_cast %parallel_loop3A_128 : i32 to index
        %parallel_loop3A_196 = arith.constant 96 : index
        %parallel_loop3A_197 = tpu.vector_load %arg9[%parallel_loop3A_195, %parallel_loop3A_196] {strides = array<i32>} : memref<80x128xf32, #tpu.memory_space<vmem>>, vector<16xf32>,
        %parallel_loop3A_198 = arith.index_cast %parallel_loop3A_128 : i32 to index
        %parallel_loop3A_199 = arith.constant 96 : index
        %parallel_loop3A_200 = tpu.vector_load %arg7[%parallel_loop3A_198, %parallel_loop3A_199] {strides = array<i32>} : memref<80x128xf32, #tpu.memory_space<vmem>>, vector<16xf32>,
        %parallel_loop3A_201 = arith.mulf %parallel_loop3A_197, %parallel_loop3A_200 : vector<16xf32>
        %parallel_loop3A_202 = arith.constant 0.000000e+00 : f32
        %parallel_loop3A_203 = vector.broadcast %parallel_loop3A_202 : f32 to vector<16xf32>
        %parallel_loop3A_204 = arith.maximumf %parallel_loop3A_201, %parallel_loop3A_203 : vector<16xf32>
        %parallel_loop3A_205 = arith.mulf %parallel_loop3A_204, %get3A_67 : vector<16xf32>
        %parallel_loop3A_206 = arith.index_cast %parallel_loop3A_128 : i32 to index
        %parallel_loop3A_207 = arith.constant 112 : index
        %parallel_loop3A_208 = tpu.vector_load %arg9[%parallel_loop3A_206, %parallel_loop3A_207] {strides = array<i32>} : memref<80x128xf32, #tpu.memory_space<vmem>>, vector<16xf32>,
        %parallel_loop3A_209 = arith.index_cast %parallel_loop3A_128 : i32 to index
        %parallel_loop3A_210 = arith.constant 112 : index
        %parallel_loop3A_211 = tpu.vector_load %arg7[%parallel_loop3A_209, %parallel_loop3A_210] {strides = array<i32>} : memref<80x128xf32, #tpu.memory_space<vmem>>, vector<16xf32>,
        %parallel_loop3A_212 = arith.mulf %parallel_loop3A_208, %parallel_loop3A_211 : vector<16xf32>
        %parallel_loop3A_213 = arith.constant 0.000000e+00 : f32
        %parallel_loop3A_214 = vector.broadcast %parallel_loop3A_213 : f32 to vector<16xf32>
        %parallel_loop3A_215 = arith.maximumf %parallel_loop3A_212, %parallel_loop3A_214 : vector<16xf32>
        %parallel_loop3A_216 = arith.mulf %parallel_loop3A_215, %get3A_69 : vector<16xf32>
        %parallel_loop3A_217 = arith.addf %parallel_loop3A_139, %parallel_loop3A_150 : vector<16xf32>
        %parallel_loop3A_218 = arith.addf %parallel_loop3A_161, %parallel_loop3A_172 : vector<16xf32>
        %parallel_loop3A_219 = arith.addf %parallel_loop3A_183, %parallel_loop3A_194 : vector<16xf32>
        %parallel_loop3A_220 = arith.addf %parallel_loop3A_205, %parallel_loop3A_216 : vector<16xf32>
        %parallel_loop3A_221 = arith.addf %parallel_loop3A_217, %parallel_loop3A_218 : vector<16xf32>
        %parallel_loop3A_222 = arith.addf %parallel_loop3A_219, %parallel_loop3A_220 : vector<16xf32>
        %parallel_loop3A_223 = arith.addf %parallel_loop3A_221, %parallel_loop3A_222 : vector<16xf32>
        %parallel_loop3A_224 = arith.constant true
        %parallel_loop3A_225 = vector.broadcast %parallel_loop3A_224 : i1 to vector<16xi1>
        %parallel_loop3A_226 = tpu.scan <sum>, %parallel_loop3A_223 masked %parallel_loop3A_225 : vector<16xf32>, vector<16xi1> -> vector<16xf32>
        %parallel_loop3A_227 = arith.addf %parallel_loop3A_226, %get3A_53 : vector<16xf32>
        %parallel_loop3A_228 = arith.addi %mul3A_52, %parallel_loop3A_128 : i32
        %parallel_loop3A_229 = vector.broadcast %parallel_loop3A_228 : i32 to vector<16xi32>
        tpu.vector_store_idx %arg11[%parallel_loop3A_229], %parallel_loop3A_227 masked %eq3A_71 : memref<800xf32, #tpu.memory_space<vmem>>[vector<16xi32>], vector<16xf32>, vector<16xi1>
      } {sc.loop_unroll_factor = 1 : i64, sc.parallel_access}
      %add3A_74 = arith.constant 2 : i32
      %add3A_75 = arith.addi %mul3A_37, %add3A_74 : i32
      %lt3A = arith.constant 10 : i32
      %lt3A_76 = arith.cmpi slt, %add3A_75, %lt3A : i32
      %convert_element_type3A = arith.extui %lt3A_76 : i1 to i32
      %cond3A = arith.constant 0 : i32
      %cond3A_77 = arith.cmpi ne, %convert_element_type3A, %cond3A : i32
      scf.if %cond3A_77 {
        %add3A_128 = arith.constant 2 : i32
        %add3A_129 = arith.addi %mul3A_37, %add3A_128 : i32
        %mul3A_130 = arith.constant 80 : i32
        %mul3A_131 = arith.muli %add3A_129, %mul3A_130 : i32
        %add3A_132 = arith.addi %add3A_4, %mul3A_131 : i32
        %dma_start3A_133 = arith.constant 0 : i32
        %dma_start3A_134 = tpu.memref_slice %arg2[%add3A_132, %dma_start3A_133] : memref<320000x128xf32, #tpu.memory_space<hbm>> -> memref<80x128xf32, #tpu.memory_space<hbm>>
        %dma_start3A_135 = arith.constant 0 : i32
        %dma_start3A_136 = tpu.memref_slice %arg2[%add3A_132, %dma_start3A_135] : memref<320000x128xf32, #tpu.memory_space<hbm>> -> memref<80x128xf32, #tpu.memory_space<hbm>>
        tpu.enqueue_dma source(%dma_start3A_136 : memref<80x128xf32, #tpu.memory_space<hbm>>) target(%arg7 : memref<80x128xf32, #tpu.memory_space<vmem>>) target_semaphore(%arg14 : memref<!tpu.dma_semaphore, #tpu.memory_space<semaphore_mem>>)
        %add3A_137 = arith.constant 2 : i32
        %add3A_138 = arith.addi %mul3A_37, %add3A_137 : i32
        %mul3A_139 = arith.constant 80 : i32
        %mul3A_140 = arith.muli %add3A_138, %mul3A_139 : i32
        %add3A_141 = arith.addi %add3A_4, %mul3A_140 : i32
        %dma_start3A_142 = arith.constant 0 : i32
        %dma_start3A_143 = tpu.memref_slice %arg3[%add3A_141, %dma_start3A_142] : memref<320000x128xf32, #tpu.memory_space<hbm>> -> memref<80x128xf32, #tpu.memory_space<hbm>>
        %dma_start3A_144 = arith.constant 0 : i32
        %dma_start3A_145 = tpu.memref_slice %arg3[%add3A_141, %dma_start3A_144] : memref<320000x128xf32, #tpu.memory_space<hbm>> -> memref<80x128xf32, #tpu.memory_space<hbm>>
        tpu.enqueue_dma source(%dma_start3A_145 : memref<80x128xf32, #tpu.memory_space<hbm>>) target(%arg9 : memref<80x128xf32, #tpu.memory_space<vmem>>) target_semaphore(%arg16 : memref<!tpu.dma_semaphore, #tpu.memory_space<semaphore_mem>>)
      } else {
      }
      %add3A_78 = arith.constant 1 : i32
      %add3A_79 = arith.addi %mul3A_37, %add3A_78 : i32
      %mul3A_80 = arith.constant 80 : i32
      %mul3A_81 = arith.muli %add3A_79, %mul3A_80 : i32
      %add3A_82 = arith.addi %add3A_4, %mul3A_81 : i32
      %dma_wait3A_83 = arith.constant 0 : i32
      %dma_wait3A_84 = tpu.memref_slice %arg2[%add3A_82, %dma_wait3A_83] : memref<320000x128xf32, #tpu.memory_space<hbm>> -> memref<80x128xf32, #tpu.memory_space<hbm>>
      %dma_wait3A_85 = arith.constant 0 : i32
      %dma_wait3A_86 = tpu.memref_slice %arg2[%add3A_82, %dma_wait3A_85] : memref<320000x128xf32, #tpu.memory_space<hbm>> -> memref<80x128xf32, #tpu.memory_space<hbm>>
      tpu.wait_dma2 semaphore(%arg15 : memref<!tpu.dma_semaphore, #tpu.memory_space<semaphore_mem>>) src(%dma_wait3A_86 : memref<80x128xf32, #tpu.memory_space<hbm>>) dst(%arg8 : memref<80x128xf32, #tpu.memory_space<vmem>>)
      %mul3A_87 = arith.constant 80 : i32
      %mul3A_88 = arith.muli %add3A_79, %mul3A_87 : i32
      %add3A_89 = arith.addi %add3A_4, %mul3A_88 : i32
      %dma_wait3A_90 = arith.constant 0 : i32
      %dma_wait3A_91 = tpu.memref_slice %arg3[%add3A_89, %dma_wait3A_90] : memref<320000x128xf32, #tpu.memory_space<hbm>> -> memref<80x128xf32, #tpu.memory_space<hbm>>
      %dma_wait3A_92 = arith.constant 0 : i32
      %dma_wait3A_93 = tpu.memref_slice %arg3[%add3A_89, %dma_wait3A_92] : memref<320000x128xf32, #tpu.memory_space<hbm>> -> memref<80x128xf32, #tpu.memory_space<hbm>>
      tpu.wait_dma2 semaphore(%arg17 : memref<!tpu.dma_semaphore, #tpu.memory_space<semaphore_mem>>) src(%dma_wait3A_93 : memref<80x128xf32, #tpu.memory_space<hbm>>) dst(%arg10 : memref<80x128xf32, #tpu.memory_space<vmem>>)
      %mul3A_94 = arith.constant 80 : i32
      %mul3A_95 = arith.muli %add3A_79, %mul3A_94 : i32
      %get3A_96 = arith.constant 0 : index
      %get3A_97 = tpu.vector_load %arg13[%get3A_96] {strides = array<i32>} : memref<16xf32, #tpu.memory_space<vmem>>, vector<16xf32>,
      %get3A_98 = arith.constant 0 : index
      %get3A_99 = tpu.vector_load %arg12[%get3A_98] {strides = array<i32>} : memref<128xf32, #tpu.memory_space<vmem>>, vector<16xf32>,
      %get3A_100 = arith.constant 16 : index
      %get3A_101 = tpu.vector_load %arg12[%get3A_100] {strides = array<i32>} : memref<128xf32, #tpu.memory_space<vmem>>, vector<16xf32>,
      %get3A_102 = arith.constant 32 : index
      %get3A_103 = tpu.vector_load %arg12[%get3A_102] {strides = array<i32>} : memref<128xf32, #tpu.memory_space<vmem>>, vector<16xf32>,
      %get3A_104 = arith.constant 48 : index
      %get3A_105 = tpu.vector_load %arg12[%get3A_104] {strides = array<i32>} : memref<128xf32, #tpu.memory_space<vmem>>, vector<16xf32>,
      %get3A_106 = arith.constant 64 : index
      %get3A_107 = tpu.vector_load %arg12[%get3A_106] {strides = array<i32>} : memref<128xf32, #tpu.memory_space<vmem>>, vector<16xf32>,
      %get3A_108 = arith.constant 80 : index
      %get3A_109 = tpu.vector_load %arg12[%get3A_108] {strides = array<i32>} : memref<128xf32, #tpu.memory_space<vmem>>, vector<16xf32>,
      %get3A_110 = arith.constant 96 : index
      %get3A_111 = tpu.vector_load %arg12[%get3A_110] {strides = array<i32>} : memref<128xf32, #tpu.memory_space<vmem>>, vector<16xf32>,
      %get3A_112 = arith.constant 112 : index
      %get3A_113 = tpu.vector_load %arg12[%get3A_112] {strides = array<i32>} : memref<128xf32, #tpu.memory_space<vmem>>, vector<16xf32>,
      %iota3A_114 = tpu.iota {dimensions = array<i32: 0>} : vector<16xi32>
      %eq3A_115 = arith.constant 15 : i32
      %eq3A_116 = vector.broadcast %eq3A_115 : i32 to vector<16xi32>
      %eq3A_117 = arith.cmpi eq, %iota3A_114, %eq3A_116 : vector<16xi32>
      %parallel_loop3A_118 = arith.constant 0 : i32
      %parallel_loop3A_119 = arith.constant 80 : i32
      %parallel_loop3A_120 = arith.constant 1 : i32
      scf.for %parallel_loop3A_128 = %parallel_loop3A_118 to %parallel_loop3A_119 step %parallel_loop3A_120  : i32 {
        %parallel_loop3A_129 = arith.index_cast %parallel_loop3A_128 : i32 to index
        %parallel_loop3A_130 = arith.constant 0 : index
        %parallel_loop3A_131 = tpu.vector_load %arg10[%parallel_loop3A_129, %parallel_loop3A_130] {strides = array<i32>} : memref<80x128xf32, #tpu.memory_space<vmem>>, vector<16xf32>,
        %parallel_loop3A_132 = arith.index_cast %parallel_loop3A_128 : i32 to index
        %parallel_loop3A_133 = arith.constant 0 : index
        %parallel_loop3A_134 = tpu.vector_load %arg8[%parallel_loop3A_132, %parallel_loop3A_133] {strides = array<i32>} : memref<80x128xf32, #tpu.memory_space<vmem>>, vector<16xf32>,
        %parallel_loop3A_135 = arith.mulf %parallel_loop3A_131, %parallel_loop3A_134 : vector<16xf32>
        %parallel_loop3A_136 = arith.constant 0.000000e+00 : f32
        %parallel_loop3A_137 = vector.broadcast %parallel_loop3A_136 : f32 to vector<16xf32>
        %parallel_loop3A_138 = arith.maximumf %parallel_loop3A_135, %parallel_loop3A_137 : vector<16xf32>
        %parallel_loop3A_139 = arith.mulf %parallel_loop3A_138, %get3A_99 : vector<16xf32>
        %parallel_loop3A_140 = arith.index_cast %parallel_loop3A_128 : i32 to index
        %parallel_loop3A_141 = arith.constant 16 : index
        %parallel_loop3A_142 = tpu.vector_load %arg10[%parallel_loop3A_140, %parallel_loop3A_141] {strides = array<i32>} : memref<80x128xf32, #tpu.memory_space<vmem>>, vector<16xf32>,
        %parallel_loop3A_143 = arith.index_cast %parallel_loop3A_128 : i32 to index
        %parallel_loop3A_144 = arith.constant 16 : index
        %parallel_loop3A_145 = tpu.vector_load %arg8[%parallel_loop3A_143, %parallel_loop3A_144] {strides = array<i32>} : memref<80x128xf32, #tpu.memory_space<vmem>>, vector<16xf32>,
        %parallel_loop3A_146 = arith.mulf %parallel_loop3A_142, %parallel_loop3A_145 : vector<16xf32>
        %parallel_loop3A_147 = arith.constant 0.000000e+00 : f32
        %parallel_loop3A_148 = vector.broadcast %parallel_loop3A_147 : f32 to vector<16xf32>
        %parallel_loop3A_149 = arith.maximumf %parallel_loop3A_146, %parallel_loop3A_148 : vector<16xf32>
        %parallel_loop3A_150 = arith.mulf %parallel_loop3A_149, %get3A_101 : vector<16xf32>
        %parallel_loop3A_151 = arith.index_cast %parallel_loop3A_128 : i32 to index
        %parallel_loop3A_152 = arith.constant 32 : index
        %parallel_loop3A_153 = tpu.vector_load %arg10[%parallel_loop3A_151, %parallel_loop3A_152] {strides = array<i32>} : memref<80x128xf32, #tpu.memory_space<vmem>>, vector<16xf32>,
        %parallel_loop3A_154 = arith.index_cast %parallel_loop3A_128 : i32 to index
        %parallel_loop3A_155 = arith.constant 32 : index
        %parallel_loop3A_156 = tpu.vector_load %arg8[%parallel_loop3A_154, %parallel_loop3A_155] {strides = array<i32>} : memref<80x128xf32, #tpu.memory_space<vmem>>, vector<16xf32>,
        %parallel_loop3A_157 = arith.mulf %parallel_loop3A_153, %parallel_loop3A_156 : vector<16xf32>
        %parallel_loop3A_158 = arith.constant 0.000000e+00 : f32
        %parallel_loop3A_159 = vector.broadcast %parallel_loop3A_158 : f32 to vector<16xf32>
        %parallel_loop3A_160 = arith.maximumf %parallel_loop3A_157, %parallel_loop3A_159 : vector<16xf32>
        %parallel_loop3A_161 = arith.mulf %parallel_loop3A_160, %get3A_103 : vector<16xf32>
        %parallel_loop3A_162 = arith.index_cast %parallel_loop3A_128 : i32 to index
        %parallel_loop3A_163 = arith.constant 48 : index
        %parallel_loop3A_164 = tpu.vector_load %arg10[%parallel_loop3A_162, %parallel_loop3A_163] {strides = array<i32>} : memref<80x128xf32, #tpu.memory_space<vmem>>, vector<16xf32>,
        %parallel_loop3A_165 = arith.index_cast %parallel_loop3A_128 : i32 to index
        %parallel_loop3A_166 = arith.constant 48 : index
        %parallel_loop3A_167 = tpu.vector_load %arg8[%parallel_loop3A_165, %parallel_loop3A_166] {strides = array<i32>} : memref<80x128xf32, #tpu.memory_space<vmem>>, vector<16xf32>,
        %parallel_loop3A_168 = arith.mulf %parallel_loop3A_164, %parallel_loop3A_167 : vector<16xf32>
        %parallel_loop3A_169 = arith.constant 0.000000e+00 : f32
        %parallel_loop3A_170 = vector.broadcast %parallel_loop3A_169 : f32 to vector<16xf32>
        %parallel_loop3A_171 = arith.maximumf %parallel_loop3A_168, %parallel_loop3A_170 : vector<16xf32>
        %parallel_loop3A_172 = arith.mulf %parallel_loop3A_171, %get3A_105 : vector<16xf32>
        %parallel_loop3A_173 = arith.index_cast %parallel_loop3A_128 : i32 to index
        %parallel_loop3A_174 = arith.constant 64 : index
        %parallel_loop3A_175 = tpu.vector_load %arg10[%parallel_loop3A_173, %parallel_loop3A_174] {strides = array<i32>} : memref<80x128xf32, #tpu.memory_space<vmem>>, vector<16xf32>,
        %parallel_loop3A_176 = arith.index_cast %parallel_loop3A_128 : i32 to index
        %parallel_loop3A_177 = arith.constant 64 : index
        %parallel_loop3A_178 = tpu.vector_load %arg8[%parallel_loop3A_176, %parallel_loop3A_177] {strides = array<i32>} : memref<80x128xf32, #tpu.memory_space<vmem>>, vector<16xf32>,
        %parallel_loop3A_179 = arith.mulf %parallel_loop3A_175, %parallel_loop3A_178 : vector<16xf32>
        %parallel_loop3A_180 = arith.constant 0.000000e+00 : f32
        %parallel_loop3A_181 = vector.broadcast %parallel_loop3A_180 : f32 to vector<16xf32>
        %parallel_loop3A_182 = arith.maximumf %parallel_loop3A_179, %parallel_loop3A_181 : vector<16xf32>
        %parallel_loop3A_183 = arith.mulf %parallel_loop3A_182, %get3A_107 : vector<16xf32>
        %parallel_loop3A_184 = arith.index_cast %parallel_loop3A_128 : i32 to index
        %parallel_loop3A_185 = arith.constant 80 : index
        %parallel_loop3A_186 = tpu.vector_load %arg10[%parallel_loop3A_184, %parallel_loop3A_185] {strides = array<i32>} : memref<80x128xf32, #tpu.memory_space<vmem>>, vector<16xf32>,
        %parallel_loop3A_187 = arith.index_cast %parallel_loop3A_128 : i32 to index
        %parallel_loop3A_188 = arith.constant 80 : index
        %parallel_loop3A_189 = tpu.vector_load %arg8[%parallel_loop3A_187, %parallel_loop3A_188] {strides = array<i32>} : memref<80x128xf32, #tpu.memory_space<vmem>>, vector<16xf32>,
        %parallel_loop3A_190 = arith.mulf %parallel_loop3A_186, %parallel_loop3A_189 : vector<16xf32>
        %parallel_loop3A_191 = arith.constant 0.000000e+00 : f32
        %parallel_loop3A_192 = vector.broadcast %parallel_loop3A_191 : f32 to vector<16xf32>
        %parallel_loop3A_193 = arith.maximumf %parallel_loop3A_190, %parallel_loop3A_192 : vector<16xf32>
        %parallel_loop3A_194 = arith.mulf %parallel_loop3A_193, %get3A_109 : vector<16xf32>
        %parallel_loop3A_195 = arith.index_cast %parallel_loop3A_128 : i32 to index
        %parallel_loop3A_196 = arith.constant 96 : index
        %parallel_loop3A_197 = tpu.vector_load %arg10[%parallel_loop3A_195, %parallel_loop3A_196] {strides = array<i32>} : memref<80x128xf32, #tpu.memory_space<vmem>>, vector<16xf32>,
        %parallel_loop3A_198 = arith.index_cast %parallel_loop3A_128 : i32 to index
        %parallel_loop3A_199 = arith.constant 96 : index
        %parallel_loop3A_200 = tpu.vector_load %arg8[%parallel_loop3A_198, %parallel_loop3A_199] {strides = array<i32>} : memref<80x128xf32, #tpu.memory_space<vmem>>, vector<16xf32>,
        %parallel_loop3A_201 = arith.mulf %parallel_loop3A_197, %parallel_loop3A_200 : vector<16xf32>
        %parallel_loop3A_202 = arith.constant 0.000000e+00 : f32
        %parallel_loop3A_203 = vector.broadcast %parallel_loop3A_202 : f32 to vector<16xf32>
        %parallel_loop3A_204 = arith.maximumf %parallel_loop3A_201, %parallel_loop3A_203 : vector<16xf32>
        %parallel_loop3A_205 = arith.mulf %parallel_loop3A_204, %get3A_111 : vector<16xf32>
        %parallel_loop3A_206 = arith.index_cast %parallel_loop3A_128 : i32 to index
        %parallel_loop3A_207 = arith.constant 112 : index
        %parallel_loop3A_208 = tpu.vector_load %arg10[%parallel_loop3A_206, %parallel_loop3A_207] {strides = array<i32>} : memref<80x128xf32, #tpu.memory_space<vmem>>, vector<16xf32>,
        %parallel_loop3A_209 = arith.index_cast %parallel_loop3A_128 : i32 to index
        %parallel_loop3A_210 = arith.constant 112 : index
        %parallel_loop3A_211 = tpu.vector_load %arg8[%parallel_loop3A_209, %parallel_loop3A_210] {strides = array<i32>} : memref<80x128xf32, #tpu.memory_space<vmem>>, vector<16xf32>,
        %parallel_loop3A_212 = arith.mulf %parallel_loop3A_208, %parallel_loop3A_211 : vector<16xf32>
        %parallel_loop3A_213 = arith.constant 0.000000e+00 : f32
        %parallel_loop3A_214 = vector.broadcast %parallel_loop3A_213 : f32 to vector<16xf32>
        %parallel_loop3A_215 = arith.maximumf %parallel_loop3A_212, %parallel_loop3A_214 : vector<16xf32>
        %parallel_loop3A_216 = arith.mulf %parallel_loop3A_215, %get3A_113 : vector<16xf32>
        %parallel_loop3A_217 = arith.addf %parallel_loop3A_139, %parallel_loop3A_150 : vector<16xf32>
        %parallel_loop3A_218 = arith.addf %parallel_loop3A_161, %parallel_loop3A_172 : vector<16xf32>
        %parallel_loop3A_219 = arith.addf %parallel_loop3A_183, %parallel_loop3A_194 : vector<16xf32>
        %parallel_loop3A_220 = arith.addf %parallel_loop3A_205, %parallel_loop3A_216 : vector<16xf32>
        %parallel_loop3A_221 = arith.addf %parallel_loop3A_217, %parallel_loop3A_218 : vector<16xf32>
        %parallel_loop3A_222 = arith.addf %parallel_loop3A_219, %parallel_loop3A_220 : vector<16xf32>
        %parallel_loop3A_223 = arith.addf %parallel_loop3A_221, %parallel_loop3A_222 : vector<16xf32>
        %parallel_loop3A_224 = arith.constant true
        %parallel_loop3A_225 = vector.broadcast %parallel_loop3A_224 : i1 to vector<16xi1>
        %parallel_loop3A_226 = tpu.scan <sum>, %parallel_loop3A_223 masked %parallel_loop3A_225 : vector<16xf32>, vector<16xi1> -> vector<16xf32>
        %parallel_loop3A_227 = arith.addf %parallel_loop3A_226, %get3A_97 : vector<16xf32>
        %parallel_loop3A_228 = arith.addi %mul3A_95, %parallel_loop3A_128 : i32
        %parallel_loop3A_229 = vector.broadcast %parallel_loop3A_228 : i32 to vector<16xi32>
        tpu.vector_store_idx %arg11[%parallel_loop3A_229], %parallel_loop3A_227 masked %eq3A_117 : memref<800xf32, #tpu.memory_space<vmem>>[vector<16xi32>], vector<16xf32>, vector<16xi1>
      } {sc.loop_unroll_factor = 1 : i64, sc.parallel_access}
      %add3A_121 = arith.constant 2 : i32
      %add3A_122 = arith.addi %add3A_79, %add3A_121 : i32
      %lt3A_123 = arith.constant 10 : i32
      %lt3A_124 = arith.cmpi slt, %add3A_122, %lt3A_123 : i32
      %convert_element_type3A_125 = arith.extui %lt3A_124 : i1 to i32
      %cond3A_126 = arith.constant 0 : i32
      %cond3A_127 = arith.cmpi ne, %convert_element_type3A_125, %cond3A_126 : i32
      scf.if %cond3A_127 {
        %add3A_128 = arith.constant 2 : i32
        %add3A_129 = arith.addi %add3A_79, %add3A_128 : i32
        %mul3A_130 = arith.constant 80 : i32
        %mul3A_131 = arith.muli %add3A_129, %mul3A_130 : i32
        %add3A_132 = arith.addi %add3A_4, %mul3A_131 : i32
        %dma_start3A_133 = arith.constant 0 : i32
        %dma_start3A_134 = tpu.memref_slice %arg2[%add3A_132, %dma_start3A_133] : memref<320000x128xf32, #tpu.memory_space<hbm>> -> memref<80x128xf32, #tpu.memory_space<hbm>>
        %dma_start3A_135 = arith.constant 0 : i32
        %dma_start3A_136 = tpu.memref_slice %arg2[%add3A_132, %dma_start3A_135] : memref<320000x128xf32, #tpu.memory_space<hbm>> -> memref<80x128xf32, #tpu.memory_space<hbm>>
        tpu.enqueue_dma source(%dma_start3A_136 : memref<80x128xf32, #tpu.memory_space<hbm>>) target(%arg8 : memref<80x128xf32, #tpu.memory_space<vmem>>) target_semaphore(%arg15 : memref<!tpu.dma_semaphore, #tpu.memory_space<semaphore_mem>>)
        %add3A_137 = arith.constant 2 : i32
        %add3A_138 = arith.addi %add3A_79, %add3A_137 : i32
        %mul3A_139 = arith.constant 80 : i32
        %mul3A_140 = arith.muli %add3A_138, %mul3A_139 : i32
        %add3A_141 = arith.addi %add3A_4, %mul3A_140 : i32
        %dma_start3A_142 = arith.constant 0 : i32
        %dma_start3A_143 = tpu.memref_slice %arg3[%add3A_141, %dma_start3A_142] : memref<320000x128xf32, #tpu.memory_space<hbm>> -> memref<80x128xf32, #tpu.memory_space<hbm>>
        %dma_start3A_144 = arith.constant 0 : i32
        %dma_start3A_145 = tpu.memref_slice %arg3[%add3A_141, %dma_start3A_144] : memref<320000x128xf32, #tpu.memory_space<hbm>> -> memref<80x128xf32, #tpu.memory_space<hbm>>
        tpu.enqueue_dma source(%dma_start3A_145 : memref<80x128xf32, #tpu.memory_space<hbm>>) target(%arg10 : memref<80x128xf32, #tpu.memory_space<vmem>>) target_semaphore(%arg17 : memref<!tpu.dma_semaphore, #tpu.memory_space<semaphore_mem>>)
      } else {
      }
    }
    %scan3A_32 = arith.constant 5 : i32
    %mul3A_33 = arith.constant 800 : i32
    %mul3A_34 = arith.muli %add3A, %mul3A_33 : i32
    "tpu.region"() ({
      %run_scoped3A = tpu.sem_alloc : memref<!tpu.dma_semaphore, #tpu.memory_space<semaphore_mem>>
      %dma_start3A_35 = tpu.memref_slice %arg6[%mul3A_34] : memref<25600xf32, #tpu.memory_space<hbm>> -> memref<800xf32, #tpu.memory_space<hbm>>
      %dma_start3A_36 = tpu.memref_slice %arg6[%mul3A_34] : memref<25600xf32, #tpu.memory_space<hbm>> -> memref<800xf32, #tpu.memory_space<hbm>>
      tpu.enqueue_dma source(%arg11 : memref<800xf32, #tpu.memory_space<vmem>>) target(%dma_start3A_36 : memref<800xf32, #tpu.memory_space<hbm>>) target_semaphore(%run_scoped3A : memref<!tpu.dma_semaphore, #tpu.memory_space<semaphore_mem>>)
      %dma_wait3A = tpu.memref_slice %arg6[%mul3A_34] : memref<25600xf32, #tpu.memory_space<hbm>> -> memref<800xf32, #tpu.memory_space<hbm>>
      %dma_wait3A_37 = tpu.memref_slice %arg6[%mul3A_34] : memref<25600xf32, #tpu.memory_space<hbm>> -> memref<800xf32, #tpu.memory_space<hbm>>
      tpu.wait_dma2 semaphore(%run_scoped3A : memref<!tpu.dma_semaphore, #tpu.memory_space<semaphore_mem>>) src(%arg11 : memref<800xf32, #tpu.memory_space<vmem>>) dst(%dma_wait3A_37 : memref<800xf32, #tpu.memory_space<hbm>>)
      tpu.yield
    }) : () -> ()
    return
  }
}

module attributes {stable_mosaic.version = 14 : i64} {
  func.func @_tc_body(%arg0: memref<320000x128xf32, #tpu.memory_space<hbm>>, %arg1: memref<320000x128xf32, #tpu.memory_space<hbm>>, %arg2: memref<1x128xf32, #tpu.memory_space<vmem>>, %arg3: memref<1x1xf32, #tpu.memory_space<vmem>>, %arg4: memref<115x2560xf32, #tpu.memory_space<hbm>>, %arg5: memref<8x2560x128xf32, #tpu.memory_space<vmem>>, %arg6: memref<8x2560x128xf32, #tpu.memory_space<vmem>>, %arg7: memref<8x1x2560xf32, #tpu.memory_space<vmem>>, %arg8: memref<8x!tpu.dma_semaphore, #tpu.memory_space<semaphore_mem>>, %arg9: memref<8x!tpu.dma_semaphore, #tpu.memory_space<semaphore_mem>>, %arg10: memref<8x!tpu.dma_semaphore, #tpu.memory_space<semaphore_mem>>) attributes {dimension_semantics = [], scalar_prefetch = 0 : i64, scratch_operands = 6 : i64, tpu.core_type = #tpu.core_type<tc>} {
    %get3A = arith.constant 0 : index
    %get3A_0 = arith.constant 0 : index
    %get3A_1 = vector.load %arg2[%get3A, %get3A_0] : memref<1x128xf32, #tpu.memory_space<vmem>>, vector<1x128xf32>
    %get3A_2 = arith.constant 0 : index
    %get3A_3 = arith.constant 0 : index
    %get3A_4 = vector.load %arg3[%get3A_2, %get3A_3] : memref<1x1xf32, #tpu.memory_space<vmem>>, vector<1x1xf32>
    %get3A_5 = vector.extract %get3A_4[0, 0] : f32 from vector<1x1xf32>
    %dma_start3A = arith.constant 0 : i32
    %dma_start3A_6 = arith.constant 0 : i32
    %dma_start3A_7 = tpu.memref_slice %arg8[%dma_start3A_6] : memref<8x!tpu.dma_semaphore, #tpu.memory_space<semaphore_mem>> -> memref<1x!tpu.dma_semaphore, #tpu.memory_space<semaphore_mem>>
    %dma_start3A_8 = tpu.memref_squeeze %dma_start3A_7 : memref<1x!tpu.dma_semaphore, #tpu.memory_space<semaphore_mem>> -> memref<!tpu.dma_semaphore, #tpu.memory_space<semaphore_mem>>
    %dma_start3A_9 = arith.constant 0 : i32
    %dma_start3A_10 = arith.constant 0 : i32
    %dma_start3A_11 = tpu.memref_slice %arg5[%dma_start3A, %dma_start3A_9, %dma_start3A_10] : memref<8x2560x128xf32, #tpu.memory_space<vmem>> -> memref<1x2560x128xf32, #tpu.memory_space<vmem>>
    %dma_start3A_12 = tpu.memref_squeeze %dma_start3A_11 : memref<1x2560x128xf32, #tpu.memory_space<vmem>> -> memref<2560x128xf32, #tpu.memory_space<vmem>>
    %dma_start3A_13 = arith.constant 25600 : i32
    %dma_start3A_14 = arith.constant 0 : i32
    %dma_start3A_15 = tpu.memref_slice %arg0[%dma_start3A_13, %dma_start3A_14] : memref<320000x128xf32, #tpu.memory_space<hbm>> -> memref<2560x128xf32, #tpu.memory_space<hbm>>
    tpu.enqueue_dma source(%dma_start3A_15 : memref<2560x128xf32, #tpu.memory_space<hbm>>) target(%dma_start3A_12 : memref<2560x128xf32, #tpu.memory_space<vmem>>) target_semaphore(%dma_start3A_8 : memref<!tpu.dma_semaphore, #tpu.memory_space<semaphore_mem>>)
    %dma_start3A_16 = arith.constant 0 : i32
    %dma_start3A_17 = arith.constant 0 : i32
    %dma_start3A_18 = tpu.memref_slice %arg9[%dma_start3A_17] : memref<8x!tpu.dma_semaphore, #tpu.memory_space<semaphore_mem>> -> memref<1x!tpu.dma_semaphore, #tpu.memory_space<semaphore_mem>>
    %dma_start3A_19 = tpu.memref_squeeze %dma_start3A_18 : memref<1x!tpu.dma_semaphore, #tpu.memory_space<semaphore_mem>> -> memref<!tpu.dma_semaphore, #tpu.memory_space<semaphore_mem>>
    %dma_start3A_20 = arith.constant 0 : i32
    %dma_start3A_21 = arith.constant 0 : i32
    %dma_start3A_22 = tpu.memref_slice %arg6[%dma_start3A_16, %dma_start3A_20, %dma_start3A_21] : memref<8x2560x128xf32, #tpu.memory_space<vmem>> -> memref<1x2560x128xf32, #tpu.memory_space<vmem>>
    %dma_start3A_23 = tpu.memref_squeeze %dma_start3A_22 : memref<1x2560x128xf32, #tpu.memory_space<vmem>> -> memref<2560x128xf32, #tpu.memory_space<vmem>>
    %dma_start3A_24 = arith.constant 25600 : i32
    %dma_start3A_25 = arith.constant 0 : i32
    %dma_start3A_26 = tpu.memref_slice %arg1[%dma_start3A_24, %dma_start3A_25] : memref<320000x128xf32, #tpu.memory_space<hbm>> -> memref<2560x128xf32, #tpu.memory_space<hbm>>
    tpu.enqueue_dma source(%dma_start3A_26 : memref<2560x128xf32, #tpu.memory_space<hbm>>) target(%dma_start3A_23 : memref<2560x128xf32, #tpu.memory_space<vmem>>) target_semaphore(%dma_start3A_19 : memref<!tpu.dma_semaphore, #tpu.memory_space<semaphore_mem>>)
    %dma_start3A_27 = arith.constant 1 : i32
    %dma_start3A_28 = arith.constant 1 : i32
    %dma_start3A_29 = tpu.memref_slice %arg8[%dma_start3A_28] : memref<8x!tpu.dma_semaphore, #tpu.memory_space<semaphore_mem>> -> memref<1x!tpu.dma_semaphore, #tpu.memory_space<semaphore_mem>>
    %dma_start3A_30 = tpu.memref_squeeze %dma_start3A_29 : memref<1x!tpu.dma_semaphore, #tpu.memory_space<semaphore_mem>> -> memref<!tpu.dma_semaphore, #tpu.memory_space<semaphore_mem>>
    %dma_start3A_31 = arith.constant 0 : i32
    %dma_start3A_32 = arith.constant 0 : i32
    %dma_start3A_33 = tpu.memref_slice %arg5[%dma_start3A_27, %dma_start3A_31, %dma_start3A_32] : memref<8x2560x128xf32, #tpu.memory_space<vmem>> -> memref<1x2560x128xf32, #tpu.memory_space<vmem>>
    %dma_start3A_34 = tpu.memref_squeeze %dma_start3A_33 : memref<1x2560x128xf32, #tpu.memory_space<vmem>> -> memref<2560x128xf32, #tpu.memory_space<vmem>>
    %dma_start3A_35 = arith.constant 28160 : i32
    %dma_start3A_36 = arith.constant 0 : i32
    %dma_start3A_37 = tpu.memref_slice %arg0[%dma_start3A_35, %dma_start3A_36] : memref<320000x128xf32, #tpu.memory_space<hbm>> -> memref<2560x128xf32, #tpu.memory_space<hbm>>
    tpu.enqueue_dma source(%dma_start3A_37 : memref<2560x128xf32, #tpu.memory_space<hbm>>) target(%dma_start3A_34 : memref<2560x128xf32, #tpu.memory_space<vmem>>) target_semaphore(%dma_start3A_30 : memref<!tpu.dma_semaphore, #tpu.memory_space<semaphore_mem>>)
    %dma_start3A_38 = arith.constant 1 : i32
    %dma_start3A_39 = arith.constant 1 : i32
    %dma_start3A_40 = tpu.memref_slice %arg9[%dma_start3A_39] : memref<8x!tpu.dma_semaphore, #tpu.memory_space<semaphore_mem>> -> memref<1x!tpu.dma_semaphore, #tpu.memory_space<semaphore_mem>>
    %dma_start3A_41 = tpu.memref_squeeze %dma_start3A_40 : memref<1x!tpu.dma_semaphore, #tpu.memory_space<semaphore_mem>> -> memref<!tpu.dma_semaphore, #tpu.memory_space<semaphore_mem>>
    %dma_start3A_42 = arith.constant 0 : i32
    %dma_start3A_43 = arith.constant 0 : i32
    %dma_start3A_44 = tpu.memref_slice %arg6[%dma_start3A_38, %dma_start3A_42, %dma_start3A_43] : memref<8x2560x128xf32, #tpu.memory_space<vmem>> -> memref<1x2560x128xf32, #tpu.memory_space<vmem>>
    %dma_start3A_45 = tpu.memref_squeeze %dma_start3A_44 : memref<1x2560x128xf32, #tpu.memory_space<vmem>> -> memref<2560x128xf32, #tpu.memory_space<vmem>>
    %dma_start3A_46 = arith.constant 28160 : i32
    %dma_start3A_47 = arith.constant 0 : i32
    %dma_start3A_48 = tpu.memref_slice %arg1[%dma_start3A_46, %dma_start3A_47] : memref<320000x128xf32, #tpu.memory_space<hbm>> -> memref<2560x128xf32, #tpu.memory_space<hbm>>
    tpu.enqueue_dma source(%dma_start3A_48 : memref<2560x128xf32, #tpu.memory_space<hbm>>) target(%dma_start3A_45 : memref<2560x128xf32, #tpu.memory_space<vmem>>) target_semaphore(%dma_start3A_41 : memref<!tpu.dma_semaphore, #tpu.memory_space<semaphore_mem>>)
    %dma_start3A_49 = arith.constant 2 : i32
    %dma_start3A_50 = arith.constant 2 : i32
    %dma_start3A_51 = tpu.memref_slice %arg8[%dma_start3A_50] : memref<8x!tpu.dma_semaphore, #tpu.memory_space<semaphore_mem>> -> memref<1x!tpu.dma_semaphore, #tpu.memory_space<semaphore_mem>>
    %dma_start3A_52 = tpu.memref_squeeze %dma_start3A_51 : memref<1x!tpu.dma_semaphore, #tpu.memory_space<semaphore_mem>> -> memref<!tpu.dma_semaphore, #tpu.memory_space<semaphore_mem>>
    %dma_start3A_53 = arith.constant 0 : i32
    %dma_start3A_54 = arith.constant 0 : i32
    %dma_start3A_55 = tpu.memref_slice %arg5[%dma_start3A_49, %dma_start3A_53, %dma_start3A_54] : memref<8x2560x128xf32, #tpu.memory_space<vmem>> -> memref<1x2560x128xf32, #tpu.memory_space<vmem>>
    %dma_start3A_56 = tpu.memref_squeeze %dma_start3A_55 : memref<1x2560x128xf32, #tpu.memory_space<vmem>> -> memref<2560x128xf32, #tpu.memory_space<vmem>>
    %dma_start3A_57 = arith.constant 30720 : i32
    %dma_start3A_58 = arith.constant 0 : i32
    %dma_start3A_59 = tpu.memref_slice %arg0[%dma_start3A_57, %dma_start3A_58] : memref<320000x128xf32, #tpu.memory_space<hbm>> -> memref<2560x128xf32, #tpu.memory_space<hbm>>
    tpu.enqueue_dma source(%dma_start3A_59 : memref<2560x128xf32, #tpu.memory_space<hbm>>) target(%dma_start3A_56 : memref<2560x128xf32, #tpu.memory_space<vmem>>) target_semaphore(%dma_start3A_52 : memref<!tpu.dma_semaphore, #tpu.memory_space<semaphore_mem>>)
    %dma_start3A_60 = arith.constant 2 : i32
    %dma_start3A_61 = arith.constant 2 : i32
    %dma_start3A_62 = tpu.memref_slice %arg9[%dma_start3A_61] : memref<8x!tpu.dma_semaphore, #tpu.memory_space<semaphore_mem>> -> memref<1x!tpu.dma_semaphore, #tpu.memory_space<semaphore_mem>>
    %dma_start3A_63 = tpu.memref_squeeze %dma_start3A_62 : memref<1x!tpu.dma_semaphore, #tpu.memory_space<semaphore_mem>> -> memref<!tpu.dma_semaphore, #tpu.memory_space<semaphore_mem>>
    %dma_start3A_64 = arith.constant 0 : i32
    %dma_start3A_65 = arith.constant 0 : i32
    %dma_start3A_66 = tpu.memref_slice %arg6[%dma_start3A_60, %dma_start3A_64, %dma_start3A_65] : memref<8x2560x128xf32, #tpu.memory_space<vmem>> -> memref<1x2560x128xf32, #tpu.memory_space<vmem>>
    %dma_start3A_67 = tpu.memref_squeeze %dma_start3A_66 : memref<1x2560x128xf32, #tpu.memory_space<vmem>> -> memref<2560x128xf32, #tpu.memory_space<vmem>>
    %dma_start3A_68 = arith.constant 30720 : i32
    %dma_start3A_69 = arith.constant 0 : i32
    %dma_start3A_70 = tpu.memref_slice %arg1[%dma_start3A_68, %dma_start3A_69] : memref<320000x128xf32, #tpu.memory_space<hbm>> -> memref<2560x128xf32, #tpu.memory_space<hbm>>
    tpu.enqueue_dma source(%dma_start3A_70 : memref<2560x128xf32, #tpu.memory_space<hbm>>) target(%dma_start3A_67 : memref<2560x128xf32, #tpu.memory_space<vmem>>) target_semaphore(%dma_start3A_63 : memref<!tpu.dma_semaphore, #tpu.memory_space<semaphore_mem>>)
    %dma_start3A_71 = arith.constant 3 : i32
    %dma_start3A_72 = arith.constant 3 : i32
    %dma_start3A_73 = tpu.memref_slice %arg8[%dma_start3A_72] : memref<8x!tpu.dma_semaphore, #tpu.memory_space<semaphore_mem>> -> memref<1x!tpu.dma_semaphore, #tpu.memory_space<semaphore_mem>>
    %dma_start3A_74 = tpu.memref_squeeze %dma_start3A_73 : memref<1x!tpu.dma_semaphore, #tpu.memory_space<semaphore_mem>> -> memref<!tpu.dma_semaphore, #tpu.memory_space<semaphore_mem>>
    %dma_start3A_75 = arith.constant 0 : i32
    %dma_start3A_76 = arith.constant 0 : i32
    %dma_start3A_77 = tpu.memref_slice %arg5[%dma_start3A_71, %dma_start3A_75, %dma_start3A_76] : memref<8x2560x128xf32, #tpu.memory_space<vmem>> -> memref<1x2560x128xf32, #tpu.memory_space<vmem>>
    %dma_start3A_78 = tpu.memref_squeeze %dma_start3A_77 : memref<1x2560x128xf32, #tpu.memory_space<vmem>> -> memref<2560x128xf32, #tpu.memory_space<vmem>>
    %dma_start3A_79 = arith.constant 33280 : i32
    %dma_start3A_80 = arith.constant 0 : i32
    %dma_start3A_81 = tpu.memref_slice %arg0[%dma_start3A_79, %dma_start3A_80] : memref<320000x128xf32, #tpu.memory_space<hbm>> -> memref<2560x128xf32, #tpu.memory_space<hbm>>
    tpu.enqueue_dma source(%dma_start3A_81 : memref<2560x128xf32, #tpu.memory_space<hbm>>) target(%dma_start3A_78 : memref<2560x128xf32, #tpu.memory_space<vmem>>) target_semaphore(%dma_start3A_74 : memref<!tpu.dma_semaphore, #tpu.memory_space<semaphore_mem>>)
    %dma_start3A_82 = arith.constant 3 : i32
    %dma_start3A_83 = arith.constant 3 : i32
    %dma_start3A_84 = tpu.memref_slice %arg9[%dma_start3A_83] : memref<8x!tpu.dma_semaphore, #tpu.memory_space<semaphore_mem>> -> memref<1x!tpu.dma_semaphore, #tpu.memory_space<semaphore_mem>>
    %dma_start3A_85 = tpu.memref_squeeze %dma_start3A_84 : memref<1x!tpu.dma_semaphore, #tpu.memory_space<semaphore_mem>> -> memref<!tpu.dma_semaphore, #tpu.memory_space<semaphore_mem>>
    %dma_start3A_86 = arith.constant 0 : i32
    %dma_start3A_87 = arith.constant 0 : i32
    %dma_start3A_88 = tpu.memref_slice %arg6[%dma_start3A_82, %dma_start3A_86, %dma_start3A_87] : memref<8x2560x128xf32, #tpu.memory_space<vmem>> -> memref<1x2560x128xf32, #tpu.memory_space<vmem>>
    %dma_start3A_89 = tpu.memref_squeeze %dma_start3A_88 : memref<1x2560x128xf32, #tpu.memory_space<vmem>> -> memref<2560x128xf32, #tpu.memory_space<vmem>>
    %dma_start3A_90 = arith.constant 33280 : i32
    %dma_start3A_91 = arith.constant 0 : i32
    %dma_start3A_92 = tpu.memref_slice %arg1[%dma_start3A_90, %dma_start3A_91] : memref<320000x128xf32, #tpu.memory_space<hbm>> -> memref<2560x128xf32, #tpu.memory_space<hbm>>
    tpu.enqueue_dma source(%dma_start3A_92 : memref<2560x128xf32, #tpu.memory_space<hbm>>) target(%dma_start3A_89 : memref<2560x128xf32, #tpu.memory_space<vmem>>) target_semaphore(%dma_start3A_85 : memref<!tpu.dma_semaphore, #tpu.memory_space<semaphore_mem>>)
    %dma_start3A_93 = arith.constant 4 : i32
    %dma_start3A_94 = arith.constant 4 : i32
    %dma_start3A_95 = tpu.memref_slice %arg8[%dma_start3A_94] : memref<8x!tpu.dma_semaphore, #tpu.memory_space<semaphore_mem>> -> memref<1x!tpu.dma_semaphore, #tpu.memory_space<semaphore_mem>>
    %dma_start3A_96 = tpu.memref_squeeze %dma_start3A_95 : memref<1x!tpu.dma_semaphore, #tpu.memory_space<semaphore_mem>> -> memref<!tpu.dma_semaphore, #tpu.memory_space<semaphore_mem>>
    %dma_start3A_97 = arith.constant 0 : i32
    %dma_start3A_98 = arith.constant 0 : i32
    %dma_start3A_99 = tpu.memref_slice %arg5[%dma_start3A_93, %dma_start3A_97, %dma_start3A_98] : memref<8x2560x128xf32, #tpu.memory_space<vmem>> -> memref<1x2560x128xf32, #tpu.memory_space<vmem>>
    %dma_start3A_100 = tpu.memref_squeeze %dma_start3A_99 : memref<1x2560x128xf32, #tpu.memory_space<vmem>> -> memref<2560x128xf32, #tpu.memory_space<vmem>>
    %dma_start3A_101 = arith.constant 35840 : i32
    %dma_start3A_102 = arith.constant 0 : i32
    %dma_start3A_103 = tpu.memref_slice %arg0[%dma_start3A_101, %dma_start3A_102] : memref<320000x128xf32, #tpu.memory_space<hbm>> -> memref<2560x128xf32, #tpu.memory_space<hbm>>
    tpu.enqueue_dma source(%dma_start3A_103 : memref<2560x128xf32, #tpu.memory_space<hbm>>) target(%dma_start3A_100 : memref<2560x128xf32, #tpu.memory_space<vmem>>) target_semaphore(%dma_start3A_96 : memref<!tpu.dma_semaphore, #tpu.memory_space<semaphore_mem>>)
    %dma_start3A_104 = arith.constant 4 : i32
    %dma_start3A_105 = arith.constant 4 : i32
    %dma_start3A_106 = tpu.memref_slice %arg9[%dma_start3A_105] : memref<8x!tpu.dma_semaphore, #tpu.memory_space<semaphore_mem>> -> memref<1x!tpu.dma_semaphore, #tpu.memory_space<semaphore_mem>>
    %dma_start3A_107 = tpu.memref_squeeze %dma_start3A_106 : memref<1x!tpu.dma_semaphore, #tpu.memory_space<semaphore_mem>> -> memref<!tpu.dma_semaphore, #tpu.memory_space<semaphore_mem>>
    %dma_start3A_108 = arith.constant 0 : i32
    %dma_start3A_109 = arith.constant 0 : i32
    %dma_start3A_110 = tpu.memref_slice %arg6[%dma_start3A_104, %dma_start3A_108, %dma_start3A_109] : memref<8x2560x128xf32, #tpu.memory_space<vmem>> -> memref<1x2560x128xf32, #tpu.memory_space<vmem>>
    %dma_start3A_111 = tpu.memref_squeeze %dma_start3A_110 : memref<1x2560x128xf32, #tpu.memory_space<vmem>> -> memref<2560x128xf32, #tpu.memory_space<vmem>>
    %dma_start3A_112 = arith.constant 35840 : i32
    %dma_start3A_113 = arith.constant 0 : i32
    %dma_start3A_114 = tpu.memref_slice %arg1[%dma_start3A_112, %dma_start3A_113] : memref<320000x128xf32, #tpu.memory_space<hbm>> -> memref<2560x128xf32, #tpu.memory_space<hbm>>
    tpu.enqueue_dma source(%dma_start3A_114 : memref<2560x128xf32, #tpu.memory_space<hbm>>) target(%dma_start3A_111 : memref<2560x128xf32, #tpu.memory_space<vmem>>) target_semaphore(%dma_start3A_107 : memref<!tpu.dma_semaphore, #tpu.memory_space<semaphore_mem>>)
    %dma_start3A_115 = arith.constant 5 : i32
    %dma_start3A_116 = arith.constant 5 : i32
    %dma_start3A_117 = tpu.memref_slice %arg8[%dma_start3A_116] : memref<8x!tpu.dma_semaphore, #tpu.memory_space<semaphore_mem>> -> memref<1x!tpu.dma_semaphore, #tpu.memory_space<semaphore_mem>>
    %dma_start3A_118 = tpu.memref_squeeze %dma_start3A_117 : memref<1x!tpu.dma_semaphore, #tpu.memory_space<semaphore_mem>> -> memref<!tpu.dma_semaphore, #tpu.memory_space<semaphore_mem>>
    %dma_start3A_119 = arith.constant 0 : i32
    %dma_start3A_120 = arith.constant 0 : i32
    %dma_start3A_121 = tpu.memref_slice %arg5[%dma_start3A_115, %dma_start3A_119, %dma_start3A_120] : memref<8x2560x128xf32, #tpu.memory_space<vmem>> -> memref<1x2560x128xf32, #tpu.memory_space<vmem>>
    %dma_start3A_122 = tpu.memref_squeeze %dma_start3A_121 : memref<1x2560x128xf32, #tpu.memory_space<vmem>> -> memref<2560x128xf32, #tpu.memory_space<vmem>>
    %dma_start3A_123 = arith.constant 38400 : i32
    %dma_start3A_124 = arith.constant 0 : i32
    %dma_start3A_125 = tpu.memref_slice %arg0[%dma_start3A_123, %dma_start3A_124] : memref<320000x128xf32, #tpu.memory_space<hbm>> -> memref<2560x128xf32, #tpu.memory_space<hbm>>
    tpu.enqueue_dma source(%dma_start3A_125 : memref<2560x128xf32, #tpu.memory_space<hbm>>) target(%dma_start3A_122 : memref<2560x128xf32, #tpu.memory_space<vmem>>) target_semaphore(%dma_start3A_118 : memref<!tpu.dma_semaphore, #tpu.memory_space<semaphore_mem>>)
    %dma_start3A_126 = arith.constant 5 : i32
    %dma_start3A_127 = arith.constant 5 : i32
    %dma_start3A_128 = tpu.memref_slice %arg9[%dma_start3A_127] : memref<8x!tpu.dma_semaphore, #tpu.memory_space<semaphore_mem>> -> memref<1x!tpu.dma_semaphore, #tpu.memory_space<semaphore_mem>>
    %dma_start3A_129 = tpu.memref_squeeze %dma_start3A_128 : memref<1x!tpu.dma_semaphore, #tpu.memory_space<semaphore_mem>> -> memref<!tpu.dma_semaphore, #tpu.memory_space<semaphore_mem>>
    %dma_start3A_130 = arith.constant 0 : i32
    %dma_start3A_131 = arith.constant 0 : i32
    %dma_start3A_132 = tpu.memref_slice %arg6[%dma_start3A_126, %dma_start3A_130, %dma_start3A_131] : memref<8x2560x128xf32, #tpu.memory_space<vmem>> -> memref<1x2560x128xf32, #tpu.memory_space<vmem>>
    %dma_start3A_133 = tpu.memref_squeeze %dma_start3A_132 : memref<1x2560x128xf32, #tpu.memory_space<vmem>> -> memref<2560x128xf32, #tpu.memory_space<vmem>>
    %dma_start3A_134 = arith.constant 38400 : i32
    %dma_start3A_135 = arith.constant 0 : i32
    %dma_start3A_136 = tpu.memref_slice %arg1[%dma_start3A_134, %dma_start3A_135] : memref<320000x128xf32, #tpu.memory_space<hbm>> -> memref<2560x128xf32, #tpu.memory_space<hbm>>
    tpu.enqueue_dma source(%dma_start3A_136 : memref<2560x128xf32, #tpu.memory_space<hbm>>) target(%dma_start3A_133 : memref<2560x128xf32, #tpu.memory_space<vmem>>) target_semaphore(%dma_start3A_129 : memref<!tpu.dma_semaphore, #tpu.memory_space<semaphore_mem>>)
    %dma_start3A_137 = arith.constant 6 : i32
    %dma_start3A_138 = arith.constant 6 : i32
    %dma_start3A_139 = tpu.memref_slice %arg8[%dma_start3A_138] : memref<8x!tpu.dma_semaphore, #tpu.memory_space<semaphore_mem>> -> memref<1x!tpu.dma_semaphore, #tpu.memory_space<semaphore_mem>>
    %dma_start3A_140 = tpu.memref_squeeze %dma_start3A_139 : memref<1x!tpu.dma_semaphore, #tpu.memory_space<semaphore_mem>> -> memref<!tpu.dma_semaphore, #tpu.memory_space<semaphore_mem>>
    %dma_start3A_141 = arith.constant 0 : i32
    %dma_start3A_142 = arith.constant 0 : i32
    %dma_start3A_143 = tpu.memref_slice %arg5[%dma_start3A_137, %dma_start3A_141, %dma_start3A_142] : memref<8x2560x128xf32, #tpu.memory_space<vmem>> -> memref<1x2560x128xf32, #tpu.memory_space<vmem>>
    %dma_start3A_144 = tpu.memref_squeeze %dma_start3A_143 : memref<1x2560x128xf32, #tpu.memory_space<vmem>> -> memref<2560x128xf32, #tpu.memory_space<vmem>>
    %dma_start3A_145 = arith.constant 40960 : i32
    %dma_start3A_146 = arith.constant 0 : i32
    %dma_start3A_147 = tpu.memref_slice %arg0[%dma_start3A_145, %dma_start3A_146] : memref<320000x128xf32, #tpu.memory_space<hbm>> -> memref<2560x128xf32, #tpu.memory_space<hbm>>
    tpu.enqueue_dma source(%dma_start3A_147 : memref<2560x128xf32, #tpu.memory_space<hbm>>) target(%dma_start3A_144 : memref<2560x128xf32, #tpu.memory_space<vmem>>) target_semaphore(%dma_start3A_140 : memref<!tpu.dma_semaphore, #tpu.memory_space<semaphore_mem>>)
    %dma_start3A_148 = arith.constant 6 : i32
    %dma_start3A_149 = arith.constant 6 : i32
    %dma_start3A_150 = tpu.memref_slice %arg9[%dma_start3A_149] : memref<8x!tpu.dma_semaphore, #tpu.memory_space<semaphore_mem>> -> memref<1x!tpu.dma_semaphore, #tpu.memory_space<semaphore_mem>>
    %dma_start3A_151 = tpu.memref_squeeze %dma_start3A_150 : memref<1x!tpu.dma_semaphore, #tpu.memory_space<semaphore_mem>> -> memref<!tpu.dma_semaphore, #tpu.memory_space<semaphore_mem>>
    %dma_start3A_152 = arith.constant 0 : i32
    %dma_start3A_153 = arith.constant 0 : i32
    %dma_start3A_154 = tpu.memref_slice %arg6[%dma_start3A_148, %dma_start3A_152, %dma_start3A_153] : memref<8x2560x128xf32, #tpu.memory_space<vmem>> -> memref<1x2560x128xf32, #tpu.memory_space<vmem>>
    %dma_start3A_155 = tpu.memref_squeeze %dma_start3A_154 : memref<1x2560x128xf32, #tpu.memory_space<vmem>> -> memref<2560x128xf32, #tpu.memory_space<vmem>>
    %dma_start3A_156 = arith.constant 40960 : i32
    %dma_start3A_157 = arith.constant 0 : i32
    %dma_start3A_158 = tpu.memref_slice %arg1[%dma_start3A_156, %dma_start3A_157] : memref<320000x128xf32, #tpu.memory_space<hbm>> -> memref<2560x128xf32, #tpu.memory_space<hbm>>
    tpu.enqueue_dma source(%dma_start3A_158 : memref<2560x128xf32, #tpu.memory_space<hbm>>) target(%dma_start3A_155 : memref<2560x128xf32, #tpu.memory_space<vmem>>) target_semaphore(%dma_start3A_151 : memref<!tpu.dma_semaphore, #tpu.memory_space<semaphore_mem>>)
    %dma_start3A_159 = arith.constant 7 : i32
    %dma_start3A_160 = arith.constant 7 : i32
    %dma_start3A_161 = tpu.memref_slice %arg8[%dma_start3A_160] : memref<8x!tpu.dma_semaphore, #tpu.memory_space<semaphore_mem>> -> memref<1x!tpu.dma_semaphore, #tpu.memory_space<semaphore_mem>>
    %dma_start3A_162 = tpu.memref_squeeze %dma_start3A_161 : memref<1x!tpu.dma_semaphore, #tpu.memory_space<semaphore_mem>> -> memref<!tpu.dma_semaphore, #tpu.memory_space<semaphore_mem>>
    %dma_start3A_163 = arith.constant 0 : i32
    %dma_start3A_164 = arith.constant 0 : i32
    %dma_start3A_165 = tpu.memref_slice %arg5[%dma_start3A_159, %dma_start3A_163, %dma_start3A_164] : memref<8x2560x128xf32, #tpu.memory_space<vmem>> -> memref<1x2560x128xf32, #tpu.memory_space<vmem>>
    %dma_start3A_166 = tpu.memref_squeeze %dma_start3A_165 : memref<1x2560x128xf32, #tpu.memory_space<vmem>> -> memref<2560x128xf32, #tpu.memory_space<vmem>>
    %dma_start3A_167 = arith.constant 43520 : i32
    %dma_start3A_168 = arith.constant 0 : i32
    %dma_start3A_169 = tpu.memref_slice %arg0[%dma_start3A_167, %dma_start3A_168] : memref<320000x128xf32, #tpu.memory_space<hbm>> -> memref<2560x128xf32, #tpu.memory_space<hbm>>
    tpu.enqueue_dma source(%dma_start3A_169 : memref<2560x128xf32, #tpu.memory_space<hbm>>) target(%dma_start3A_166 : memref<2560x128xf32, #tpu.memory_space<vmem>>) target_semaphore(%dma_start3A_162 : memref<!tpu.dma_semaphore, #tpu.memory_space<semaphore_mem>>)
    %dma_start3A_170 = arith.constant 7 : i32
    %dma_start3A_171 = arith.constant 7 : i32
    %dma_start3A_172 = tpu.memref_slice %arg9[%dma_start3A_171] : memref<8x!tpu.dma_semaphore, #tpu.memory_space<semaphore_mem>> -> memref<1x!tpu.dma_semaphore, #tpu.memory_space<semaphore_mem>>
    %dma_start3A_173 = tpu.memref_squeeze %dma_start3A_172 : memref<1x!tpu.dma_semaphore, #tpu.memory_space<semaphore_mem>> -> memref<!tpu.dma_semaphore, #tpu.memory_space<semaphore_mem>>
    %dma_start3A_174 = arith.constant 0 : i32
    %dma_start3A_175 = arith.constant 0 : i32
    %dma_start3A_176 = tpu.memref_slice %arg6[%dma_start3A_170, %dma_start3A_174, %dma_start3A_175] : memref<8x2560x128xf32, #tpu.memory_space<vmem>> -> memref<1x2560x128xf32, #tpu.memory_space<vmem>>
    %dma_start3A_177 = tpu.memref_squeeze %dma_start3A_176 : memref<1x2560x128xf32, #tpu.memory_space<vmem>> -> memref<2560x128xf32, #tpu.memory_space<vmem>>
    %dma_start3A_178 = arith.constant 43520 : i32
    %dma_start3A_179 = arith.constant 0 : i32
    %dma_start3A_180 = tpu.memref_slice %arg1[%dma_start3A_178, %dma_start3A_179] : memref<320000x128xf32, #tpu.memory_space<hbm>> -> memref<2560x128xf32, #tpu.memory_space<hbm>>
    tpu.enqueue_dma source(%dma_start3A_180 : memref<2560x128xf32, #tpu.memory_space<hbm>>) target(%dma_start3A_177 : memref<2560x128xf32, #tpu.memory_space<vmem>>) target_semaphore(%dma_start3A_173 : memref<!tpu.dma_semaphore, #tpu.memory_space<semaphore_mem>>)
    %scan3A = arith.constant 0 : i32
    %scan3A_181 = arith.constant 14 : i32
    %scan3A_182 = arith.addi %scan3A, %scan3A_181 : i32
    %scan3A_183 = arith.constant 1 : i32
    scf.for %scan3A_471 = %scan3A to %scan3A_182 step %scan3A_183  : i32 {
      %mul3A_472 = arith.constant 8 : i32
      %mul3A_473 = arith.muli %scan3A_471, %mul3A_472 : i32
      %add3A_474 = arith.constant 0 : i32
      %add3A_475 = arith.addi %mul3A_473, %add3A_474 : i32
      %mul3A_476 = arith.constant 2560 : i32
      %mul3A_477 = arith.muli %add3A_475, %mul3A_476 : i32
      %add3A_478 = arith.constant 25600 : i32
      %add3A_479 = arith.addi %add3A_478, %mul3A_477 : i32
      %dma_wait3A_480 = arith.constant 0 : i32
      %dma_wait3A_481 = arith.constant 0 : i32
      %dma_wait3A_482 = tpu.memref_slice %arg8[%dma_wait3A_481] : memref<8x!tpu.dma_semaphore, #tpu.memory_space<semaphore_mem>> -> memref<1x!tpu.dma_semaphore, #tpu.memory_space<semaphore_mem>>
      %dma_wait3A_483 = tpu.memref_squeeze %dma_wait3A_482 : memref<1x!tpu.dma_semaphore, #tpu.memory_space<semaphore_mem>> -> memref<!tpu.dma_semaphore, #tpu.memory_space<semaphore_mem>>
      %dma_wait3A_484 = arith.constant 0 : i32
      %dma_wait3A_485 = arith.constant 0 : i32
      %dma_wait3A_486 = tpu.memref_slice %arg5[%dma_wait3A_480, %dma_wait3A_484, %dma_wait3A_485] : memref<8x2560x128xf32, #tpu.memory_space<vmem>> -> memref<1x2560x128xf32, #tpu.memory_space<vmem>>
      %dma_wait3A_487 = tpu.memref_squeeze %dma_wait3A_486 : memref<1x2560x128xf32, #tpu.memory_space<vmem>> -> memref<2560x128xf32, #tpu.memory_space<vmem>>
      %dma_wait3A_488 = arith.constant 0 : i32
      %dma_wait3A_489 = tpu.memref_slice %arg0[%add3A_479, %dma_wait3A_488] : memref<320000x128xf32, #tpu.memory_space<hbm>> -> memref<2560x128xf32, #tpu.memory_space<hbm>>
      tpu.wait_dma2 semaphore(%dma_wait3A_483 : memref<!tpu.dma_semaphore, #tpu.memory_space<semaphore_mem>>) src(%dma_wait3A_489 : memref<2560x128xf32, #tpu.memory_space<hbm>>) dst(%dma_wait3A_487 : memref<2560x128xf32, #tpu.memory_space<vmem>>)
      %mul3A_490 = arith.constant 2560 : i32
      %mul3A_491 = arith.muli %add3A_475, %mul3A_490 : i32
      %add3A_492 = arith.constant 25600 : i32
      %add3A_493 = arith.addi %add3A_492, %mul3A_491 : i32
      %dma_wait3A_494 = arith.constant 0 : i32
      %dma_wait3A_495 = arith.constant 0 : i32
      %dma_wait3A_496 = tpu.memref_slice %arg9[%dma_wait3A_495] : memref<8x!tpu.dma_semaphore, #tpu.memory_space<semaphore_mem>> -> memref<1x!tpu.dma_semaphore, #tpu.memory_space<semaphore_mem>>
      %dma_wait3A_497 = tpu.memref_squeeze %dma_wait3A_496 : memref<1x!tpu.dma_semaphore, #tpu.memory_space<semaphore_mem>> -> memref<!tpu.dma_semaphore, #tpu.memory_space<semaphore_mem>>
      %dma_wait3A_498 = arith.constant 0 : i32
      %dma_wait3A_499 = arith.constant 0 : i32
      %dma_wait3A_500 = tpu.memref_slice %arg6[%dma_wait3A_494, %dma_wait3A_498, %dma_wait3A_499] : memref<8x2560x128xf32, #tpu.memory_space<vmem>> -> memref<1x2560x128xf32, #tpu.memory_space<vmem>>
      %dma_wait3A_501 = tpu.memref_squeeze %dma_wait3A_500 : memref<1x2560x128xf32, #tpu.memory_space<vmem>> -> memref<2560x128xf32, #tpu.memory_space<vmem>>
      %dma_wait3A_502 = arith.constant 0 : i32
      %dma_wait3A_503 = tpu.memref_slice %arg1[%add3A_493, %dma_wait3A_502] : memref<320000x128xf32, #tpu.memory_space<hbm>> -> memref<2560x128xf32, #tpu.memory_space<hbm>>
      tpu.wait_dma2 semaphore(%dma_wait3A_497 : memref<!tpu.dma_semaphore, #tpu.memory_space<semaphore_mem>>) src(%dma_wait3A_503 : memref<2560x128xf32, #tpu.memory_space<hbm>>) dst(%dma_wait3A_501 : memref<2560x128xf32, #tpu.memory_space<vmem>>)
      %get3A_504 = arith.constant 0 : index
      %get3A_505 = arith.constant 0 : index
      %get3A_506 = arith.constant 0 : index
      %get3A_507 = vector.load %arg6[%get3A_504, %get3A_505, %get3A_506] : memref<8x2560x128xf32, #tpu.memory_space<vmem>>, vector<1x2560x128xf32>
      %get3A_508 = vector.shape_cast %get3A_507 : vector<1x2560x128xf32> to vector<2560x128xf32>
      %get3A_509 = arith.constant 0 : index
      %get3A_510 = arith.constant 0 : index
      %get3A_511 = arith.constant 0 : index
      %get3A_512 = vector.load %arg5[%get3A_509, %get3A_510, %get3A_511] : memref<8x2560x128xf32, #tpu.memory_space<vmem>>, vector<1x2560x128xf32>
      %get3A_513 = vector.shape_cast %get3A_512 : vector<1x2560x128xf32> to vector<2560x128xf32>
      %mul3A_514 = arith.mulf %get3A_508, %get3A_513 : vector<2560x128xf32>
      %max3A_515 = arith.constant 0.000000e+00 : f32
      %max3A_516 = vector.broadcast %max3A_515 : f32 to vector<2560x128xf32>
      %max3A_517 = arith.maximumf %mul3A_514, %max3A_516 : vector<2560x128xf32>
      %dot_general3A_518 = arith.constant dense<0.000000e+00> : vector<1x2560xf32>
      %dot_general3A_519 = tpu.matmul %get3A_1, %max3A_517, %dot_general3A_518 {dimension_numbers = #tpu.dot_dimension_numbers<[1], [1], [0], [0], [0, 0, 1, 0], [], []>, transpose_lhs_hint = false} : vector<1x128xf32>, vector<2560x128xf32>, vector<1x2560xf32> -> vector<1x2560xf32>
      %add3A_520 = vector.broadcast %get3A_5 : f32 to vector<1x2560xf32>
      %add3A_521 = arith.addf %dot_general3A_519, %add3A_520 : vector<1x2560xf32>
      %gt3A = arith.constant 0 : i32
      %gt3A_522 = arith.cmpi sgt, %scan3A_471, %gt3A : i32
      %convert_element_type3A = arith.extui %gt3A_522 : i1 to i32
      %cond3A = arith.constant 0 : i32
      %cond3A_523 = arith.cmpi ne, %convert_element_type3A, %cond3A : i32
      scf.if %cond3A_523 {
        %sub3A = arith.constant 8 : i32
        %sub3A_1092 = arith.subi %add3A_475, %sub3A : i32
        %dma_wait3A_1093 = arith.constant 0 : i32
        %dma_wait3A_1094 = arith.constant 0 : i32
        %dma_wait3A_1095 = tpu.memref_slice %arg10[%dma_wait3A_1094] : memref<8x!tpu.dma_semaphore, #tpu.memory_space<semaphore_mem>> -> memref<1x!tpu.dma_semaphore, #tpu.memory_space<semaphore_mem>>
        %dma_wait3A_1096 = tpu.memref_squeeze %dma_wait3A_1095 : memref<1x!tpu.dma_semaphore, #tpu.memory_space<semaphore_mem>> -> memref<!tpu.dma_semaphore, #tpu.memory_space<semaphore_mem>>
        %dma_wait3A_1097 = arith.constant 0 : i32
        %dma_wait3A_1098 = tpu.memref_slice %arg4[%sub3A_1092, %dma_wait3A_1097] : memref<115x2560xf32, #tpu.memory_space<hbm>> -> memref<1x2560xf32, #tpu.memory_space<hbm>>
        %dma_wait3A_1099 = arith.constant 0 : i32
        %dma_wait3A_1100 = arith.constant 0 : i32
        %dma_wait3A_1101 = tpu.memref_slice %arg7[%dma_wait3A_1093, %dma_wait3A_1099, %dma_wait3A_1100] : memref<8x1x2560xf32, #tpu.memory_space<vmem>> -> memref<1x1x2560xf32, #tpu.memory_space<vmem>>
        %dma_wait3A_1102 = tpu.memref_squeeze %dma_wait3A_1101 : memref<1x1x2560xf32, #tpu.memory_space<vmem>> -> memref<1x2560xf32, #tpu.memory_space<vmem>>
        tpu.wait_dma2 semaphore(%dma_wait3A_1096 : memref<!tpu.dma_semaphore, #tpu.memory_space<semaphore_mem>>) src(%dma_wait3A_1102 : memref<1x2560xf32, #tpu.memory_space<vmem>>) dst(%dma_wait3A_1098 : memref<1x2560xf32, #tpu.memory_space<hbm>>)
      } else {
      }
      %swap3A_524 = arith.constant 0 : index
      %swap3A_525 = arith.constant 0 : index
      %swap3A_526 = arith.constant 0 : index
      %swap3A_527 = vector.load %arg7[%swap3A_524, %swap3A_525, %swap3A_526] : memref<8x1x2560xf32, #tpu.memory_space<vmem>>, vector<1x1x2560xf32>
      %swap3A_528 = vector.shape_cast %swap3A_527 : vector<1x1x2560xf32> to vector<1x2560xf32>
      %swap3A_529 = vector.shape_cast %add3A_521 : vector<1x2560xf32> to vector<1x1x2560xf32>
      tpu.vector_store %arg7[%swap3A_524, %swap3A_525, %swap3A_526], %swap3A_529 {strides = array<i32>} : memref<8x1x2560xf32, #tpu.memory_space<vmem>>, vector<1x1x2560xf32>,
      %add3A_530 = arith.constant 8 : i32
      %add3A_531 = arith.addi %add3A_475, %add3A_530 : i32
      %lt3A = arith.constant 115 : i32
      %lt3A_532 = arith.cmpi slt, %add3A_531, %lt3A : i32
      %convert_element_type3A_533 = arith.extui %lt3A_532 : i1 to i32
      %cond3A_534 = arith.constant 0 : i32
      %cond3A_535 = arith.cmpi ne, %convert_element_type3A_533, %cond3A_534 : i32
      scf.if %cond3A_535 {
        %add3A_1092 = arith.constant 8 : i32
        %add3A_1093 = arith.addi %add3A_475, %add3A_1092 : i32
        %mul3A_1094 = arith.constant 2560 : i32
        %mul3A_1095 = arith.muli %add3A_1093, %mul3A_1094 : i32
        %add3A_1096 = arith.constant 25600 : i32
        %add3A_1097 = arith.addi %add3A_1096, %mul3A_1095 : i32
        %dma_start3A_1098 = arith.constant 0 : i32
        %dma_start3A_1099 = arith.constant 0 : i32
        %dma_start3A_1100 = tpu.memref_slice %arg8[%dma_start3A_1099] : memref<8x!tpu.dma_semaphore, #tpu.memory_space<semaphore_mem>> -> memref<1x!tpu.dma_semaphore, #tpu.memory_space<semaphore_mem>>
        %dma_start3A_1101 = tpu.memref_squeeze %dma_start3A_1100 : memref<1x!tpu.dma_semaphore, #tpu.memory_space<semaphore_mem>> -> memref<!tpu.dma_semaphore, #tpu.memory_space<semaphore_mem>>
        %dma_start3A_1102 = arith.constant 0 : i32
        %dma_start3A_1103 = arith.constant 0 : i32
        %dma_start3A_1104 = tpu.memref_slice %arg5[%dma_start3A_1098, %dma_start3A_1102, %dma_start3A_1103] : memref<8x2560x128xf32, #tpu.memory_space<vmem>> -> memref<1x2560x128xf32, #tpu.memory_space<vmem>>
        %dma_start3A_1105 = tpu.memref_squeeze %dma_start3A_1104 : memref<1x2560x128xf32, #tpu.memory_space<vmem>> -> memref<2560x128xf32, #tpu.memory_space<vmem>>
        %dma_start3A_1106 = arith.constant 0 : i32
        %dma_start3A_1107 = tpu.memref_slice %arg0[%add3A_1097, %dma_start3A_1106] : memref<320000x128xf32, #tpu.memory_space<hbm>> -> memref<2560x128xf32, #tpu.memory_space<hbm>>
        tpu.enqueue_dma source(%dma_start3A_1107 : memref<2560x128xf32, #tpu.memory_space<hbm>>) target(%dma_start3A_1105 : memref<2560x128xf32, #tpu.memory_space<vmem>>) target_semaphore(%dma_start3A_1101 : memref<!tpu.dma_semaphore, #tpu.memory_space<semaphore_mem>>)
        %add3A_1108 = arith.constant 8 : i32
        %add3A_1109 = arith.addi %add3A_475, %add3A_1108 : i32
        %mul3A_1110 = arith.constant 2560 : i32
        %mul3A_1111 = arith.muli %add3A_1109, %mul3A_1110 : i32
        %add3A_1112 = arith.constant 25600 : i32
        %add3A_1113 = arith.addi %add3A_1112, %mul3A_1111 : i32
        %dma_start3A_1114 = arith.constant 0 : i32
        %dma_start3A_1115 = arith.constant 0 : i32
        %dma_start3A_1116 = tpu.memref_slice %arg9[%dma_start3A_1115] : memref<8x!tpu.dma_semaphore, #tpu.memory_space<semaphore_mem>> -> memref<1x!tpu.dma_semaphore, #tpu.memory_space<semaphore_mem>>
        %dma_start3A_1117 = tpu.memref_squeeze %dma_start3A_1116 : memref<1x!tpu.dma_semaphore, #tpu.memory_space<semaphore_mem>> -> memref<!tpu.dma_semaphore, #tpu.memory_space<semaphore_mem>>
        %dma_start3A_1118 = arith.constant 0 : i32
        %dma_start3A_1119 = arith.constant 0 : i32
        %dma_start3A_1120 = tpu.memref_slice %arg6[%dma_start3A_1114, %dma_start3A_1118, %dma_start3A_1119] : memref<8x2560x128xf32, #tpu.memory_space<vmem>> -> memref<1x2560x128xf32, #tpu.memory_space<vmem>>
        %dma_start3A_1121 = tpu.memref_squeeze %dma_start3A_1120 : memref<1x2560x128xf32, #tpu.memory_space<vmem>> -> memref<2560x128xf32, #tpu.memory_space<vmem>>
        %dma_start3A_1122 = arith.constant 0 : i32
        %dma_start3A_1123 = tpu.memref_slice %arg1[%add3A_1113, %dma_start3A_1122] : memref<320000x128xf32, #tpu.memory_space<hbm>> -> memref<2560x128xf32, #tpu.memory_space<hbm>>
        tpu.enqueue_dma source(%dma_start3A_1123 : memref<2560x128xf32, #tpu.memory_space<hbm>>) target(%dma_start3A_1121 : memref<2560x128xf32, #tpu.memory_space<vmem>>) target_semaphore(%dma_start3A_1117 : memref<!tpu.dma_semaphore, #tpu.memory_space<semaphore_mem>>)
      } else {
      }
      %dma_start3A_536 = arith.constant 0 : i32
      %dma_start3A_537 = arith.constant 0 : i32
      %dma_start3A_538 = tpu.memref_slice %arg10[%dma_start3A_537] : memref<8x!tpu.dma_semaphore, #tpu.memory_space<semaphore_mem>> -> memref<1x!tpu.dma_semaphore, #tpu.memory_space<semaphore_mem>>
      %dma_start3A_539 = tpu.memref_squeeze %dma_start3A_538 : memref<1x!tpu.dma_semaphore, #tpu.memory_space<semaphore_mem>> -> memref<!tpu.dma_semaphore, #tpu.memory_space<semaphore_mem>>
      %dma_start3A_540 = arith.constant 0 : i32
      %dma_start3A_541 = tpu.memref_slice %arg4[%add3A_475, %dma_start3A_540] : memref<115x2560xf32, #tpu.memory_space<hbm>> -> memref<1x2560xf32, #tpu.memory_space<hbm>>
      %dma_start3A_542 = arith.constant 0 : i32
      %dma_start3A_543 = arith.constant 0 : i32
      %dma_start3A_544 = tpu.memref_slice %arg7[%dma_start3A_536, %dma_start3A_542, %dma_start3A_543] : memref<8x1x2560xf32, #tpu.memory_space<vmem>> -> memref<1x1x2560xf32, #tpu.memory_space<vmem>>
      %dma_start3A_545 = tpu.memref_squeeze %dma_start3A_544 : memref<1x1x2560xf32, #tpu.memory_space<vmem>> -> memref<1x2560xf32, #tpu.memory_space<vmem>>
      tpu.enqueue_dma source(%dma_start3A_545 : memref<1x2560xf32, #tpu.memory_space<vmem>>) target(%dma_start3A_541 : memref<1x2560xf32, #tpu.memory_space<hbm>>) target_semaphore(%dma_start3A_539 : memref<!tpu.dma_semaphore, #tpu.memory_space<semaphore_mem>>)
      %mul3A_546 = arith.constant 8 : i32
      %mul3A_547 = arith.muli %scan3A_471, %mul3A_546 : i32
      %add3A_548 = arith.constant 1 : i32
      %add3A_549 = arith.addi %mul3A_547, %add3A_548 : i32
      %mul3A_550 = arith.constant 2560 : i32
      %mul3A_551 = arith.muli %add3A_549, %mul3A_550 : i32
      %add3A_552 = arith.constant 25600 : i32
      %add3A_553 = arith.addi %add3A_552, %mul3A_551 : i32
      %dma_wait3A_554 = arith.constant 1 : i32
      %dma_wait3A_555 = arith.constant 1 : i32
      %dma_wait3A_556 = tpu.memref_slice %arg8[%dma_wait3A_555] : memref<8x!tpu.dma_semaphore, #tpu.memory_space<semaphore_mem>> -> memref<1x!tpu.dma_semaphore, #tpu.memory_space<semaphore_mem>>
      %dma_wait3A_557 = tpu.memref_squeeze %dma_wait3A_556 : memref<1x!tpu.dma_semaphore, #tpu.memory_space<semaphore_mem>> -> memref<!tpu.dma_semaphore, #tpu.memory_space<semaphore_mem>>
      %dma_wait3A_558 = arith.constant 0 : i32
      %dma_wait3A_559 = arith.constant 0 : i32
      %dma_wait3A_560 = tpu.memref_slice %arg5[%dma_wait3A_554, %dma_wait3A_558, %dma_wait3A_559] : memref<8x2560x128xf32, #tpu.memory_space<vmem>> -> memref<1x2560x128xf32, #tpu.memory_space<vmem>>
      %dma_wait3A_561 = tpu.memref_squeeze %dma_wait3A_560 : memref<1x2560x128xf32, #tpu.memory_space<vmem>> -> memref<2560x128xf32, #tpu.memory_space<vmem>>
      %dma_wait3A_562 = arith.constant 0 : i32
      %dma_wait3A_563 = tpu.memref_slice %arg0[%add3A_553, %dma_wait3A_562] : memref<320000x128xf32, #tpu.memory_space<hbm>> -> memref<2560x128xf32, #tpu.memory_space<hbm>>
      tpu.wait_dma2 semaphore(%dma_wait3A_557 : memref<!tpu.dma_semaphore, #tpu.memory_space<semaphore_mem>>) src(%dma_wait3A_563 : memref<2560x128xf32, #tpu.memory_space<hbm>>) dst(%dma_wait3A_561 : memref<2560x128xf32, #tpu.memory_space<vmem>>)
      %mul3A_564 = arith.constant 2560 : i32
      %mul3A_565 = arith.muli %add3A_549, %mul3A_564 : i32
      %add3A_566 = arith.constant 25600 : i32
      %add3A_567 = arith.addi %add3A_566, %mul3A_565 : i32
      %dma_wait3A_568 = arith.constant 1 : i32
      %dma_wait3A_569 = arith.constant 1 : i32
      %dma_wait3A_570 = tpu.memref_slice %arg9[%dma_wait3A_569] : memref<8x!tpu.dma_semaphore, #tpu.memory_space<semaphore_mem>> -> memref<1x!tpu.dma_semaphore, #tpu.memory_space<semaphore_mem>>
      %dma_wait3A_571 = tpu.memref_squeeze %dma_wait3A_570 : memref<1x!tpu.dma_semaphore, #tpu.memory_space<semaphore_mem>> -> memref<!tpu.dma_semaphore, #tpu.memory_space<semaphore_mem>>
      %dma_wait3A_572 = arith.constant 0 : i32
      %dma_wait3A_573 = arith.constant 0 : i32
      %dma_wait3A_574 = tpu.memref_slice %arg6[%dma_wait3A_568, %dma_wait3A_572, %dma_wait3A_573] : memref<8x2560x128xf32, #tpu.memory_space<vmem>> -> memref<1x2560x128xf32, #tpu.memory_space<vmem>>
      %dma_wait3A_575 = tpu.memref_squeeze %dma_wait3A_574 : memref<1x2560x128xf32, #tpu.memory_space<vmem>> -> memref<2560x128xf32, #tpu.memory_space<vmem>>
      %dma_wait3A_576 = arith.constant 0 : i32
      %dma_wait3A_577 = tpu.memref_slice %arg1[%add3A_567, %dma_wait3A_576] : memref<320000x128xf32, #tpu.memory_space<hbm>> -> memref<2560x128xf32, #tpu.memory_space<hbm>>
      tpu.wait_dma2 semaphore(%dma_wait3A_571 : memref<!tpu.dma_semaphore, #tpu.memory_space<semaphore_mem>>) src(%dma_wait3A_577 : memref<2560x128xf32, #tpu.memory_space<hbm>>) dst(%dma_wait3A_575 : memref<2560x128xf32, #tpu.memory_space<vmem>>)
      %get3A_578 = arith.constant 1 : index
      %get3A_579 = arith.constant 0 : index
      %get3A_580 = arith.constant 0 : index
      %get3A_581 = vector.load %arg6[%get3A_578, %get3A_579, %get3A_580] : memref<8x2560x128xf32, #tpu.memory_space<vmem>>, vector<1x2560x128xf32>
      %get3A_582 = vector.shape_cast %get3A_581 : vector<1x2560x128xf32> to vector<2560x128xf32>
      %get3A_583 = arith.constant 1 : index
      %get3A_584 = arith.constant 0 : index
      %get3A_585 = arith.constant 0 : index
      %get3A_586 = vector.load %arg5[%get3A_583, %get3A_584, %get3A_585] : memref<8x2560x128xf32, #tpu.memory_space<vmem>>, vector<1x2560x128xf32>
      %get3A_587 = vector.shape_cast %get3A_586 : vector<1x2560x128xf32> to vector<2560x128xf32>
      %mul3A_588 = arith.mulf %get3A_582, %get3A_587 : vector<2560x128xf32>
      %max3A_589 = arith.constant 0.000000e+00 : f32
      %max3A_590 = vector.broadcast %max3A_589 : f32 to vector<2560x128xf32>
      %max3A_591 = arith.maximumf %mul3A_588, %max3A_590 : vector<2560x128xf32>
      %dot_general3A_592 = arith.constant dense<0.000000e+00> : vector<1x2560xf32>
      %dot_general3A_593 = tpu.matmul %get3A_1, %max3A_591, %dot_general3A_592 {dimension_numbers = #tpu.dot_dimension_numbers<[1], [1], [0], [0], [0, 0, 1, 0], [], []>, transpose_lhs_hint = false} : vector<1x128xf32>, vector<2560x128xf32>, vector<1x2560xf32> -> vector<1x2560xf32>
      %add3A_594 = vector.broadcast %get3A_5 : f32 to vector<1x2560xf32>
      %add3A_595 = arith.addf %dot_general3A_593, %add3A_594 : vector<1x2560xf32>
      %gt3A_596 = arith.constant 0 : i32
      %gt3A_597 = arith.cmpi sgt, %scan3A_471, %gt3A_596 : i32
      %convert_element_type3A_598 = arith.extui %gt3A_597 : i1 to i32
      %cond3A_599 = arith.constant 0 : i32
      %cond3A_600 = arith.cmpi ne, %convert_element_type3A_598, %cond3A_599 : i32
      scf.if %cond3A_600 {
        %sub3A = arith.constant 8 : i32
        %sub3A_1092 = arith.subi %add3A_549, %sub3A : i32
        %dma_wait3A_1093 = arith.constant 1 : i32
        %dma_wait3A_1094 = arith.constant 1 : i32
        %dma_wait3A_1095 = tpu.memref_slice %arg10[%dma_wait3A_1094] : memref<8x!tpu.dma_semaphore, #tpu.memory_space<semaphore_mem>> -> memref<1x!tpu.dma_semaphore, #tpu.memory_space<semaphore_mem>>
        %dma_wait3A_1096 = tpu.memref_squeeze %dma_wait3A_1095 : memref<1x!tpu.dma_semaphore, #tpu.memory_space<semaphore_mem>> -> memref<!tpu.dma_semaphore, #tpu.memory_space<semaphore_mem>>
        %dma_wait3A_1097 = arith.constant 0 : i32
        %dma_wait3A_1098 = tpu.memref_slice %arg4[%sub3A_1092, %dma_wait3A_1097] : memref<115x2560xf32, #tpu.memory_space<hbm>> -> memref<1x2560xf32, #tpu.memory_space<hbm>>
        %dma_wait3A_1099 = arith.constant 0 : i32
        %dma_wait3A_1100 = arith.constant 0 : i32
        %dma_wait3A_1101 = tpu.memref_slice %arg7[%dma_wait3A_1093, %dma_wait3A_1099, %dma_wait3A_1100] : memref<8x1x2560xf32, #tpu.memory_space<vmem>> -> memref<1x1x2560xf32, #tpu.memory_space<vmem>>
        %dma_wait3A_1102 = tpu.memref_squeeze %dma_wait3A_1101 : memref<1x1x2560xf32, #tpu.memory_space<vmem>> -> memref<1x2560xf32, #tpu.memory_space<vmem>>
        tpu.wait_dma2 semaphore(%dma_wait3A_1096 : memref<!tpu.dma_semaphore, #tpu.memory_space<semaphore_mem>>) src(%dma_wait3A_1102 : memref<1x2560xf32, #tpu.memory_space<vmem>>) dst(%dma_wait3A_1098 : memref<1x2560xf32, #tpu.memory_space<hbm>>)
      } else {
      }
      %swap3A_601 = arith.constant 1 : index
      %swap3A_602 = arith.constant 0 : index
      %swap3A_603 = arith.constant 0 : index
      %swap3A_604 = vector.load %arg7[%swap3A_601, %swap3A_602, %swap3A_603] : memref<8x1x2560xf32, #tpu.memory_space<vmem>>, vector<1x1x2560xf32>
      %swap3A_605 = vector.shape_cast %swap3A_604 : vector<1x1x2560xf32> to vector<1x2560xf32>
      %swap3A_606 = vector.shape_cast %add3A_595 : vector<1x2560xf32> to vector<1x1x2560xf32>
      tpu.vector_store %arg7[%swap3A_601, %swap3A_602, %swap3A_603], %swap3A_606 {strides = array<i32>} : memref<8x1x2560xf32, #tpu.memory_space<vmem>>, vector<1x1x2560xf32>,
      %add3A_607 = arith.constant 8 : i32
      %add3A_608 = arith.addi %add3A_549, %add3A_607 : i32
      %lt3A_609 = arith.constant 115 : i32
      %lt3A_610 = arith.cmpi slt, %add3A_608, %lt3A_609 : i32
      %convert_element_type3A_611 = arith.extui %lt3A_610 : i1 to i32
      %cond3A_612 = arith.constant 0 : i32
      %cond3A_613 = arith.cmpi ne, %convert_element_type3A_611, %cond3A_612 : i32
      scf.if %cond3A_613 {
        %add3A_1092 = arith.constant 8 : i32
        %add3A_1093 = arith.addi %add3A_549, %add3A_1092 : i32
        %mul3A_1094 = arith.constant 2560 : i32
        %mul3A_1095 = arith.muli %add3A_1093, %mul3A_1094 : i32
        %add3A_1096 = arith.constant 25600 : i32
        %add3A_1097 = arith.addi %add3A_1096, %mul3A_1095 : i32
        %dma_start3A_1098 = arith.constant 1 : i32
        %dma_start3A_1099 = arith.constant 1 : i32
        %dma_start3A_1100 = tpu.memref_slice %arg8[%dma_start3A_1099] : memref<8x!tpu.dma_semaphore, #tpu.memory_space<semaphore_mem>> -> memref<1x!tpu.dma_semaphore, #tpu.memory_space<semaphore_mem>>
        %dma_start3A_1101 = tpu.memref_squeeze %dma_start3A_1100 : memref<1x!tpu.dma_semaphore, #tpu.memory_space<semaphore_mem>> -> memref<!tpu.dma_semaphore, #tpu.memory_space<semaphore_mem>>
        %dma_start3A_1102 = arith.constant 0 : i32
        %dma_start3A_1103 = arith.constant 0 : i32
        %dma_start3A_1104 = tpu.memref_slice %arg5[%dma_start3A_1098, %dma_start3A_1102, %dma_start3A_1103] : memref<8x2560x128xf32, #tpu.memory_space<vmem>> -> memref<1x2560x128xf32, #tpu.memory_space<vmem>>
        %dma_start3A_1105 = tpu.memref_squeeze %dma_start3A_1104 : memref<1x2560x128xf32, #tpu.memory_space<vmem>> -> memref<2560x128xf32, #tpu.memory_space<vmem>>
        %dma_start3A_1106 = arith.constant 0 : i32
        %dma_start3A_1107 = tpu.memref_slice %arg0[%add3A_1097, %dma_start3A_1106] : memref<320000x128xf32, #tpu.memory_space<hbm>> -> memref<2560x128xf32, #tpu.memory_space<hbm>>
        tpu.enqueue_dma source(%dma_start3A_1107 : memref<2560x128xf32, #tpu.memory_space<hbm>>) target(%dma_start3A_1105 : memref<2560x128xf32, #tpu.memory_space<vmem>>) target_semaphore(%dma_start3A_1101 : memref<!tpu.dma_semaphore, #tpu.memory_space<semaphore_mem>>)
        %add3A_1108 = arith.constant 8 : i32
        %add3A_1109 = arith.addi %add3A_549, %add3A_1108 : i32
        %mul3A_1110 = arith.constant 2560 : i32
        %mul3A_1111 = arith.muli %add3A_1109, %mul3A_1110 : i32
        %add3A_1112 = arith.constant 25600 : i32
        %add3A_1113 = arith.addi %add3A_1112, %mul3A_1111 : i32
        %dma_start3A_1114 = arith.constant 1 : i32
        %dma_start3A_1115 = arith.constant 1 : i32
        %dma_start3A_1116 = tpu.memref_slice %arg9[%dma_start3A_1115] : memref<8x!tpu.dma_semaphore, #tpu.memory_space<semaphore_mem>> -> memref<1x!tpu.dma_semaphore, #tpu.memory_space<semaphore_mem>>
        %dma_start3A_1117 = tpu.memref_squeeze %dma_start3A_1116 : memref<1x!tpu.dma_semaphore, #tpu.memory_space<semaphore_mem>> -> memref<!tpu.dma_semaphore, #tpu.memory_space<semaphore_mem>>
        %dma_start3A_1118 = arith.constant 0 : i32
        %dma_start3A_1119 = arith.constant 0 : i32
        %dma_start3A_1120 = tpu.memref_slice %arg6[%dma_start3A_1114, %dma_start3A_1118, %dma_start3A_1119] : memref<8x2560x128xf32, #tpu.memory_space<vmem>> -> memref<1x2560x128xf32, #tpu.memory_space<vmem>>
        %dma_start3A_1121 = tpu.memref_squeeze %dma_start3A_1120 : memref<1x2560x128xf32, #tpu.memory_space<vmem>> -> memref<2560x128xf32, #tpu.memory_space<vmem>>
        %dma_start3A_1122 = arith.constant 0 : i32
        %dma_start3A_1123 = tpu.memref_slice %arg1[%add3A_1113, %dma_start3A_1122] : memref<320000x128xf32, #tpu.memory_space<hbm>> -> memref<2560x128xf32, #tpu.memory_space<hbm>>
        tpu.enqueue_dma source(%dma_start3A_1123 : memref<2560x128xf32, #tpu.memory_space<hbm>>) target(%dma_start3A_1121 : memref<2560x128xf32, #tpu.memory_space<vmem>>) target_semaphore(%dma_start3A_1117 : memref<!tpu.dma_semaphore, #tpu.memory_space<semaphore_mem>>)
      } else {
      }
      %dma_start3A_614 = arith.constant 1 : i32
      %dma_start3A_615 = arith.constant 1 : i32
      %dma_start3A_616 = tpu.memref_slice %arg10[%dma_start3A_615] : memref<8x!tpu.dma_semaphore, #tpu.memory_space<semaphore_mem>> -> memref<1x!tpu.dma_semaphore, #tpu.memory_space<semaphore_mem>>
      %dma_start3A_617 = tpu.memref_squeeze %dma_start3A_616 : memref<1x!tpu.dma_semaphore, #tpu.memory_space<semaphore_mem>> -> memref<!tpu.dma_semaphore, #tpu.memory_space<semaphore_mem>>
      %dma_start3A_618 = arith.constant 0 : i32
      %dma_start3A_619 = tpu.memref_slice %arg4[%add3A_549, %dma_start3A_618] : memref<115x2560xf32, #tpu.memory_space<hbm>> -> memref<1x2560xf32, #tpu.memory_space<hbm>>
      %dma_start3A_620 = arith.constant 0 : i32
      %dma_start3A_621 = arith.constant 0 : i32
      %dma_start3A_622 = tpu.memref_slice %arg7[%dma_start3A_614, %dma_start3A_620, %dma_start3A_621] : memref<8x1x2560xf32, #tpu.memory_space<vmem>> -> memref<1x1x2560xf32, #tpu.memory_space<vmem>>
      %dma_start3A_623 = tpu.memref_squeeze %dma_start3A_622 : memref<1x1x2560xf32, #tpu.memory_space<vmem>> -> memref<1x2560xf32, #tpu.memory_space<vmem>>
      tpu.enqueue_dma source(%dma_start3A_623 : memref<1x2560xf32, #tpu.memory_space<vmem>>) target(%dma_start3A_619 : memref<1x2560xf32, #tpu.memory_space<hbm>>) target_semaphore(%dma_start3A_617 : memref<!tpu.dma_semaphore, #tpu.memory_space<semaphore_mem>>)
      %mul3A_624 = arith.constant 8 : i32
      %mul3A_625 = arith.muli %scan3A_471, %mul3A_624 : i32
      %add3A_626 = arith.constant 2 : i32
      %add3A_627 = arith.addi %mul3A_625, %add3A_626 : i32
      %mul3A_628 = arith.constant 2560 : i32
      %mul3A_629 = arith.muli %add3A_627, %mul3A_628 : i32
      %add3A_630 = arith.constant 25600 : i32
      %add3A_631 = arith.addi %add3A_630, %mul3A_629 : i32
      %dma_wait3A_632 = arith.constant 2 : i32
      %dma_wait3A_633 = arith.constant 2 : i32
      %dma_wait3A_634 = tpu.memref_slice %arg8[%dma_wait3A_633] : memref<8x!tpu.dma_semaphore, #tpu.memory_space<semaphore_mem>> -> memref<1x!tpu.dma_semaphore, #tpu.memory_space<semaphore_mem>>
      %dma_wait3A_635 = tpu.memref_squeeze %dma_wait3A_634 : memref<1x!tpu.dma_semaphore, #tpu.memory_space<semaphore_mem>> -> memref<!tpu.dma_semaphore, #tpu.memory_space<semaphore_mem>>
      %dma_wait3A_636 = arith.constant 0 : i32
      %dma_wait3A_637 = arith.constant 0 : i32
      %dma_wait3A_638 = tpu.memref_slice %arg5[%dma_wait3A_632, %dma_wait3A_636, %dma_wait3A_637] : memref<8x2560x128xf32, #tpu.memory_space<vmem>> -> memref<1x2560x128xf32, #tpu.memory_space<vmem>>
      %dma_wait3A_639 = tpu.memref_squeeze %dma_wait3A_638 : memref<1x2560x128xf32, #tpu.memory_space<vmem>> -> memref<2560x128xf32, #tpu.memory_space<vmem>>
      %dma_wait3A_640 = arith.constant 0 : i32
      %dma_wait3A_641 = tpu.memref_slice %arg0[%add3A_631, %dma_wait3A_640] : memref<320000x128xf32, #tpu.memory_space<hbm>> -> memref<2560x128xf32, #tpu.memory_space<hbm>>
      tpu.wait_dma2 semaphore(%dma_wait3A_635 : memref<!tpu.dma_semaphore, #tpu.memory_space<semaphore_mem>>) src(%dma_wait3A_641 : memref<2560x128xf32, #tpu.memory_space<hbm>>) dst(%dma_wait3A_639 : memref<2560x128xf32, #tpu.memory_space<vmem>>)
      %mul3A_642 = arith.constant 2560 : i32
      %mul3A_643 = arith.muli %add3A_627, %mul3A_642 : i32
      %add3A_644 = arith.constant 25600 : i32
      %add3A_645 = arith.addi %add3A_644, %mul3A_643 : i32
      %dma_wait3A_646 = arith.constant 2 : i32
      %dma_wait3A_647 = arith.constant 2 : i32
      %dma_wait3A_648 = tpu.memref_slice %arg9[%dma_wait3A_647] : memref<8x!tpu.dma_semaphore, #tpu.memory_space<semaphore_mem>> -> memref<1x!tpu.dma_semaphore, #tpu.memory_space<semaphore_mem>>
      %dma_wait3A_649 = tpu.memref_squeeze %dma_wait3A_648 : memref<1x!tpu.dma_semaphore, #tpu.memory_space<semaphore_mem>> -> memref<!tpu.dma_semaphore, #tpu.memory_space<semaphore_mem>>
      %dma_wait3A_650 = arith.constant 0 : i32
      %dma_wait3A_651 = arith.constant 0 : i32
      %dma_wait3A_652 = tpu.memref_slice %arg6[%dma_wait3A_646, %dma_wait3A_650, %dma_wait3A_651] : memref<8x2560x128xf32, #tpu.memory_space<vmem>> -> memref<1x2560x128xf32, #tpu.memory_space<vmem>>
      %dma_wait3A_653 = tpu.memref_squeeze %dma_wait3A_652 : memref<1x2560x128xf32, #tpu.memory_space<vmem>> -> memref<2560x128xf32, #tpu.memory_space<vmem>>
      %dma_wait3A_654 = arith.constant 0 : i32
      %dma_wait3A_655 = tpu.memref_slice %arg1[%add3A_645, %dma_wait3A_654] : memref<320000x128xf32, #tpu.memory_space<hbm>> -> memref<2560x128xf32, #tpu.memory_space<hbm>>
      tpu.wait_dma2 semaphore(%dma_wait3A_649 : memref<!tpu.dma_semaphore, #tpu.memory_space<semaphore_mem>>) src(%dma_wait3A_655 : memref<2560x128xf32, #tpu.memory_space<hbm>>) dst(%dma_wait3A_653 : memref<2560x128xf32, #tpu.memory_space<vmem>>)
      %get3A_656 = arith.constant 2 : index
      %get3A_657 = arith.constant 0 : index
      %get3A_658 = arith.constant 0 : index
      %get3A_659 = vector.load %arg6[%get3A_656, %get3A_657, %get3A_658] : memref<8x2560x128xf32, #tpu.memory_space<vmem>>, vector<1x2560x128xf32>
      %get3A_660 = vector.shape_cast %get3A_659 : vector<1x2560x128xf32> to vector<2560x128xf32>
      %get3A_661 = arith.constant 2 : index
      %get3A_662 = arith.constant 0 : index
      %get3A_663 = arith.constant 0 : index
      %get3A_664 = vector.load %arg5[%get3A_661, %get3A_662, %get3A_663] : memref<8x2560x128xf32, #tpu.memory_space<vmem>>, vector<1x2560x128xf32>
      %get3A_665 = vector.shape_cast %get3A_664 : vector<1x2560x128xf32> to vector<2560x128xf32>
      %mul3A_666 = arith.mulf %get3A_660, %get3A_665 : vector<2560x128xf32>
      %max3A_667 = arith.constant 0.000000e+00 : f32
      %max3A_668 = vector.broadcast %max3A_667 : f32 to vector<2560x128xf32>
      %max3A_669 = arith.maximumf %mul3A_666, %max3A_668 : vector<2560x128xf32>
      %dot_general3A_670 = arith.constant dense<0.000000e+00> : vector<1x2560xf32>
      %dot_general3A_671 = tpu.matmul %get3A_1, %max3A_669, %dot_general3A_670 {dimension_numbers = #tpu.dot_dimension_numbers<[1], [1], [0], [0], [0, 0, 1, 0], [], []>, transpose_lhs_hint = false} : vector<1x128xf32>, vector<2560x128xf32>, vector<1x2560xf32> -> vector<1x2560xf32>
      %add3A_672 = vector.broadcast %get3A_5 : f32 to vector<1x2560xf32>
      %add3A_673 = arith.addf %dot_general3A_671, %add3A_672 : vector<1x2560xf32>
      %gt3A_674 = arith.constant 0 : i32
      %gt3A_675 = arith.cmpi sgt, %scan3A_471, %gt3A_674 : i32
      %convert_element_type3A_676 = arith.extui %gt3A_675 : i1 to i32
      %cond3A_677 = arith.constant 0 : i32
      %cond3A_678 = arith.cmpi ne, %convert_element_type3A_676, %cond3A_677 : i32
      scf.if %cond3A_678 {
        %sub3A = arith.constant 8 : i32
        %sub3A_1092 = arith.subi %add3A_627, %sub3A : i32
        %dma_wait3A_1093 = arith.constant 2 : i32
        %dma_wait3A_1094 = arith.constant 2 : i32
        %dma_wait3A_1095 = tpu.memref_slice %arg10[%dma_wait3A_1094] : memref<8x!tpu.dma_semaphore, #tpu.memory_space<semaphore_mem>> -> memref<1x!tpu.dma_semaphore, #tpu.memory_space<semaphore_mem>>
        %dma_wait3A_1096 = tpu.memref_squeeze %dma_wait3A_1095 : memref<1x!tpu.dma_semaphore, #tpu.memory_space<semaphore_mem>> -> memref<!tpu.dma_semaphore, #tpu.memory_space<semaphore_mem>>
        %dma_wait3A_1097 = arith.constant 0 : i32
        %dma_wait3A_1098 = tpu.memref_slice %arg4[%sub3A_1092, %dma_wait3A_1097] : memref<115x2560xf32, #tpu.memory_space<hbm>> -> memref<1x2560xf32, #tpu.memory_space<hbm>>
        %dma_wait3A_1099 = arith.constant 0 : i32
        %dma_wait3A_1100 = arith.constant 0 : i32
        %dma_wait3A_1101 = tpu.memref_slice %arg7[%dma_wait3A_1093, %dma_wait3A_1099, %dma_wait3A_1100] : memref<8x1x2560xf32, #tpu.memory_space<vmem>> -> memref<1x1x2560xf32, #tpu.memory_space<vmem>>
        %dma_wait3A_1102 = tpu.memref_squeeze %dma_wait3A_1101 : memref<1x1x2560xf32, #tpu.memory_space<vmem>> -> memref<1x2560xf32, #tpu.memory_space<vmem>>
        tpu.wait_dma2 semaphore(%dma_wait3A_1096 : memref<!tpu.dma_semaphore, #tpu.memory_space<semaphore_mem>>) src(%dma_wait3A_1102 : memref<1x2560xf32, #tpu.memory_space<vmem>>) dst(%dma_wait3A_1098 : memref<1x2560xf32, #tpu.memory_space<hbm>>)
      } else {
      }
      %swap3A_679 = arith.constant 2 : index
      %swap3A_680 = arith.constant 0 : index
      %swap3A_681 = arith.constant 0 : index
      %swap3A_682 = vector.load %arg7[%swap3A_679, %swap3A_680, %swap3A_681] : memref<8x1x2560xf32, #tpu.memory_space<vmem>>, vector<1x1x2560xf32>
      %swap3A_683 = vector.shape_cast %swap3A_682 : vector<1x1x2560xf32> to vector<1x2560xf32>
      %swap3A_684 = vector.shape_cast %add3A_673 : vector<1x2560xf32> to vector<1x1x2560xf32>
      tpu.vector_store %arg7[%swap3A_679, %swap3A_680, %swap3A_681], %swap3A_684 {strides = array<i32>} : memref<8x1x2560xf32, #tpu.memory_space<vmem>>, vector<1x1x2560xf32>,
      %add3A_685 = arith.constant 8 : i32
      %add3A_686 = arith.addi %add3A_627, %add3A_685 : i32
      %lt3A_687 = arith.constant 115 : i32
      %lt3A_688 = arith.cmpi slt, %add3A_686, %lt3A_687 : i32
      %convert_element_type3A_689 = arith.extui %lt3A_688 : i1 to i32
      %cond3A_690 = arith.constant 0 : i32
      %cond3A_691 = arith.cmpi ne, %convert_element_type3A_689, %cond3A_690 : i32
      scf.if %cond3A_691 {
        %add3A_1092 = arith.constant 8 : i32
        %add3A_1093 = arith.addi %add3A_627, %add3A_1092 : i32
        %mul3A_1094 = arith.constant 2560 : i32
        %mul3A_1095 = arith.muli %add3A_1093, %mul3A_1094 : i32
        %add3A_1096 = arith.constant 25600 : i32
        %add3A_1097 = arith.addi %add3A_1096, %mul3A_1095 : i32
        %dma_start3A_1098 = arith.constant 2 : i32
        %dma_start3A_1099 = arith.constant 2 : i32
        %dma_start3A_1100 = tpu.memref_slice %arg8[%dma_start3A_1099] : memref<8x!tpu.dma_semaphore, #tpu.memory_space<semaphore_mem>> -> memref<1x!tpu.dma_semaphore, #tpu.memory_space<semaphore_mem>>
        %dma_start3A_1101 = tpu.memref_squeeze %dma_start3A_1100 : memref<1x!tpu.dma_semaphore, #tpu.memory_space<semaphore_mem>> -> memref<!tpu.dma_semaphore, #tpu.memory_space<semaphore_mem>>
        %dma_start3A_1102 = arith.constant 0 : i32
        %dma_start3A_1103 = arith.constant 0 : i32
        %dma_start3A_1104 = tpu.memref_slice %arg5[%dma_start3A_1098, %dma_start3A_1102, %dma_start3A_1103] : memref<8x2560x128xf32, #tpu.memory_space<vmem>> -> memref<1x2560x128xf32, #tpu.memory_space<vmem>>
        %dma_start3A_1105 = tpu.memref_squeeze %dma_start3A_1104 : memref<1x2560x128xf32, #tpu.memory_space<vmem>> -> memref<2560x128xf32, #tpu.memory_space<vmem>>
        %dma_start3A_1106 = arith.constant 0 : i32
        %dma_start3A_1107 = tpu.memref_slice %arg0[%add3A_1097, %dma_start3A_1106] : memref<320000x128xf32, #tpu.memory_space<hbm>> -> memref<2560x128xf32, #tpu.memory_space<hbm>>
        tpu.enqueue_dma source(%dma_start3A_1107 : memref<2560x128xf32, #tpu.memory_space<hbm>>) target(%dma_start3A_1105 : memref<2560x128xf32, #tpu.memory_space<vmem>>) target_semaphore(%dma_start3A_1101 : memref<!tpu.dma_semaphore, #tpu.memory_space<semaphore_mem>>)
        %add3A_1108 = arith.constant 8 : i32
        %add3A_1109 = arith.addi %add3A_627, %add3A_1108 : i32
        %mul3A_1110 = arith.constant 2560 : i32
        %mul3A_1111 = arith.muli %add3A_1109, %mul3A_1110 : i32
        %add3A_1112 = arith.constant 25600 : i32
        %add3A_1113 = arith.addi %add3A_1112, %mul3A_1111 : i32
        %dma_start3A_1114 = arith.constant 2 : i32
        %dma_start3A_1115 = arith.constant 2 : i32
        %dma_start3A_1116 = tpu.memref_slice %arg9[%dma_start3A_1115] : memref<8x!tpu.dma_semaphore, #tpu.memory_space<semaphore_mem>> -> memref<1x!tpu.dma_semaphore, #tpu.memory_space<semaphore_mem>>
        %dma_start3A_1117 = tpu.memref_squeeze %dma_start3A_1116 : memref<1x!tpu.dma_semaphore, #tpu.memory_space<semaphore_mem>> -> memref<!tpu.dma_semaphore, #tpu.memory_space<semaphore_mem>>
        %dma_start3A_1118 = arith.constant 0 : i32
        %dma_start3A_1119 = arith.constant 0 : i32
        %dma_start3A_1120 = tpu.memref_slice %arg6[%dma_start3A_1114, %dma_start3A_1118, %dma_start3A_1119] : memref<8x2560x128xf32, #tpu.memory_space<vmem>> -> memref<1x2560x128xf32, #tpu.memory_space<vmem>>
        %dma_start3A_1121 = tpu.memref_squeeze %dma_start3A_1120 : memref<1x2560x128xf32, #tpu.memory_space<vmem>> -> memref<2560x128xf32, #tpu.memory_space<vmem>>
        %dma_start3A_1122 = arith.constant 0 : i32
        %dma_start3A_1123 = tpu.memref_slice %arg1[%add3A_1113, %dma_start3A_1122] : memref<320000x128xf32, #tpu.memory_space<hbm>> -> memref<2560x128xf32, #tpu.memory_space<hbm>>
        tpu.enqueue_dma source(%dma_start3A_1123 : memref<2560x128xf32, #tpu.memory_space<hbm>>) target(%dma_start3A_1121 : memref<2560x128xf32, #tpu.memory_space<vmem>>) target_semaphore(%dma_start3A_1117 : memref<!tpu.dma_semaphore, #tpu.memory_space<semaphore_mem>>)
      } else {
      }
      %dma_start3A_692 = arith.constant 2 : i32
      %dma_start3A_693 = arith.constant 2 : i32
      %dma_start3A_694 = tpu.memref_slice %arg10[%dma_start3A_693] : memref<8x!tpu.dma_semaphore, #tpu.memory_space<semaphore_mem>> -> memref<1x!tpu.dma_semaphore, #tpu.memory_space<semaphore_mem>>
      %dma_start3A_695 = tpu.memref_squeeze %dma_start3A_694 : memref<1x!tpu.dma_semaphore, #tpu.memory_space<semaphore_mem>> -> memref<!tpu.dma_semaphore, #tpu.memory_space<semaphore_mem>>
      %dma_start3A_696 = arith.constant 0 : i32
      %dma_start3A_697 = tpu.memref_slice %arg4[%add3A_627, %dma_start3A_696] : memref<115x2560xf32, #tpu.memory_space<hbm>> -> memref<1x2560xf32, #tpu.memory_space<hbm>>
      %dma_start3A_698 = arith.constant 0 : i32
      %dma_start3A_699 = arith.constant 0 : i32
      %dma_start3A_700 = tpu.memref_slice %arg7[%dma_start3A_692, %dma_start3A_698, %dma_start3A_699] : memref<8x1x2560xf32, #tpu.memory_space<vmem>> -> memref<1x1x2560xf32, #tpu.memory_space<vmem>>
      %dma_start3A_701 = tpu.memref_squeeze %dma_start3A_700 : memref<1x1x2560xf32, #tpu.memory_space<vmem>> -> memref<1x2560xf32, #tpu.memory_space<vmem>>
      tpu.enqueue_dma source(%dma_start3A_701 : memref<1x2560xf32, #tpu.memory_space<vmem>>) target(%dma_start3A_697 : memref<1x2560xf32, #tpu.memory_space<hbm>>) target_semaphore(%dma_start3A_695 : memref<!tpu.dma_semaphore, #tpu.memory_space<semaphore_mem>>)
      %mul3A_702 = arith.constant 8 : i32
      %mul3A_703 = arith.muli %scan3A_471, %mul3A_702 : i32
      %add3A_704 = arith.constant 3 : i32
      %add3A_705 = arith.addi %mul3A_703, %add3A_704 : i32
      %mul3A_706 = arith.constant 2560 : i32
      %mul3A_707 = arith.muli %add3A_705, %mul3A_706 : i32
      %add3A_708 = arith.constant 25600 : i32
      %add3A_709 = arith.addi %add3A_708, %mul3A_707 : i32
      %dma_wait3A_710 = arith.constant 3 : i32
      %dma_wait3A_711 = arith.constant 3 : i32
      %dma_wait3A_712 = tpu.memref_slice %arg8[%dma_wait3A_711] : memref<8x!tpu.dma_semaphore, #tpu.memory_space<semaphore_mem>> -> memref<1x!tpu.dma_semaphore, #tpu.memory_space<semaphore_mem>>
      %dma_wait3A_713 = tpu.memref_squeeze %dma_wait3A_712 : memref<1x!tpu.dma_semaphore, #tpu.memory_space<semaphore_mem>> -> memref<!tpu.dma_semaphore, #tpu.memory_space<semaphore_mem>>
      %dma_wait3A_714 = arith.constant 0 : i32
      %dma_wait3A_715 = arith.constant 0 : i32
      %dma_wait3A_716 = tpu.memref_slice %arg5[%dma_wait3A_710, %dma_wait3A_714, %dma_wait3A_715] : memref<8x2560x128xf32, #tpu.memory_space<vmem>> -> memref<1x2560x128xf32, #tpu.memory_space<vmem>>
      %dma_wait3A_717 = tpu.memref_squeeze %dma_wait3A_716 : memref<1x2560x128xf32, #tpu.memory_space<vmem>> -> memref<2560x128xf32, #tpu.memory_space<vmem>>
      %dma_wait3A_718 = arith.constant 0 : i32
      %dma_wait3A_719 = tpu.memref_slice %arg0[%add3A_709, %dma_wait3A_718] : memref<320000x128xf32, #tpu.memory_space<hbm>> -> memref<2560x128xf32, #tpu.memory_space<hbm>>
      tpu.wait_dma2 semaphore(%dma_wait3A_713 : memref<!tpu.dma_semaphore, #tpu.memory_space<semaphore_mem>>) src(%dma_wait3A_719 : memref<2560x128xf32, #tpu.memory_space<hbm>>) dst(%dma_wait3A_717 : memref<2560x128xf32, #tpu.memory_space<vmem>>)
      %mul3A_720 = arith.constant 2560 : i32
      %mul3A_721 = arith.muli %add3A_705, %mul3A_720 : i32
      %add3A_722 = arith.constant 25600 : i32
      %add3A_723 = arith.addi %add3A_722, %mul3A_721 : i32
      %dma_wait3A_724 = arith.constant 3 : i32
      %dma_wait3A_725 = arith.constant 3 : i32
      %dma_wait3A_726 = tpu.memref_slice %arg9[%dma_wait3A_725] : memref<8x!tpu.dma_semaphore, #tpu.memory_space<semaphore_mem>> -> memref<1x!tpu.dma_semaphore, #tpu.memory_space<semaphore_mem>>
      %dma_wait3A_727 = tpu.memref_squeeze %dma_wait3A_726 : memref<1x!tpu.dma_semaphore, #tpu.memory_space<semaphore_mem>> -> memref<!tpu.dma_semaphore, #tpu.memory_space<semaphore_mem>>
      %dma_wait3A_728 = arith.constant 0 : i32
      %dma_wait3A_729 = arith.constant 0 : i32
      %dma_wait3A_730 = tpu.memref_slice %arg6[%dma_wait3A_724, %dma_wait3A_728, %dma_wait3A_729] : memref<8x2560x128xf32, #tpu.memory_space<vmem>> -> memref<1x2560x128xf32, #tpu.memory_space<vmem>>
      %dma_wait3A_731 = tpu.memref_squeeze %dma_wait3A_730 : memref<1x2560x128xf32, #tpu.memory_space<vmem>> -> memref<2560x128xf32, #tpu.memory_space<vmem>>
      %dma_wait3A_732 = arith.constant 0 : i32
      %dma_wait3A_733 = tpu.memref_slice %arg1[%add3A_723, %dma_wait3A_732] : memref<320000x128xf32, #tpu.memory_space<hbm>> -> memref<2560x128xf32, #tpu.memory_space<hbm>>
      tpu.wait_dma2 semaphore(%dma_wait3A_727 : memref<!tpu.dma_semaphore, #tpu.memory_space<semaphore_mem>>) src(%dma_wait3A_733 : memref<2560x128xf32, #tpu.memory_space<hbm>>) dst(%dma_wait3A_731 : memref<2560x128xf32, #tpu.memory_space<vmem>>)
      %get3A_734 = arith.constant 3 : index
      %get3A_735 = arith.constant 0 : index
      %get3A_736 = arith.constant 0 : index
      %get3A_737 = vector.load %arg6[%get3A_734, %get3A_735, %get3A_736] : memref<8x2560x128xf32, #tpu.memory_space<vmem>>, vector<1x2560x128xf32>
      %get3A_738 = vector.shape_cast %get3A_737 : vector<1x2560x128xf32> to vector<2560x128xf32>
      %get3A_739 = arith.constant 3 : index
      %get3A_740 = arith.constant 0 : index
      %get3A_741 = arith.constant 0 : index
      %get3A_742 = vector.load %arg5[%get3A_739, %get3A_740, %get3A_741] : memref<8x2560x128xf32, #tpu.memory_space<vmem>>, vector<1x2560x128xf32>
      %get3A_743 = vector.shape_cast %get3A_742 : vector<1x2560x128xf32> to vector<2560x128xf32>
      %mul3A_744 = arith.mulf %get3A_738, %get3A_743 : vector<2560x128xf32>
      %max3A_745 = arith.constant 0.000000e+00 : f32
      %max3A_746 = vector.broadcast %max3A_745 : f32 to vector<2560x128xf32>
      %max3A_747 = arith.maximumf %mul3A_744, %max3A_746 : vector<2560x128xf32>
      %dot_general3A_748 = arith.constant dense<0.000000e+00> : vector<1x2560xf32>
      %dot_general3A_749 = tpu.matmul %get3A_1, %max3A_747, %dot_general3A_748 {dimension_numbers = #tpu.dot_dimension_numbers<[1], [1], [0], [0], [0, 0, 1, 0], [], []>, transpose_lhs_hint = false} : vector<1x128xf32>, vector<2560x128xf32>, vector<1x2560xf32> -> vector<1x2560xf32>
      %add3A_750 = vector.broadcast %get3A_5 : f32 to vector<1x2560xf32>
      %add3A_751 = arith.addf %dot_general3A_749, %add3A_750 : vector<1x2560xf32>
      %gt3A_752 = arith.constant 0 : i32
      %gt3A_753 = arith.cmpi sgt, %scan3A_471, %gt3A_752 : i32
      %convert_element_type3A_754 = arith.extui %gt3A_753 : i1 to i32
      %cond3A_755 = arith.constant 0 : i32
      %cond3A_756 = arith.cmpi ne, %convert_element_type3A_754, %cond3A_755 : i32
      scf.if %cond3A_756 {
        %sub3A = arith.constant 8 : i32
        %sub3A_1092 = arith.subi %add3A_705, %sub3A : i32
        %dma_wait3A_1093 = arith.constant 3 : i32
        %dma_wait3A_1094 = arith.constant 3 : i32
        %dma_wait3A_1095 = tpu.memref_slice %arg10[%dma_wait3A_1094] : memref<8x!tpu.dma_semaphore, #tpu.memory_space<semaphore_mem>> -> memref<1x!tpu.dma_semaphore, #tpu.memory_space<semaphore_mem>>
        %dma_wait3A_1096 = tpu.memref_squeeze %dma_wait3A_1095 : memref<1x!tpu.dma_semaphore, #tpu.memory_space<semaphore_mem>> -> memref<!tpu.dma_semaphore, #tpu.memory_space<semaphore_mem>>
        %dma_wait3A_1097 = arith.constant 0 : i32
        %dma_wait3A_1098 = tpu.memref_slice %arg4[%sub3A_1092, %dma_wait3A_1097] : memref<115x2560xf32, #tpu.memory_space<hbm>> -> memref<1x2560xf32, #tpu.memory_space<hbm>>
        %dma_wait3A_1099 = arith.constant 0 : i32
        %dma_wait3A_1100 = arith.constant 0 : i32
        %dma_wait3A_1101 = tpu.memref_slice %arg7[%dma_wait3A_1093, %dma_wait3A_1099, %dma_wait3A_1100] : memref<8x1x2560xf32, #tpu.memory_space<vmem>> -> memref<1x1x2560xf32, #tpu.memory_space<vmem>>
        %dma_wait3A_1102 = tpu.memref_squeeze %dma_wait3A_1101 : memref<1x1x2560xf32, #tpu.memory_space<vmem>> -> memref<1x2560xf32, #tpu.memory_space<vmem>>
        tpu.wait_dma2 semaphore(%dma_wait3A_1096 : memref<!tpu.dma_semaphore, #tpu.memory_space<semaphore_mem>>) src(%dma_wait3A_1102 : memref<1x2560xf32, #tpu.memory_space<vmem>>) dst(%dma_wait3A_1098 : memref<1x2560xf32, #tpu.memory_space<hbm>>)
      } else {
      }
      %swap3A_757 = arith.constant 3 : index
      %swap3A_758 = arith.constant 0 : index
      %swap3A_759 = arith.constant 0 : index
      %swap3A_760 = vector.load %arg7[%swap3A_757, %swap3A_758, %swap3A_759] : memref<8x1x2560xf32, #tpu.memory_space<vmem>>, vector<1x1x2560xf32>
      %swap3A_761 = vector.shape_cast %swap3A_760 : vector<1x1x2560xf32> to vector<1x2560xf32>
      %swap3A_762 = vector.shape_cast %add3A_751 : vector<1x2560xf32> to vector<1x1x2560xf32>
      tpu.vector_store %arg7[%swap3A_757, %swap3A_758, %swap3A_759], %swap3A_762 {strides = array<i32>} : memref<8x1x2560xf32, #tpu.memory_space<vmem>>, vector<1x1x2560xf32>,
      %add3A_763 = arith.constant 8 : i32
      %add3A_764 = arith.addi %add3A_705, %add3A_763 : i32
      %lt3A_765 = arith.constant 115 : i32
      %lt3A_766 = arith.cmpi slt, %add3A_764, %lt3A_765 : i32
      %convert_element_type3A_767 = arith.extui %lt3A_766 : i1 to i32
      %cond3A_768 = arith.constant 0 : i32
      %cond3A_769 = arith.cmpi ne, %convert_element_type3A_767, %cond3A_768 : i32
      scf.if %cond3A_769 {
        %add3A_1092 = arith.constant 8 : i32
        %add3A_1093 = arith.addi %add3A_705, %add3A_1092 : i32
        %mul3A_1094 = arith.constant 2560 : i32
        %mul3A_1095 = arith.muli %add3A_1093, %mul3A_1094 : i32
        %add3A_1096 = arith.constant 25600 : i32
        %add3A_1097 = arith.addi %add3A_1096, %mul3A_1095 : i32
        %dma_start3A_1098 = arith.constant 3 : i32
        %dma_start3A_1099 = arith.constant 3 : i32
        %dma_start3A_1100 = tpu.memref_slice %arg8[%dma_start3A_1099] : memref<8x!tpu.dma_semaphore, #tpu.memory_space<semaphore_mem>> -> memref<1x!tpu.dma_semaphore, #tpu.memory_space<semaphore_mem>>
        %dma_start3A_1101 = tpu.memref_squeeze %dma_start3A_1100 : memref<1x!tpu.dma_semaphore, #tpu.memory_space<semaphore_mem>> -> memref<!tpu.dma_semaphore, #tpu.memory_space<semaphore_mem>>
        %dma_start3A_1102 = arith.constant 0 : i32
        %dma_start3A_1103 = arith.constant 0 : i32
        %dma_start3A_1104 = tpu.memref_slice %arg5[%dma_start3A_1098, %dma_start3A_1102, %dma_start3A_1103] : memref<8x2560x128xf32, #tpu.memory_space<vmem>> -> memref<1x2560x128xf32, #tpu.memory_space<vmem>>
        %dma_start3A_1105 = tpu.memref_squeeze %dma_start3A_1104 : memref<1x2560x128xf32, #tpu.memory_space<vmem>> -> memref<2560x128xf32, #tpu.memory_space<vmem>>
        %dma_start3A_1106 = arith.constant 0 : i32
        %dma_start3A_1107 = tpu.memref_slice %arg0[%add3A_1097, %dma_start3A_1106] : memref<320000x128xf32, #tpu.memory_space<hbm>> -> memref<2560x128xf32, #tpu.memory_space<hbm>>
        tpu.enqueue_dma source(%dma_start3A_1107 : memref<2560x128xf32, #tpu.memory_space<hbm>>) target(%dma_start3A_1105 : memref<2560x128xf32, #tpu.memory_space<vmem>>) target_semaphore(%dma_start3A_1101 : memref<!tpu.dma_semaphore, #tpu.memory_space<semaphore_mem>>)
        %add3A_1108 = arith.constant 8 : i32
        %add3A_1109 = arith.addi %add3A_705, %add3A_1108 : i32
        %mul3A_1110 = arith.constant 2560 : i32
        %mul3A_1111 = arith.muli %add3A_1109, %mul3A_1110 : i32
        %add3A_1112 = arith.constant 25600 : i32
        %add3A_1113 = arith.addi %add3A_1112, %mul3A_1111 : i32
        %dma_start3A_1114 = arith.constant 3 : i32
        %dma_start3A_1115 = arith.constant 3 : i32
        %dma_start3A_1116 = tpu.memref_slice %arg9[%dma_start3A_1115] : memref<8x!tpu.dma_semaphore, #tpu.memory_space<semaphore_mem>> -> memref<1x!tpu.dma_semaphore, #tpu.memory_space<semaphore_mem>>
        %dma_start3A_1117 = tpu.memref_squeeze %dma_start3A_1116 : memref<1x!tpu.dma_semaphore, #tpu.memory_space<semaphore_mem>> -> memref<!tpu.dma_semaphore, #tpu.memory_space<semaphore_mem>>
        %dma_start3A_1118 = arith.constant 0 : i32
        %dma_start3A_1119 = arith.constant 0 : i32
        %dma_start3A_1120 = tpu.memref_slice %arg6[%dma_start3A_1114, %dma_start3A_1118, %dma_start3A_1119] : memref<8x2560x128xf32, #tpu.memory_space<vmem>> -> memref<1x2560x128xf32, #tpu.memory_space<vmem>>
        %dma_start3A_1121 = tpu.memref_squeeze %dma_start3A_1120 : memref<1x2560x128xf32, #tpu.memory_space<vmem>> -> memref<2560x128xf32, #tpu.memory_space<vmem>>
        %dma_start3A_1122 = arith.constant 0 : i32
        %dma_start3A_1123 = tpu.memref_slice %arg1[%add3A_1113, %dma_start3A_1122] : memref<320000x128xf32, #tpu.memory_space<hbm>> -> memref<2560x128xf32, #tpu.memory_space<hbm>>
        tpu.enqueue_dma source(%dma_start3A_1123 : memref<2560x128xf32, #tpu.memory_space<hbm>>) target(%dma_start3A_1121 : memref<2560x128xf32, #tpu.memory_space<vmem>>) target_semaphore(%dma_start3A_1117 : memref<!tpu.dma_semaphore, #tpu.memory_space<semaphore_mem>>)
      } else {
      }
      %dma_start3A_770 = arith.constant 3 : i32
      %dma_start3A_771 = arith.constant 3 : i32
      %dma_start3A_772 = tpu.memref_slice %arg10[%dma_start3A_771] : memref<8x!tpu.dma_semaphore, #tpu.memory_space<semaphore_mem>> -> memref<1x!tpu.dma_semaphore, #tpu.memory_space<semaphore_mem>>
      %dma_start3A_773 = tpu.memref_squeeze %dma_start3A_772 : memref<1x!tpu.dma_semaphore, #tpu.memory_space<semaphore_mem>> -> memref<!tpu.dma_semaphore, #tpu.memory_space<semaphore_mem>>
      %dma_start3A_774 = arith.constant 0 : i32
      %dma_start3A_775 = tpu.memref_slice %arg4[%add3A_705, %dma_start3A_774] : memref<115x2560xf32, #tpu.memory_space<hbm>> -> memref<1x2560xf32, #tpu.memory_space<hbm>>
      %dma_start3A_776 = arith.constant 0 : i32
      %dma_start3A_777 = arith.constant 0 : i32
      %dma_start3A_778 = tpu.memref_slice %arg7[%dma_start3A_770, %dma_start3A_776, %dma_start3A_777] : memref<8x1x2560xf32, #tpu.memory_space<vmem>> -> memref<1x1x2560xf32, #tpu.memory_space<vmem>>
      %dma_start3A_779 = tpu.memref_squeeze %dma_start3A_778 : memref<1x1x2560xf32, #tpu.memory_space<vmem>> -> memref<1x2560xf32, #tpu.memory_space<vmem>>
      tpu.enqueue_dma source(%dma_start3A_779 : memref<1x2560xf32, #tpu.memory_space<vmem>>) target(%dma_start3A_775 : memref<1x2560xf32, #tpu.memory_space<hbm>>) target_semaphore(%dma_start3A_773 : memref<!tpu.dma_semaphore, #tpu.memory_space<semaphore_mem>>)
      %mul3A_780 = arith.constant 8 : i32
      %mul3A_781 = arith.muli %scan3A_471, %mul3A_780 : i32
      %add3A_782 = arith.constant 4 : i32
      %add3A_783 = arith.addi %mul3A_781, %add3A_782 : i32
      %mul3A_784 = arith.constant 2560 : i32
      %mul3A_785 = arith.muli %add3A_783, %mul3A_784 : i32
      %add3A_786 = arith.constant 25600 : i32
      %add3A_787 = arith.addi %add3A_786, %mul3A_785 : i32
      %dma_wait3A_788 = arith.constant 4 : i32
      %dma_wait3A_789 = arith.constant 4 : i32
      %dma_wait3A_790 = tpu.memref_slice %arg8[%dma_wait3A_789] : memref<8x!tpu.dma_semaphore, #tpu.memory_space<semaphore_mem>> -> memref<1x!tpu.dma_semaphore, #tpu.memory_space<semaphore_mem>>
      %dma_wait3A_791 = tpu.memref_squeeze %dma_wait3A_790 : memref<1x!tpu.dma_semaphore, #tpu.memory_space<semaphore_mem>> -> memref<!tpu.dma_semaphore, #tpu.memory_space<semaphore_mem>>
      %dma_wait3A_792 = arith.constant 0 : i32
      %dma_wait3A_793 = arith.constant 0 : i32
      %dma_wait3A_794 = tpu.memref_slice %arg5[%dma_wait3A_788, %dma_wait3A_792, %dma_wait3A_793] : memref<8x2560x128xf32, #tpu.memory_space<vmem>> -> memref<1x2560x128xf32, #tpu.memory_space<vmem>>
      %dma_wait3A_795 = tpu.memref_squeeze %dma_wait3A_794 : memref<1x2560x128xf32, #tpu.memory_space<vmem>> -> memref<2560x128xf32, #tpu.memory_space<vmem>>
      %dma_wait3A_796 = arith.constant 0 : i32
      %dma_wait3A_797 = tpu.memref_slice %arg0[%add3A_787, %dma_wait3A_796] : memref<320000x128xf32, #tpu.memory_space<hbm>> -> memref<2560x128xf32, #tpu.memory_space<hbm>>
      tpu.wait_dma2 semaphore(%dma_wait3A_791 : memref<!tpu.dma_semaphore, #tpu.memory_space<semaphore_mem>>) src(%dma_wait3A_797 : memref<2560x128xf32, #tpu.memory_space<hbm>>) dst(%dma_wait3A_795 : memref<2560x128xf32, #tpu.memory_space<vmem>>)
      %mul3A_798 = arith.constant 2560 : i32
      %mul3A_799 = arith.muli %add3A_783, %mul3A_798 : i32
      %add3A_800 = arith.constant 25600 : i32
      %add3A_801 = arith.addi %add3A_800, %mul3A_799 : i32
      %dma_wait3A_802 = arith.constant 4 : i32
      %dma_wait3A_803 = arith.constant 4 : i32
      %dma_wait3A_804 = tpu.memref_slice %arg9[%dma_wait3A_803] : memref<8x!tpu.dma_semaphore, #tpu.memory_space<semaphore_mem>> -> memref<1x!tpu.dma_semaphore, #tpu.memory_space<semaphore_mem>>
      %dma_wait3A_805 = tpu.memref_squeeze %dma_wait3A_804 : memref<1x!tpu.dma_semaphore, #tpu.memory_space<semaphore_mem>> -> memref<!tpu.dma_semaphore, #tpu.memory_space<semaphore_mem>>
      %dma_wait3A_806 = arith.constant 0 : i32
      %dma_wait3A_807 = arith.constant 0 : i32
      %dma_wait3A_808 = tpu.memref_slice %arg6[%dma_wait3A_802, %dma_wait3A_806, %dma_wait3A_807] : memref<8x2560x128xf32, #tpu.memory_space<vmem>> -> memref<1x2560x128xf32, #tpu.memory_space<vmem>>
      %dma_wait3A_809 = tpu.memref_squeeze %dma_wait3A_808 : memref<1x2560x128xf32, #tpu.memory_space<vmem>> -> memref<2560x128xf32, #tpu.memory_space<vmem>>
      %dma_wait3A_810 = arith.constant 0 : i32
      %dma_wait3A_811 = tpu.memref_slice %arg1[%add3A_801, %dma_wait3A_810] : memref<320000x128xf32, #tpu.memory_space<hbm>> -> memref<2560x128xf32, #tpu.memory_space<hbm>>
      tpu.wait_dma2 semaphore(%dma_wait3A_805 : memref<!tpu.dma_semaphore, #tpu.memory_space<semaphore_mem>>) src(%dma_wait3A_811 : memref<2560x128xf32, #tpu.memory_space<hbm>>) dst(%dma_wait3A_809 : memref<2560x128xf32, #tpu.memory_space<vmem>>)
      %get3A_812 = arith.constant 4 : index
      %get3A_813 = arith.constant 0 : index
      %get3A_814 = arith.constant 0 : index
      %get3A_815 = vector.load %arg6[%get3A_812, %get3A_813, %get3A_814] : memref<8x2560x128xf32, #tpu.memory_space<vmem>>, vector<1x2560x128xf32>
      %get3A_816 = vector.shape_cast %get3A_815 : vector<1x2560x128xf32> to vector<2560x128xf32>
      %get3A_817 = arith.constant 4 : index
      %get3A_818 = arith.constant 0 : index
      %get3A_819 = arith.constant 0 : index
      %get3A_820 = vector.load %arg5[%get3A_817, %get3A_818, %get3A_819] : memref<8x2560x128xf32, #tpu.memory_space<vmem>>, vector<1x2560x128xf32>
      %get3A_821 = vector.shape_cast %get3A_820 : vector<1x2560x128xf32> to vector<2560x128xf32>
      %mul3A_822 = arith.mulf %get3A_816, %get3A_821 : vector<2560x128xf32>
      %max3A_823 = arith.constant 0.000000e+00 : f32
      %max3A_824 = vector.broadcast %max3A_823 : f32 to vector<2560x128xf32>
      %max3A_825 = arith.maximumf %mul3A_822, %max3A_824 : vector<2560x128xf32>
      %dot_general3A_826 = arith.constant dense<0.000000e+00> : vector<1x2560xf32>
      %dot_general3A_827 = tpu.matmul %get3A_1, %max3A_825, %dot_general3A_826 {dimension_numbers = #tpu.dot_dimension_numbers<[1], [1], [0], [0], [0, 0, 1, 0], [], []>, transpose_lhs_hint = false} : vector<1x128xf32>, vector<2560x128xf32>, vector<1x2560xf32> -> vector<1x2560xf32>
      %add3A_828 = vector.broadcast %get3A_5 : f32 to vector<1x2560xf32>
      %add3A_829 = arith.addf %dot_general3A_827, %add3A_828 : vector<1x2560xf32>
      %gt3A_830 = arith.constant 0 : i32
      %gt3A_831 = arith.cmpi sgt, %scan3A_471, %gt3A_830 : i32
      %convert_element_type3A_832 = arith.extui %gt3A_831 : i1 to i32
      %cond3A_833 = arith.constant 0 : i32
      %cond3A_834 = arith.cmpi ne, %convert_element_type3A_832, %cond3A_833 : i32
      scf.if %cond3A_834 {
        %sub3A = arith.constant 8 : i32
        %sub3A_1092 = arith.subi %add3A_783, %sub3A : i32
        %dma_wait3A_1093 = arith.constant 4 : i32
        %dma_wait3A_1094 = arith.constant 4 : i32
        %dma_wait3A_1095 = tpu.memref_slice %arg10[%dma_wait3A_1094] : memref<8x!tpu.dma_semaphore, #tpu.memory_space<semaphore_mem>> -> memref<1x!tpu.dma_semaphore, #tpu.memory_space<semaphore_mem>>
        %dma_wait3A_1096 = tpu.memref_squeeze %dma_wait3A_1095 : memref<1x!tpu.dma_semaphore, #tpu.memory_space<semaphore_mem>> -> memref<!tpu.dma_semaphore, #tpu.memory_space<semaphore_mem>>
        %dma_wait3A_1097 = arith.constant 0 : i32
        %dma_wait3A_1098 = tpu.memref_slice %arg4[%sub3A_1092, %dma_wait3A_1097] : memref<115x2560xf32, #tpu.memory_space<hbm>> -> memref<1x2560xf32, #tpu.memory_space<hbm>>
        %dma_wait3A_1099 = arith.constant 0 : i32
        %dma_wait3A_1100 = arith.constant 0 : i32
        %dma_wait3A_1101 = tpu.memref_slice %arg7[%dma_wait3A_1093, %dma_wait3A_1099, %dma_wait3A_1100] : memref<8x1x2560xf32, #tpu.memory_space<vmem>> -> memref<1x1x2560xf32, #tpu.memory_space<vmem>>
        %dma_wait3A_1102 = tpu.memref_squeeze %dma_wait3A_1101 : memref<1x1x2560xf32, #tpu.memory_space<vmem>> -> memref<1x2560xf32, #tpu.memory_space<vmem>>
        tpu.wait_dma2 semaphore(%dma_wait3A_1096 : memref<!tpu.dma_semaphore, #tpu.memory_space<semaphore_mem>>) src(%dma_wait3A_1102 : memref<1x2560xf32, #tpu.memory_space<vmem>>) dst(%dma_wait3A_1098 : memref<1x2560xf32, #tpu.memory_space<hbm>>)
      } else {
      }
      %swap3A_835 = arith.constant 4 : index
      %swap3A_836 = arith.constant 0 : index
      %swap3A_837 = arith.constant 0 : index
      %swap3A_838 = vector.load %arg7[%swap3A_835, %swap3A_836, %swap3A_837] : memref<8x1x2560xf32, #tpu.memory_space<vmem>>, vector<1x1x2560xf32>
      %swap3A_839 = vector.shape_cast %swap3A_838 : vector<1x1x2560xf32> to vector<1x2560xf32>
      %swap3A_840 = vector.shape_cast %add3A_829 : vector<1x2560xf32> to vector<1x1x2560xf32>
      tpu.vector_store %arg7[%swap3A_835, %swap3A_836, %swap3A_837], %swap3A_840 {strides = array<i32>} : memref<8x1x2560xf32, #tpu.memory_space<vmem>>, vector<1x1x2560xf32>,
      %add3A_841 = arith.constant 8 : i32
      %add3A_842 = arith.addi %add3A_783, %add3A_841 : i32
      %lt3A_843 = arith.constant 115 : i32
      %lt3A_844 = arith.cmpi slt, %add3A_842, %lt3A_843 : i32
      %convert_element_type3A_845 = arith.extui %lt3A_844 : i1 to i32
      %cond3A_846 = arith.constant 0 : i32
      %cond3A_847 = arith.cmpi ne, %convert_element_type3A_845, %cond3A_846 : i32
      scf.if %cond3A_847 {
        %add3A_1092 = arith.constant 8 : i32
        %add3A_1093 = arith.addi %add3A_783, %add3A_1092 : i32
        %mul3A_1094 = arith.constant 2560 : i32
        %mul3A_1095 = arith.muli %add3A_1093, %mul3A_1094 : i32
        %add3A_1096 = arith.constant 25600 : i32
        %add3A_1097 = arith.addi %add3A_1096, %mul3A_1095 : i32
        %dma_start3A_1098 = arith.constant 4 : i32
        %dma_start3A_1099 = arith.constant 4 : i32
        %dma_start3A_1100 = tpu.memref_slice %arg8[%dma_start3A_1099] : memref<8x!tpu.dma_semaphore, #tpu.memory_space<semaphore_mem>> -> memref<1x!tpu.dma_semaphore, #tpu.memory_space<semaphore_mem>>
        %dma_start3A_1101 = tpu.memref_squeeze %dma_start3A_1100 : memref<1x!tpu.dma_semaphore, #tpu.memory_space<semaphore_mem>> -> memref<!tpu.dma_semaphore, #tpu.memory_space<semaphore_mem>>
        %dma_start3A_1102 = arith.constant 0 : i32
        %dma_start3A_1103 = arith.constant 0 : i32
        %dma_start3A_1104 = tpu.memref_slice %arg5[%dma_start3A_1098, %dma_start3A_1102, %dma_start3A_1103] : memref<8x2560x128xf32, #tpu.memory_space<vmem>> -> memref<1x2560x128xf32, #tpu.memory_space<vmem>>
        %dma_start3A_1105 = tpu.memref_squeeze %dma_start3A_1104 : memref<1x2560x128xf32, #tpu.memory_space<vmem>> -> memref<2560x128xf32, #tpu.memory_space<vmem>>
        %dma_start3A_1106 = arith.constant 0 : i32
        %dma_start3A_1107 = tpu.memref_slice %arg0[%add3A_1097, %dma_start3A_1106] : memref<320000x128xf32, #tpu.memory_space<hbm>> -> memref<2560x128xf32, #tpu.memory_space<hbm>>
        tpu.enqueue_dma source(%dma_start3A_1107 : memref<2560x128xf32, #tpu.memory_space<hbm>>) target(%dma_start3A_1105 : memref<2560x128xf32, #tpu.memory_space<vmem>>) target_semaphore(%dma_start3A_1101 : memref<!tpu.dma_semaphore, #tpu.memory_space<semaphore_mem>>)
        %add3A_1108 = arith.constant 8 : i32
        %add3A_1109 = arith.addi %add3A_783, %add3A_1108 : i32
        %mul3A_1110 = arith.constant 2560 : i32
        %mul3A_1111 = arith.muli %add3A_1109, %mul3A_1110 : i32
        %add3A_1112 = arith.constant 25600 : i32
        %add3A_1113 = arith.addi %add3A_1112, %mul3A_1111 : i32
        %dma_start3A_1114 = arith.constant 4 : i32
        %dma_start3A_1115 = arith.constant 4 : i32
        %dma_start3A_1116 = tpu.memref_slice %arg9[%dma_start3A_1115] : memref<8x!tpu.dma_semaphore, #tpu.memory_space<semaphore_mem>> -> memref<1x!tpu.dma_semaphore, #tpu.memory_space<semaphore_mem>>
        %dma_start3A_1117 = tpu.memref_squeeze %dma_start3A_1116 : memref<1x!tpu.dma_semaphore, #tpu.memory_space<semaphore_mem>> -> memref<!tpu.dma_semaphore, #tpu.memory_space<semaphore_mem>>
        %dma_start3A_1118 = arith.constant 0 : i32
        %dma_start3A_1119 = arith.constant 0 : i32
        %dma_start3A_1120 = tpu.memref_slice %arg6[%dma_start3A_1114, %dma_start3A_1118, %dma_start3A_1119] : memref<8x2560x128xf32, #tpu.memory_space<vmem>> -> memref<1x2560x128xf32, #tpu.memory_space<vmem>>
        %dma_start3A_1121 = tpu.memref_squeeze %dma_start3A_1120 : memref<1x2560x128xf32, #tpu.memory_space<vmem>> -> memref<2560x128xf32, #tpu.memory_space<vmem>>
        %dma_start3A_1122 = arith.constant 0 : i32
        %dma_start3A_1123 = tpu.memref_slice %arg1[%add3A_1113, %dma_start3A_1122] : memref<320000x128xf32, #tpu.memory_space<hbm>> -> memref<2560x128xf32, #tpu.memory_space<hbm>>
        tpu.enqueue_dma source(%dma_start3A_1123 : memref<2560x128xf32, #tpu.memory_space<hbm>>) target(%dma_start3A_1121 : memref<2560x128xf32, #tpu.memory_space<vmem>>) target_semaphore(%dma_start3A_1117 : memref<!tpu.dma_semaphore, #tpu.memory_space<semaphore_mem>>)
      } else {
      }
      %dma_start3A_848 = arith.constant 4 : i32
      %dma_start3A_849 = arith.constant 4 : i32
      %dma_start3A_850 = tpu.memref_slice %arg10[%dma_start3A_849] : memref<8x!tpu.dma_semaphore, #tpu.memory_space<semaphore_mem>> -> memref<1x!tpu.dma_semaphore, #tpu.memory_space<semaphore_mem>>
      %dma_start3A_851 = tpu.memref_squeeze %dma_start3A_850 : memref<1x!tpu.dma_semaphore, #tpu.memory_space<semaphore_mem>> -> memref<!tpu.dma_semaphore, #tpu.memory_space<semaphore_mem>>
      %dma_start3A_852 = arith.constant 0 : i32
      %dma_start3A_853 = tpu.memref_slice %arg4[%add3A_783, %dma_start3A_852] : memref<115x2560xf32, #tpu.memory_space<hbm>> -> memref<1x2560xf32, #tpu.memory_space<hbm>>
      %dma_start3A_854 = arith.constant 0 : i32
      %dma_start3A_855 = arith.constant 0 : i32
      %dma_start3A_856 = tpu.memref_slice %arg7[%dma_start3A_848, %dma_start3A_854, %dma_start3A_855] : memref<8x1x2560xf32, #tpu.memory_space<vmem>> -> memref<1x1x2560xf32, #tpu.memory_space<vmem>>
      %dma_start3A_857 = tpu.memref_squeeze %dma_start3A_856 : memref<1x1x2560xf32, #tpu.memory_space<vmem>> -> memref<1x2560xf32, #tpu.memory_space<vmem>>
      tpu.enqueue_dma source(%dma_start3A_857 : memref<1x2560xf32, #tpu.memory_space<vmem>>) target(%dma_start3A_853 : memref<1x2560xf32, #tpu.memory_space<hbm>>) target_semaphore(%dma_start3A_851 : memref<!tpu.dma_semaphore, #tpu.memory_space<semaphore_mem>>)
      %mul3A_858 = arith.constant 8 : i32
      %mul3A_859 = arith.muli %scan3A_471, %mul3A_858 : i32
      %add3A_860 = arith.constant 5 : i32
      %add3A_861 = arith.addi %mul3A_859, %add3A_860 : i32
      %mul3A_862 = arith.constant 2560 : i32
      %mul3A_863 = arith.muli %add3A_861, %mul3A_862 : i32
      %add3A_864 = arith.constant 25600 : i32
      %add3A_865 = arith.addi %add3A_864, %mul3A_863 : i32
      %dma_wait3A_866 = arith.constant 5 : i32
      %dma_wait3A_867 = arith.constant 5 : i32
      %dma_wait3A_868 = tpu.memref_slice %arg8[%dma_wait3A_867] : memref<8x!tpu.dma_semaphore, #tpu.memory_space<semaphore_mem>> -> memref<1x!tpu.dma_semaphore, #tpu.memory_space<semaphore_mem>>
      %dma_wait3A_869 = tpu.memref_squeeze %dma_wait3A_868 : memref<1x!tpu.dma_semaphore, #tpu.memory_space<semaphore_mem>> -> memref<!tpu.dma_semaphore, #tpu.memory_space<semaphore_mem>>
      %dma_wait3A_870 = arith.constant 0 : i32
      %dma_wait3A_871 = arith.constant 0 : i32
      %dma_wait3A_872 = tpu.memref_slice %arg5[%dma_wait3A_866, %dma_wait3A_870, %dma_wait3A_871] : memref<8x2560x128xf32, #tpu.memory_space<vmem>> -> memref<1x2560x128xf32, #tpu.memory_space<vmem>>
      %dma_wait3A_873 = tpu.memref_squeeze %dma_wait3A_872 : memref<1x2560x128xf32, #tpu.memory_space<vmem>> -> memref<2560x128xf32, #tpu.memory_space<vmem>>
      %dma_wait3A_874 = arith.constant 0 : i32
      %dma_wait3A_875 = tpu.memref_slice %arg0[%add3A_865, %dma_wait3A_874] : memref<320000x128xf32, #tpu.memory_space<hbm>> -> memref<2560x128xf32, #tpu.memory_space<hbm>>
      tpu.wait_dma2 semaphore(%dma_wait3A_869 : memref<!tpu.dma_semaphore, #tpu.memory_space<semaphore_mem>>) src(%dma_wait3A_875 : memref<2560x128xf32, #tpu.memory_space<hbm>>) dst(%dma_wait3A_873 : memref<2560x128xf32, #tpu.memory_space<vmem>>)
      %mul3A_876 = arith.constant 2560 : i32
      %mul3A_877 = arith.muli %add3A_861, %mul3A_876 : i32
      %add3A_878 = arith.constant 25600 : i32
      %add3A_879 = arith.addi %add3A_878, %mul3A_877 : i32
      %dma_wait3A_880 = arith.constant 5 : i32
      %dma_wait3A_881 = arith.constant 5 : i32
      %dma_wait3A_882 = tpu.memref_slice %arg9[%dma_wait3A_881] : memref<8x!tpu.dma_semaphore, #tpu.memory_space<semaphore_mem>> -> memref<1x!tpu.dma_semaphore, #tpu.memory_space<semaphore_mem>>
      %dma_wait3A_883 = tpu.memref_squeeze %dma_wait3A_882 : memref<1x!tpu.dma_semaphore, #tpu.memory_space<semaphore_mem>> -> memref<!tpu.dma_semaphore, #tpu.memory_space<semaphore_mem>>
      %dma_wait3A_884 = arith.constant 0 : i32
      %dma_wait3A_885 = arith.constant 0 : i32
      %dma_wait3A_886 = tpu.memref_slice %arg6[%dma_wait3A_880, %dma_wait3A_884, %dma_wait3A_885] : memref<8x2560x128xf32, #tpu.memory_space<vmem>> -> memref<1x2560x128xf32, #tpu.memory_space<vmem>>
      %dma_wait3A_887 = tpu.memref_squeeze %dma_wait3A_886 : memref<1x2560x128xf32, #tpu.memory_space<vmem>> -> memref<2560x128xf32, #tpu.memory_space<vmem>>
      %dma_wait3A_888 = arith.constant 0 : i32
      %dma_wait3A_889 = tpu.memref_slice %arg1[%add3A_879, %dma_wait3A_888] : memref<320000x128xf32, #tpu.memory_space<hbm>> -> memref<2560x128xf32, #tpu.memory_space<hbm>>
      tpu.wait_dma2 semaphore(%dma_wait3A_883 : memref<!tpu.dma_semaphore, #tpu.memory_space<semaphore_mem>>) src(%dma_wait3A_889 : memref<2560x128xf32, #tpu.memory_space<hbm>>) dst(%dma_wait3A_887 : memref<2560x128xf32, #tpu.memory_space<vmem>>)
      %get3A_890 = arith.constant 5 : index
      %get3A_891 = arith.constant 0 : index
      %get3A_892 = arith.constant 0 : index
      %get3A_893 = vector.load %arg6[%get3A_890, %get3A_891, %get3A_892] : memref<8x2560x128xf32, #tpu.memory_space<vmem>>, vector<1x2560x128xf32>
      %get3A_894 = vector.shape_cast %get3A_893 : vector<1x2560x128xf32> to vector<2560x128xf32>
      %get3A_895 = arith.constant 5 : index
      %get3A_896 = arith.constant 0 : index
      %get3A_897 = arith.constant 0 : index
      %get3A_898 = vector.load %arg5[%get3A_895, %get3A_896, %get3A_897] : memref<8x2560x128xf32, #tpu.memory_space<vmem>>, vector<1x2560x128xf32>
      %get3A_899 = vector.shape_cast %get3A_898 : vector<1x2560x128xf32> to vector<2560x128xf32>
      %mul3A_900 = arith.mulf %get3A_894, %get3A_899 : vector<2560x128xf32>
      %max3A_901 = arith.constant 0.000000e+00 : f32
      %max3A_902 = vector.broadcast %max3A_901 : f32 to vector<2560x128xf32>
      %max3A_903 = arith.maximumf %mul3A_900, %max3A_902 : vector<2560x128xf32>
      %dot_general3A_904 = arith.constant dense<0.000000e+00> : vector<1x2560xf32>
      %dot_general3A_905 = tpu.matmul %get3A_1, %max3A_903, %dot_general3A_904 {dimension_numbers = #tpu.dot_dimension_numbers<[1], [1], [0], [0], [0, 0, 1, 0], [], []>, transpose_lhs_hint = false} : vector<1x128xf32>, vector<2560x128xf32>, vector<1x2560xf32> -> vector<1x2560xf32>
      %add3A_906 = vector.broadcast %get3A_5 : f32 to vector<1x2560xf32>
      %add3A_907 = arith.addf %dot_general3A_905, %add3A_906 : vector<1x2560xf32>
      %gt3A_908 = arith.constant 0 : i32
      %gt3A_909 = arith.cmpi sgt, %scan3A_471, %gt3A_908 : i32
      %convert_element_type3A_910 = arith.extui %gt3A_909 : i1 to i32
      %cond3A_911 = arith.constant 0 : i32
      %cond3A_912 = arith.cmpi ne, %convert_element_type3A_910, %cond3A_911 : i32
      scf.if %cond3A_912 {
        %sub3A = arith.constant 8 : i32
        %sub3A_1092 = arith.subi %add3A_861, %sub3A : i32
        %dma_wait3A_1093 = arith.constant 5 : i32
        %dma_wait3A_1094 = arith.constant 5 : i32
        %dma_wait3A_1095 = tpu.memref_slice %arg10[%dma_wait3A_1094] : memref<8x!tpu.dma_semaphore, #tpu.memory_space<semaphore_mem>> -> memref<1x!tpu.dma_semaphore, #tpu.memory_space<semaphore_mem>>
        %dma_wait3A_1096 = tpu.memref_squeeze %dma_wait3A_1095 : memref<1x!tpu.dma_semaphore, #tpu.memory_space<semaphore_mem>> -> memref<!tpu.dma_semaphore, #tpu.memory_space<semaphore_mem>>
        %dma_wait3A_1097 = arith.constant 0 : i32
        %dma_wait3A_1098 = tpu.memref_slice %arg4[%sub3A_1092, %dma_wait3A_1097] : memref<115x2560xf32, #tpu.memory_space<hbm>> -> memref<1x2560xf32, #tpu.memory_space<hbm>>
        %dma_wait3A_1099 = arith.constant 0 : i32
        %dma_wait3A_1100 = arith.constant 0 : i32
        %dma_wait3A_1101 = tpu.memref_slice %arg7[%dma_wait3A_1093, %dma_wait3A_1099, %dma_wait3A_1100] : memref<8x1x2560xf32, #tpu.memory_space<vmem>> -> memref<1x1x2560xf32, #tpu.memory_space<vmem>>
        %dma_wait3A_1102 = tpu.memref_squeeze %dma_wait3A_1101 : memref<1x1x2560xf32, #tpu.memory_space<vmem>> -> memref<1x2560xf32, #tpu.memory_space<vmem>>
        tpu.wait_dma2 semaphore(%dma_wait3A_1096 : memref<!tpu.dma_semaphore, #tpu.memory_space<semaphore_mem>>) src(%dma_wait3A_1102 : memref<1x2560xf32, #tpu.memory_space<vmem>>) dst(%dma_wait3A_1098 : memref<1x2560xf32, #tpu.memory_space<hbm>>)
      } else {
      }
      %swap3A_913 = arith.constant 5 : index
      %swap3A_914 = arith.constant 0 : index
      %swap3A_915 = arith.constant 0 : index
      %swap3A_916 = vector.load %arg7[%swap3A_913, %swap3A_914, %swap3A_915] : memref<8x1x2560xf32, #tpu.memory_space<vmem>>, vector<1x1x2560xf32>
      %swap3A_917 = vector.shape_cast %swap3A_916 : vector<1x1x2560xf32> to vector<1x2560xf32>
      %swap3A_918 = vector.shape_cast %add3A_907 : vector<1x2560xf32> to vector<1x1x2560xf32>
      tpu.vector_store %arg7[%swap3A_913, %swap3A_914, %swap3A_915], %swap3A_918 {strides = array<i32>} : memref<8x1x2560xf32, #tpu.memory_space<vmem>>, vector<1x1x2560xf32>,
      %add3A_919 = arith.constant 8 : i32
      %add3A_920 = arith.addi %add3A_861, %add3A_919 : i32
      %lt3A_921 = arith.constant 115 : i32
      %lt3A_922 = arith.cmpi slt, %add3A_920, %lt3A_921 : i32
      %convert_element_type3A_923 = arith.extui %lt3A_922 : i1 to i32
      %cond3A_924 = arith.constant 0 : i32
      %cond3A_925 = arith.cmpi ne, %convert_element_type3A_923, %cond3A_924 : i32
      scf.if %cond3A_925 {
        %add3A_1092 = arith.constant 8 : i32
        %add3A_1093 = arith.addi %add3A_861, %add3A_1092 : i32
        %mul3A_1094 = arith.constant 2560 : i32
        %mul3A_1095 = arith.muli %add3A_1093, %mul3A_1094 : i32
        %add3A_1096 = arith.constant 25600 : i32
        %add3A_1097 = arith.addi %add3A_1096, %mul3A_1095 : i32
        %dma_start3A_1098 = arith.constant 5 : i32
        %dma_start3A_1099 = arith.constant 5 : i32
        %dma_start3A_1100 = tpu.memref_slice %arg8[%dma_start3A_1099] : memref<8x!tpu.dma_semaphore, #tpu.memory_space<semaphore_mem>> -> memref<1x!tpu.dma_semaphore, #tpu.memory_space<semaphore_mem>>
        %dma_start3A_1101 = tpu.memref_squeeze %dma_start3A_1100 : memref<1x!tpu.dma_semaphore, #tpu.memory_space<semaphore_mem>> -> memref<!tpu.dma_semaphore, #tpu.memory_space<semaphore_mem>>
        %dma_start3A_1102 = arith.constant 0 : i32
        %dma_start3A_1103 = arith.constant 0 : i32
        %dma_start3A_1104 = tpu.memref_slice %arg5[%dma_start3A_1098, %dma_start3A_1102, %dma_start3A_1103] : memref<8x2560x128xf32, #tpu.memory_space<vmem>> -> memref<1x2560x128xf32, #tpu.memory_space<vmem>>
        %dma_start3A_1105 = tpu.memref_squeeze %dma_start3A_1104 : memref<1x2560x128xf32, #tpu.memory_space<vmem>> -> memref<2560x128xf32, #tpu.memory_space<vmem>>
        %dma_start3A_1106 = arith.constant 0 : i32
        %dma_start3A_1107 = tpu.memref_slice %arg0[%add3A_1097, %dma_start3A_1106] : memref<320000x128xf32, #tpu.memory_space<hbm>> -> memref<2560x128xf32, #tpu.memory_space<hbm>>
        tpu.enqueue_dma source(%dma_start3A_1107 : memref<2560x128xf32, #tpu.memory_space<hbm>>) target(%dma_start3A_1105 : memref<2560x128xf32, #tpu.memory_space<vmem>>) target_semaphore(%dma_start3A_1101 : memref<!tpu.dma_semaphore, #tpu.memory_space<semaphore_mem>>)
        %add3A_1108 = arith.constant 8 : i32
        %add3A_1109 = arith.addi %add3A_861, %add3A_1108 : i32
        %mul3A_1110 = arith.constant 2560 : i32
        %mul3A_1111 = arith.muli %add3A_1109, %mul3A_1110 : i32
        %add3A_1112 = arith.constant 25600 : i32
        %add3A_1113 = arith.addi %add3A_1112, %mul3A_1111 : i32
        %dma_start3A_1114 = arith.constant 5 : i32
        %dma_start3A_1115 = arith.constant 5 : i32
        %dma_start3A_1116 = tpu.memref_slice %arg9[%dma_start3A_1115] : memref<8x!tpu.dma_semaphore, #tpu.memory_space<semaphore_mem>> -> memref<1x!tpu.dma_semaphore, #tpu.memory_space<semaphore_mem>>
        %dma_start3A_1117 = tpu.memref_squeeze %dma_start3A_1116 : memref<1x!tpu.dma_semaphore, #tpu.memory_space<semaphore_mem>> -> memref<!tpu.dma_semaphore, #tpu.memory_space<semaphore_mem>>
        %dma_start3A_1118 = arith.constant 0 : i32
        %dma_start3A_1119 = arith.constant 0 : i32
        %dma_start3A_1120 = tpu.memref_slice %arg6[%dma_start3A_1114, %dma_start3A_1118, %dma_start3A_1119] : memref<8x2560x128xf32, #tpu.memory_space<vmem>> -> memref<1x2560x128xf32, #tpu.memory_space<vmem>>
        %dma_start3A_1121 = tpu.memref_squeeze %dma_start3A_1120 : memref<1x2560x128xf32, #tpu.memory_space<vmem>> -> memref<2560x128xf32, #tpu.memory_space<vmem>>
        %dma_start3A_1122 = arith.constant 0 : i32
        %dma_start3A_1123 = tpu.memref_slice %arg1[%add3A_1113, %dma_start3A_1122] : memref<320000x128xf32, #tpu.memory_space<hbm>> -> memref<2560x128xf32, #tpu.memory_space<hbm>>
        tpu.enqueue_dma source(%dma_start3A_1123 : memref<2560x128xf32, #tpu.memory_space<hbm>>) target(%dma_start3A_1121 : memref<2560x128xf32, #tpu.memory_space<vmem>>) target_semaphore(%dma_start3A_1117 : memref<!tpu.dma_semaphore, #tpu.memory_space<semaphore_mem>>)
      } else {
      }
      %dma_start3A_926 = arith.constant 5 : i32
      %dma_start3A_927 = arith.constant 5 : i32
      %dma_start3A_928 = tpu.memref_slice %arg10[%dma_start3A_927] : memref<8x!tpu.dma_semaphore, #tpu.memory_space<semaphore_mem>> -> memref<1x!tpu.dma_semaphore, #tpu.memory_space<semaphore_mem>>
      %dma_start3A_929 = tpu.memref_squeeze %dma_start3A_928 : memref<1x!tpu.dma_semaphore, #tpu.memory_space<semaphore_mem>> -> memref<!tpu.dma_semaphore, #tpu.memory_space<semaphore_mem>>
      %dma_start3A_930 = arith.constant 0 : i32
      %dma_start3A_931 = tpu.memref_slice %arg4[%add3A_861, %dma_start3A_930] : memref<115x2560xf32, #tpu.memory_space<hbm>> -> memref<1x2560xf32, #tpu.memory_space<hbm>>
      %dma_start3A_932 = arith.constant 0 : i32
      %dma_start3A_933 = arith.constant 0 : i32
      %dma_start3A_934 = tpu.memref_slice %arg7[%dma_start3A_926, %dma_start3A_932, %dma_start3A_933] : memref<8x1x2560xf32, #tpu.memory_space<vmem>> -> memref<1x1x2560xf32, #tpu.memory_space<vmem>>
      %dma_start3A_935 = tpu.memref_squeeze %dma_start3A_934 : memref<1x1x2560xf32, #tpu.memory_space<vmem>> -> memref<1x2560xf32, #tpu.memory_space<vmem>>
      tpu.enqueue_dma source(%dma_start3A_935 : memref<1x2560xf32, #tpu.memory_space<vmem>>) target(%dma_start3A_931 : memref<1x2560xf32, #tpu.memory_space<hbm>>) target_semaphore(%dma_start3A_929 : memref<!tpu.dma_semaphore, #tpu.memory_space<semaphore_mem>>)
      %mul3A_936 = arith.constant 8 : i32
      %mul3A_937 = arith.muli %scan3A_471, %mul3A_936 : i32
      %add3A_938 = arith.constant 6 : i32
      %add3A_939 = arith.addi %mul3A_937, %add3A_938 : i32
      %mul3A_940 = arith.constant 2560 : i32
      %mul3A_941 = arith.muli %add3A_939, %mul3A_940 : i32
      %add3A_942 = arith.constant 25600 : i32
      %add3A_943 = arith.addi %add3A_942, %mul3A_941 : i32
      %dma_wait3A_944 = arith.constant 6 : i32
      %dma_wait3A_945 = arith.constant 6 : i32
      %dma_wait3A_946 = tpu.memref_slice %arg8[%dma_wait3A_945] : memref<8x!tpu.dma_semaphore, #tpu.memory_space<semaphore_mem>> -> memref<1x!tpu.dma_semaphore, #tpu.memory_space<semaphore_mem>>
      %dma_wait3A_947 = tpu.memref_squeeze %dma_wait3A_946 : memref<1x!tpu.dma_semaphore, #tpu.memory_space<semaphore_mem>> -> memref<!tpu.dma_semaphore, #tpu.memory_space<semaphore_mem>>
      %dma_wait3A_948 = arith.constant 0 : i32
      %dma_wait3A_949 = arith.constant 0 : i32
      %dma_wait3A_950 = tpu.memref_slice %arg5[%dma_wait3A_944, %dma_wait3A_948, %dma_wait3A_949] : memref<8x2560x128xf32, #tpu.memory_space<vmem>> -> memref<1x2560x128xf32, #tpu.memory_space<vmem>>
      %dma_wait3A_951 = tpu.memref_squeeze %dma_wait3A_950 : memref<1x2560x128xf32, #tpu.memory_space<vmem>> -> memref<2560x128xf32, #tpu.memory_space<vmem>>
      %dma_wait3A_952 = arith.constant 0 : i32
      %dma_wait3A_953 = tpu.memref_slice %arg0[%add3A_943, %dma_wait3A_952] : memref<320000x128xf32, #tpu.memory_space<hbm>> -> memref<2560x128xf32, #tpu.memory_space<hbm>>
      tpu.wait_dma2 semaphore(%dma_wait3A_947 : memref<!tpu.dma_semaphore, #tpu.memory_space<semaphore_mem>>) src(%dma_wait3A_953 : memref<2560x128xf32, #tpu.memory_space<hbm>>) dst(%dma_wait3A_951 : memref<2560x128xf32, #tpu.memory_space<vmem>>)
      %mul3A_954 = arith.constant 2560 : i32
      %mul3A_955 = arith.muli %add3A_939, %mul3A_954 : i32
      %add3A_956 = arith.constant 25600 : i32
      %add3A_957 = arith.addi %add3A_956, %mul3A_955 : i32
      %dma_wait3A_958 = arith.constant 6 : i32
      %dma_wait3A_959 = arith.constant 6 : i32
      %dma_wait3A_960 = tpu.memref_slice %arg9[%dma_wait3A_959] : memref<8x!tpu.dma_semaphore, #tpu.memory_space<semaphore_mem>> -> memref<1x!tpu.dma_semaphore, #tpu.memory_space<semaphore_mem>>
      %dma_wait3A_961 = tpu.memref_squeeze %dma_wait3A_960 : memref<1x!tpu.dma_semaphore, #tpu.memory_space<semaphore_mem>> -> memref<!tpu.dma_semaphore, #tpu.memory_space<semaphore_mem>>
      %dma_wait3A_962 = arith.constant 0 : i32
      %dma_wait3A_963 = arith.constant 0 : i32
      %dma_wait3A_964 = tpu.memref_slice %arg6[%dma_wait3A_958, %dma_wait3A_962, %dma_wait3A_963] : memref<8x2560x128xf32, #tpu.memory_space<vmem>> -> memref<1x2560x128xf32, #tpu.memory_space<vmem>>
      %dma_wait3A_965 = tpu.memref_squeeze %dma_wait3A_964 : memref<1x2560x128xf32, #tpu.memory_space<vmem>> -> memref<2560x128xf32, #tpu.memory_space<vmem>>
      %dma_wait3A_966 = arith.constant 0 : i32
      %dma_wait3A_967 = tpu.memref_slice %arg1[%add3A_957, %dma_wait3A_966] : memref<320000x128xf32, #tpu.memory_space<hbm>> -> memref<2560x128xf32, #tpu.memory_space<hbm>>
      tpu.wait_dma2 semaphore(%dma_wait3A_961 : memref<!tpu.dma_semaphore, #tpu.memory_space<semaphore_mem>>) src(%dma_wait3A_967 : memref<2560x128xf32, #tpu.memory_space<hbm>>) dst(%dma_wait3A_965 : memref<2560x128xf32, #tpu.memory_space<vmem>>)
      %get3A_968 = arith.constant 6 : index
      %get3A_969 = arith.constant 0 : index
      %get3A_970 = arith.constant 0 : index
      %get3A_971 = vector.load %arg6[%get3A_968, %get3A_969, %get3A_970] : memref<8x2560x128xf32, #tpu.memory_space<vmem>>, vector<1x2560x128xf32>
      %get3A_972 = vector.shape_cast %get3A_971 : vector<1x2560x128xf32> to vector<2560x128xf32>
      %get3A_973 = arith.constant 6 : index
      %get3A_974 = arith.constant 0 : index
      %get3A_975 = arith.constant 0 : index
      %get3A_976 = vector.load %arg5[%get3A_973, %get3A_974, %get3A_975] : memref<8x2560x128xf32, #tpu.memory_space<vmem>>, vector<1x2560x128xf32>
      %get3A_977 = vector.shape_cast %get3A_976 : vector<1x2560x128xf32> to vector<2560x128xf32>
      %mul3A_978 = arith.mulf %get3A_972, %get3A_977 : vector<2560x128xf32>
      %max3A_979 = arith.constant 0.000000e+00 : f32
      %max3A_980 = vector.broadcast %max3A_979 : f32 to vector<2560x128xf32>
      %max3A_981 = arith.maximumf %mul3A_978, %max3A_980 : vector<2560x128xf32>
      %dot_general3A_982 = arith.constant dense<0.000000e+00> : vector<1x2560xf32>
      %dot_general3A_983 = tpu.matmul %get3A_1, %max3A_981, %dot_general3A_982 {dimension_numbers = #tpu.dot_dimension_numbers<[1], [1], [0], [0], [0, 0, 1, 0], [], []>, transpose_lhs_hint = false} : vector<1x128xf32>, vector<2560x128xf32>, vector<1x2560xf32> -> vector<1x2560xf32>
      %add3A_984 = vector.broadcast %get3A_5 : f32 to vector<1x2560xf32>
      %add3A_985 = arith.addf %dot_general3A_983, %add3A_984 : vector<1x2560xf32>
      %gt3A_986 = arith.constant 0 : i32
      %gt3A_987 = arith.cmpi sgt, %scan3A_471, %gt3A_986 : i32
      %convert_element_type3A_988 = arith.extui %gt3A_987 : i1 to i32
      %cond3A_989 = arith.constant 0 : i32
      %cond3A_990 = arith.cmpi ne, %convert_element_type3A_988, %cond3A_989 : i32
      scf.if %cond3A_990 {
        %sub3A = arith.constant 8 : i32
        %sub3A_1092 = arith.subi %add3A_939, %sub3A : i32
        %dma_wait3A_1093 = arith.constant 6 : i32
        %dma_wait3A_1094 = arith.constant 6 : i32
        %dma_wait3A_1095 = tpu.memref_slice %arg10[%dma_wait3A_1094] : memref<8x!tpu.dma_semaphore, #tpu.memory_space<semaphore_mem>> -> memref<1x!tpu.dma_semaphore, #tpu.memory_space<semaphore_mem>>
        %dma_wait3A_1096 = tpu.memref_squeeze %dma_wait3A_1095 : memref<1x!tpu.dma_semaphore, #tpu.memory_space<semaphore_mem>> -> memref<!tpu.dma_semaphore, #tpu.memory_space<semaphore_mem>>
        %dma_wait3A_1097 = arith.constant 0 : i32
        %dma_wait3A_1098 = tpu.memref_slice %arg4[%sub3A_1092, %dma_wait3A_1097] : memref<115x2560xf32, #tpu.memory_space<hbm>> -> memref<1x2560xf32, #tpu.memory_space<hbm>>
        %dma_wait3A_1099 = arith.constant 0 : i32
        %dma_wait3A_1100 = arith.constant 0 : i32
        %dma_wait3A_1101 = tpu.memref_slice %arg7[%dma_wait3A_1093, %dma_wait3A_1099, %dma_wait3A_1100] : memref<8x1x2560xf32, #tpu.memory_space<vmem>> -> memref<1x1x2560xf32, #tpu.memory_space<vmem>>
        %dma_wait3A_1102 = tpu.memref_squeeze %dma_wait3A_1101 : memref<1x1x2560xf32, #tpu.memory_space<vmem>> -> memref<1x2560xf32, #tpu.memory_space<vmem>>
        tpu.wait_dma2 semaphore(%dma_wait3A_1096 : memref<!tpu.dma_semaphore, #tpu.memory_space<semaphore_mem>>) src(%dma_wait3A_1102 : memref<1x2560xf32, #tpu.memory_space<vmem>>) dst(%dma_wait3A_1098 : memref<1x2560xf32, #tpu.memory_space<hbm>>)
      } else {
      }
      %swap3A_991 = arith.constant 6 : index
      %swap3A_992 = arith.constant 0 : index
      %swap3A_993 = arith.constant 0 : index
      %swap3A_994 = vector.load %arg7[%swap3A_991, %swap3A_992, %swap3A_993] : memref<8x1x2560xf32, #tpu.memory_space<vmem>>, vector<1x1x2560xf32>
      %swap3A_995 = vector.shape_cast %swap3A_994 : vector<1x1x2560xf32> to vector<1x2560xf32>
      %swap3A_996 = vector.shape_cast %add3A_985 : vector<1x2560xf32> to vector<1x1x2560xf32>
      tpu.vector_store %arg7[%swap3A_991, %swap3A_992, %swap3A_993], %swap3A_996 {strides = array<i32>} : memref<8x1x2560xf32, #tpu.memory_space<vmem>>, vector<1x1x2560xf32>,
      %add3A_997 = arith.constant 8 : i32
      %add3A_998 = arith.addi %add3A_939, %add3A_997 : i32
      %lt3A_999 = arith.constant 115 : i32
      %lt3A_1000 = arith.cmpi slt, %add3A_998, %lt3A_999 : i32
      %convert_element_type3A_1001 = arith.extui %lt3A_1000 : i1 to i32
      %cond3A_1002 = arith.constant 0 : i32
      %cond3A_1003 = arith.cmpi ne, %convert_element_type3A_1001, %cond3A_1002 : i32
      scf.if %cond3A_1003 {
        %add3A_1092 = arith.constant 8 : i32
        %add3A_1093 = arith.addi %add3A_939, %add3A_1092 : i32
        %mul3A_1094 = arith.constant 2560 : i32
        %mul3A_1095 = arith.muli %add3A_1093, %mul3A_1094 : i32
        %add3A_1096 = arith.constant 25600 : i32
        %add3A_1097 = arith.addi %add3A_1096, %mul3A_1095 : i32
        %dma_start3A_1098 = arith.constant 6 : i32
        %dma_start3A_1099 = arith.constant 6 : i32
        %dma_start3A_1100 = tpu.memref_slice %arg8[%dma_start3A_1099] : memref<8x!tpu.dma_semaphore, #tpu.memory_space<semaphore_mem>> -> memref<1x!tpu.dma_semaphore, #tpu.memory_space<semaphore_mem>>
        %dma_start3A_1101 = tpu.memref_squeeze %dma_start3A_1100 : memref<1x!tpu.dma_semaphore, #tpu.memory_space<semaphore_mem>> -> memref<!tpu.dma_semaphore, #tpu.memory_space<semaphore_mem>>
        %dma_start3A_1102 = arith.constant 0 : i32
        %dma_start3A_1103 = arith.constant 0 : i32
        %dma_start3A_1104 = tpu.memref_slice %arg5[%dma_start3A_1098, %dma_start3A_1102, %dma_start3A_1103] : memref<8x2560x128xf32, #tpu.memory_space<vmem>> -> memref<1x2560x128xf32, #tpu.memory_space<vmem>>
        %dma_start3A_1105 = tpu.memref_squeeze %dma_start3A_1104 : memref<1x2560x128xf32, #tpu.memory_space<vmem>> -> memref<2560x128xf32, #tpu.memory_space<vmem>>
        %dma_start3A_1106 = arith.constant 0 : i32
        %dma_start3A_1107 = tpu.memref_slice %arg0[%add3A_1097, %dma_start3A_1106] : memref<320000x128xf32, #tpu.memory_space<hbm>> -> memref<2560x128xf32, #tpu.memory_space<hbm>>
        tpu.enqueue_dma source(%dma_start3A_1107 : memref<2560x128xf32, #tpu.memory_space<hbm>>) target(%dma_start3A_1105 : memref<2560x128xf32, #tpu.memory_space<vmem>>) target_semaphore(%dma_start3A_1101 : memref<!tpu.dma_semaphore, #tpu.memory_space<semaphore_mem>>)
        %add3A_1108 = arith.constant 8 : i32
        %add3A_1109 = arith.addi %add3A_939, %add3A_1108 : i32
        %mul3A_1110 = arith.constant 2560 : i32
        %mul3A_1111 = arith.muli %add3A_1109, %mul3A_1110 : i32
        %add3A_1112 = arith.constant 25600 : i32
        %add3A_1113 = arith.addi %add3A_1112, %mul3A_1111 : i32
        %dma_start3A_1114 = arith.constant 6 : i32
        %dma_start3A_1115 = arith.constant 6 : i32
        %dma_start3A_1116 = tpu.memref_slice %arg9[%dma_start3A_1115] : memref<8x!tpu.dma_semaphore, #tpu.memory_space<semaphore_mem>> -> memref<1x!tpu.dma_semaphore, #tpu.memory_space<semaphore_mem>>
        %dma_start3A_1117 = tpu.memref_squeeze %dma_start3A_1116 : memref<1x!tpu.dma_semaphore, #tpu.memory_space<semaphore_mem>> -> memref<!tpu.dma_semaphore, #tpu.memory_space<semaphore_mem>>
        %dma_start3A_1118 = arith.constant 0 : i32
        %dma_start3A_1119 = arith.constant 0 : i32
        %dma_start3A_1120 = tpu.memref_slice %arg6[%dma_start3A_1114, %dma_start3A_1118, %dma_start3A_1119] : memref<8x2560x128xf32, #tpu.memory_space<vmem>> -> memref<1x2560x128xf32, #tpu.memory_space<vmem>>
        %dma_start3A_1121 = tpu.memref_squeeze %dma_start3A_1120 : memref<1x2560x128xf32, #tpu.memory_space<vmem>> -> memref<2560x128xf32, #tpu.memory_space<vmem>>
        %dma_start3A_1122 = arith.constant 0 : i32
        %dma_start3A_1123 = tpu.memref_slice %arg1[%add3A_1113, %dma_start3A_1122] : memref<320000x128xf32, #tpu.memory_space<hbm>> -> memref<2560x128xf32, #tpu.memory_space<hbm>>
        tpu.enqueue_dma source(%dma_start3A_1123 : memref<2560x128xf32, #tpu.memory_space<hbm>>) target(%dma_start3A_1121 : memref<2560x128xf32, #tpu.memory_space<vmem>>) target_semaphore(%dma_start3A_1117 : memref<!tpu.dma_semaphore, #tpu.memory_space<semaphore_mem>>)
      } else {
      }
      %dma_start3A_1004 = arith.constant 6 : i32
      %dma_start3A_1005 = arith.constant 6 : i32
      %dma_start3A_1006 = tpu.memref_slice %arg10[%dma_start3A_1005] : memref<8x!tpu.dma_semaphore, #tpu.memory_space<semaphore_mem>> -> memref<1x!tpu.dma_semaphore, #tpu.memory_space<semaphore_mem>>
      %dma_start3A_1007 = tpu.memref_squeeze %dma_start3A_1006 : memref<1x!tpu.dma_semaphore, #tpu.memory_space<semaphore_mem>> -> memref<!tpu.dma_semaphore, #tpu.memory_space<semaphore_mem>>
      %dma_start3A_1008 = arith.constant 0 : i32
      %dma_start3A_1009 = tpu.memref_slice %arg4[%add3A_939, %dma_start3A_1008] : memref<115x2560xf32, #tpu.memory_space<hbm>> -> memref<1x2560xf32, #tpu.memory_space<hbm>>
      %dma_start3A_1010 = arith.constant 0 : i32
      %dma_start3A_1011 = arith.constant 0 : i32
      %dma_start3A_1012 = tpu.memref_slice %arg7[%dma_start3A_1004, %dma_start3A_1010, %dma_start3A_1011] : memref<8x1x2560xf32, #tpu.memory_space<vmem>> -> memref<1x1x2560xf32, #tpu.memory_space<vmem>>
      %dma_start3A_1013 = tpu.memref_squeeze %dma_start3A_1012 : memref<1x1x2560xf32, #tpu.memory_space<vmem>> -> memref<1x2560xf32, #tpu.memory_space<vmem>>
      tpu.enqueue_dma source(%dma_start3A_1013 : memref<1x2560xf32, #tpu.memory_space<vmem>>) target(%dma_start3A_1009 : memref<1x2560xf32, #tpu.memory_space<hbm>>) target_semaphore(%dma_start3A_1007 : memref<!tpu.dma_semaphore, #tpu.memory_space<semaphore_mem>>)
      %mul3A_1014 = arith.constant 8 : i32
      %mul3A_1015 = arith.muli %scan3A_471, %mul3A_1014 : i32
      %add3A_1016 = arith.constant 7 : i32
      %add3A_1017 = arith.addi %mul3A_1015, %add3A_1016 : i32
      %mul3A_1018 = arith.constant 2560 : i32
      %mul3A_1019 = arith.muli %add3A_1017, %mul3A_1018 : i32
      %add3A_1020 = arith.constant 25600 : i32
      %add3A_1021 = arith.addi %add3A_1020, %mul3A_1019 : i32
      %dma_wait3A_1022 = arith.constant 7 : i32
      %dma_wait3A_1023 = arith.constant 7 : i32
      %dma_wait3A_1024 = tpu.memref_slice %arg8[%dma_wait3A_1023] : memref<8x!tpu.dma_semaphore, #tpu.memory_space<semaphore_mem>> -> memref<1x!tpu.dma_semaphore, #tpu.memory_space<semaphore_mem>>
      %dma_wait3A_1025 = tpu.memref_squeeze %dma_wait3A_1024 : memref<1x!tpu.dma_semaphore, #tpu.memory_space<semaphore_mem>> -> memref<!tpu.dma_semaphore, #tpu.memory_space<semaphore_mem>>
      %dma_wait3A_1026 = arith.constant 0 : i32
      %dma_wait3A_1027 = arith.constant 0 : i32
      %dma_wait3A_1028 = tpu.memref_slice %arg5[%dma_wait3A_1022, %dma_wait3A_1026, %dma_wait3A_1027] : memref<8x2560x128xf32, #tpu.memory_space<vmem>> -> memref<1x2560x128xf32, #tpu.memory_space<vmem>>
      %dma_wait3A_1029 = tpu.memref_squeeze %dma_wait3A_1028 : memref<1x2560x128xf32, #tpu.memory_space<vmem>> -> memref<2560x128xf32, #tpu.memory_space<vmem>>
      %dma_wait3A_1030 = arith.constant 0 : i32
      %dma_wait3A_1031 = tpu.memref_slice %arg0[%add3A_1021, %dma_wait3A_1030] : memref<320000x128xf32, #tpu.memory_space<hbm>> -> memref<2560x128xf32, #tpu.memory_space<hbm>>
      tpu.wait_dma2 semaphore(%dma_wait3A_1025 : memref<!tpu.dma_semaphore, #tpu.memory_space<semaphore_mem>>) src(%dma_wait3A_1031 : memref<2560x128xf32, #tpu.memory_space<hbm>>) dst(%dma_wait3A_1029 : memref<2560x128xf32, #tpu.memory_space<vmem>>)
      %mul3A_1032 = arith.constant 2560 : i32
      %mul3A_1033 = arith.muli %add3A_1017, %mul3A_1032 : i32
      %add3A_1034 = arith.constant 25600 : i32
      %add3A_1035 = arith.addi %add3A_1034, %mul3A_1033 : i32
      %dma_wait3A_1036 = arith.constant 7 : i32
      %dma_wait3A_1037 = arith.constant 7 : i32
      %dma_wait3A_1038 = tpu.memref_slice %arg9[%dma_wait3A_1037] : memref<8x!tpu.dma_semaphore, #tpu.memory_space<semaphore_mem>> -> memref<1x!tpu.dma_semaphore, #tpu.memory_space<semaphore_mem>>
      %dma_wait3A_1039 = tpu.memref_squeeze %dma_wait3A_1038 : memref<1x!tpu.dma_semaphore, #tpu.memory_space<semaphore_mem>> -> memref<!tpu.dma_semaphore, #tpu.memory_space<semaphore_mem>>
      %dma_wait3A_1040 = arith.constant 0 : i32
      %dma_wait3A_1041 = arith.constant 0 : i32
      %dma_wait3A_1042 = tpu.memref_slice %arg6[%dma_wait3A_1036, %dma_wait3A_1040, %dma_wait3A_1041] : memref<8x2560x128xf32, #tpu.memory_space<vmem>> -> memref<1x2560x128xf32, #tpu.memory_space<vmem>>
      %dma_wait3A_1043 = tpu.memref_squeeze %dma_wait3A_1042 : memref<1x2560x128xf32, #tpu.memory_space<vmem>> -> memref<2560x128xf32, #tpu.memory_space<vmem>>
      %dma_wait3A_1044 = arith.constant 0 : i32
      %dma_wait3A_1045 = tpu.memref_slice %arg1[%add3A_1035, %dma_wait3A_1044] : memref<320000x128xf32, #tpu.memory_space<hbm>> -> memref<2560x128xf32, #tpu.memory_space<hbm>>
      tpu.wait_dma2 semaphore(%dma_wait3A_1039 : memref<!tpu.dma_semaphore, #tpu.memory_space<semaphore_mem>>) src(%dma_wait3A_1045 : memref<2560x128xf32, #tpu.memory_space<hbm>>) dst(%dma_wait3A_1043 : memref<2560x128xf32, #tpu.memory_space<vmem>>)
      %get3A_1046 = arith.constant 7 : index
      %get3A_1047 = arith.constant 0 : index
      %get3A_1048 = arith.constant 0 : index
      %get3A_1049 = vector.load %arg6[%get3A_1046, %get3A_1047, %get3A_1048] : memref<8x2560x128xf32, #tpu.memory_space<vmem>>, vector<1x2560x128xf32>
      %get3A_1050 = vector.shape_cast %get3A_1049 : vector<1x2560x128xf32> to vector<2560x128xf32>
      %get3A_1051 = arith.constant 7 : index
      %get3A_1052 = arith.constant 0 : index
      %get3A_1053 = arith.constant 0 : index
      %get3A_1054 = vector.load %arg5[%get3A_1051, %get3A_1052, %get3A_1053] : memref<8x2560x128xf32, #tpu.memory_space<vmem>>, vector<1x2560x128xf32>
      %get3A_1055 = vector.shape_cast %get3A_1054 : vector<1x2560x128xf32> to vector<2560x128xf32>
      %mul3A_1056 = arith.mulf %get3A_1050, %get3A_1055 : vector<2560x128xf32>
      %max3A_1057 = arith.constant 0.000000e+00 : f32
      %max3A_1058 = vector.broadcast %max3A_1057 : f32 to vector<2560x128xf32>
      %max3A_1059 = arith.maximumf %mul3A_1056, %max3A_1058 : vector<2560x128xf32>
      %dot_general3A_1060 = arith.constant dense<0.000000e+00> : vector<1x2560xf32>
      %dot_general3A_1061 = tpu.matmul %get3A_1, %max3A_1059, %dot_general3A_1060 {dimension_numbers = #tpu.dot_dimension_numbers<[1], [1], [0], [0], [0, 0, 1, 0], [], []>, transpose_lhs_hint = false} : vector<1x128xf32>, vector<2560x128xf32>, vector<1x2560xf32> -> vector<1x2560xf32>
      %add3A_1062 = vector.broadcast %get3A_5 : f32 to vector<1x2560xf32>
      %add3A_1063 = arith.addf %dot_general3A_1061, %add3A_1062 : vector<1x2560xf32>
      %gt3A_1064 = arith.constant 0 : i32
      %gt3A_1065 = arith.cmpi sgt, %scan3A_471, %gt3A_1064 : i32
      %convert_element_type3A_1066 = arith.extui %gt3A_1065 : i1 to i32
      %cond3A_1067 = arith.constant 0 : i32
      %cond3A_1068 = arith.cmpi ne, %convert_element_type3A_1066, %cond3A_1067 : i32
      scf.if %cond3A_1068 {
        %sub3A = arith.constant 8 : i32
        %sub3A_1092 = arith.subi %add3A_1017, %sub3A : i32
        %dma_wait3A_1093 = arith.constant 7 : i32
        %dma_wait3A_1094 = arith.constant 7 : i32
        %dma_wait3A_1095 = tpu.memref_slice %arg10[%dma_wait3A_1094] : memref<8x!tpu.dma_semaphore, #tpu.memory_space<semaphore_mem>> -> memref<1x!tpu.dma_semaphore, #tpu.memory_space<semaphore_mem>>
        %dma_wait3A_1096 = tpu.memref_squeeze %dma_wait3A_1095 : memref<1x!tpu.dma_semaphore, #tpu.memory_space<semaphore_mem>> -> memref<!tpu.dma_semaphore, #tpu.memory_space<semaphore_mem>>
        %dma_wait3A_1097 = arith.constant 0 : i32
        %dma_wait3A_1098 = tpu.memref_slice %arg4[%sub3A_1092, %dma_wait3A_1097] : memref<115x2560xf32, #tpu.memory_space<hbm>> -> memref<1x2560xf32, #tpu.memory_space<hbm>>
        %dma_wait3A_1099 = arith.constant 0 : i32
        %dma_wait3A_1100 = arith.constant 0 : i32
        %dma_wait3A_1101 = tpu.memref_slice %arg7[%dma_wait3A_1093, %dma_wait3A_1099, %dma_wait3A_1100] : memref<8x1x2560xf32, #tpu.memory_space<vmem>> -> memref<1x1x2560xf32, #tpu.memory_space<vmem>>
        %dma_wait3A_1102 = tpu.memref_squeeze %dma_wait3A_1101 : memref<1x1x2560xf32, #tpu.memory_space<vmem>> -> memref<1x2560xf32, #tpu.memory_space<vmem>>
        tpu.wait_dma2 semaphore(%dma_wait3A_1096 : memref<!tpu.dma_semaphore, #tpu.memory_space<semaphore_mem>>) src(%dma_wait3A_1102 : memref<1x2560xf32, #tpu.memory_space<vmem>>) dst(%dma_wait3A_1098 : memref<1x2560xf32, #tpu.memory_space<hbm>>)
      } else {
      }
      %swap3A_1069 = arith.constant 7 : index
      %swap3A_1070 = arith.constant 0 : index
      %swap3A_1071 = arith.constant 0 : index
      %swap3A_1072 = vector.load %arg7[%swap3A_1069, %swap3A_1070, %swap3A_1071] : memref<8x1x2560xf32, #tpu.memory_space<vmem>>, vector<1x1x2560xf32>
      %swap3A_1073 = vector.shape_cast %swap3A_1072 : vector<1x1x2560xf32> to vector<1x2560xf32>
      %swap3A_1074 = vector.shape_cast %add3A_1063 : vector<1x2560xf32> to vector<1x1x2560xf32>
      tpu.vector_store %arg7[%swap3A_1069, %swap3A_1070, %swap3A_1071], %swap3A_1074 {strides = array<i32>} : memref<8x1x2560xf32, #tpu.memory_space<vmem>>, vector<1x1x2560xf32>,
      %add3A_1075 = arith.constant 8 : i32
      %add3A_1076 = arith.addi %add3A_1017, %add3A_1075 : i32
      %lt3A_1077 = arith.constant 115 : i32
      %lt3A_1078 = arith.cmpi slt, %add3A_1076, %lt3A_1077 : i32
      %convert_element_type3A_1079 = arith.extui %lt3A_1078 : i1 to i32
      %cond3A_1080 = arith.constant 0 : i32
      %cond3A_1081 = arith.cmpi ne, %convert_element_type3A_1079, %cond3A_1080 : i32
      scf.if %cond3A_1081 {
        %add3A_1092 = arith.constant 8 : i32
        %add3A_1093 = arith.addi %add3A_1017, %add3A_1092 : i32
        %mul3A_1094 = arith.constant 2560 : i32
        %mul3A_1095 = arith.muli %add3A_1093, %mul3A_1094 : i32
        %add3A_1096 = arith.constant 25600 : i32
        %add3A_1097 = arith.addi %add3A_1096, %mul3A_1095 : i32
        %dma_start3A_1098 = arith.constant 7 : i32
        %dma_start3A_1099 = arith.constant 7 : i32
        %dma_start3A_1100 = tpu.memref_slice %arg8[%dma_start3A_1099] : memref<8x!tpu.dma_semaphore, #tpu.memory_space<semaphore_mem>> -> memref<1x!tpu.dma_semaphore, #tpu.memory_space<semaphore_mem>>
        %dma_start3A_1101 = tpu.memref_squeeze %dma_start3A_1100 : memref<1x!tpu.dma_semaphore, #tpu.memory_space<semaphore_mem>> -> memref<!tpu.dma_semaphore, #tpu.memory_space<semaphore_mem>>
        %dma_start3A_1102 = arith.constant 0 : i32
        %dma_start3A_1103 = arith.constant 0 : i32
        %dma_start3A_1104 = tpu.memref_slice %arg5[%dma_start3A_1098, %dma_start3A_1102, %dma_start3A_1103] : memref<8x2560x128xf32, #tpu.memory_space<vmem>> -> memref<1x2560x128xf32, #tpu.memory_space<vmem>>
        %dma_start3A_1105 = tpu.memref_squeeze %dma_start3A_1104 : memref<1x2560x128xf32, #tpu.memory_space<vmem>> -> memref<2560x128xf32, #tpu.memory_space<vmem>>
        %dma_start3A_1106 = arith.constant 0 : i32
        %dma_start3A_1107 = tpu.memref_slice %arg0[%add3A_1097, %dma_start3A_1106] : memref<320000x128xf32, #tpu.memory_space<hbm>> -> memref<2560x128xf32, #tpu.memory_space<hbm>>
        tpu.enqueue_dma source(%dma_start3A_1107 : memref<2560x128xf32, #tpu.memory_space<hbm>>) target(%dma_start3A_1105 : memref<2560x128xf32, #tpu.memory_space<vmem>>) target_semaphore(%dma_start3A_1101 : memref<!tpu.dma_semaphore, #tpu.memory_space<semaphore_mem>>)
        %add3A_1108 = arith.constant 8 : i32
        %add3A_1109 = arith.addi %add3A_1017, %add3A_1108 : i32
        %mul3A_1110 = arith.constant 2560 : i32
        %mul3A_1111 = arith.muli %add3A_1109, %mul3A_1110 : i32
        %add3A_1112 = arith.constant 25600 : i32
        %add3A_1113 = arith.addi %add3A_1112, %mul3A_1111 : i32
        %dma_start3A_1114 = arith.constant 7 : i32
        %dma_start3A_1115 = arith.constant 7 : i32
        %dma_start3A_1116 = tpu.memref_slice %arg9[%dma_start3A_1115] : memref<8x!tpu.dma_semaphore, #tpu.memory_space<semaphore_mem>> -> memref<1x!tpu.dma_semaphore, #tpu.memory_space<semaphore_mem>>
        %dma_start3A_1117 = tpu.memref_squeeze %dma_start3A_1116 : memref<1x!tpu.dma_semaphore, #tpu.memory_space<semaphore_mem>> -> memref<!tpu.dma_semaphore, #tpu.memory_space<semaphore_mem>>
        %dma_start3A_1118 = arith.constant 0 : i32
        %dma_start3A_1119 = arith.constant 0 : i32
        %dma_start3A_1120 = tpu.memref_slice %arg6[%dma_start3A_1114, %dma_start3A_1118, %dma_start3A_1119] : memref<8x2560x128xf32, #tpu.memory_space<vmem>> -> memref<1x2560x128xf32, #tpu.memory_space<vmem>>
        %dma_start3A_1121 = tpu.memref_squeeze %dma_start3A_1120 : memref<1x2560x128xf32, #tpu.memory_space<vmem>> -> memref<2560x128xf32, #tpu.memory_space<vmem>>
        %dma_start3A_1122 = arith.constant 0 : i32
        %dma_start3A_1123 = tpu.memref_slice %arg1[%add3A_1113, %dma_start3A_1122] : memref<320000x128xf32, #tpu.memory_space<hbm>> -> memref<2560x128xf32, #tpu.memory_space<hbm>>
        tpu.enqueue_dma source(%dma_start3A_1123 : memref<2560x128xf32, #tpu.memory_space<hbm>>) target(%dma_start3A_1121 : memref<2560x128xf32, #tpu.memory_space<vmem>>) target_semaphore(%dma_start3A_1117 : memref<!tpu.dma_semaphore, #tpu.memory_space<semaphore_mem>>)
      } else {
      }
      %dma_start3A_1082 = arith.constant 7 : i32
      %dma_start3A_1083 = arith.constant 7 : i32
      %dma_start3A_1084 = tpu.memref_slice %arg10[%dma_start3A_1083] : memref<8x!tpu.dma_semaphore, #tpu.memory_space<semaphore_mem>> -> memref<1x!tpu.dma_semaphore, #tpu.memory_space<semaphore_mem>>
      %dma_start3A_1085 = tpu.memref_squeeze %dma_start3A_1084 : memref<1x!tpu.dma_semaphore, #tpu.memory_space<semaphore_mem>> -> memref<!tpu.dma_semaphore, #tpu.memory_space<semaphore_mem>>
      %dma_start3A_1086 = arith.constant 0 : i32
      %dma_start3A_1087 = tpu.memref_slice %arg4[%add3A_1017, %dma_start3A_1086] : memref<115x2560xf32, #tpu.memory_space<hbm>> -> memref<1x2560xf32, #tpu.memory_space<hbm>>
      %dma_start3A_1088 = arith.constant 0 : i32
      %dma_start3A_1089 = arith.constant 0 : i32
      %dma_start3A_1090 = tpu.memref_slice %arg7[%dma_start3A_1082, %dma_start3A_1088, %dma_start3A_1089] : memref<8x1x2560xf32, #tpu.memory_space<vmem>> -> memref<1x1x2560xf32, #tpu.memory_space<vmem>>
      %dma_start3A_1091 = tpu.memref_squeeze %dma_start3A_1090 : memref<1x1x2560xf32, #tpu.memory_space<vmem>> -> memref<1x2560xf32, #tpu.memory_space<vmem>>
      tpu.enqueue_dma source(%dma_start3A_1091 : memref<1x2560xf32, #tpu.memory_space<vmem>>) target(%dma_start3A_1087 : memref<1x2560xf32, #tpu.memory_space<hbm>>) target_semaphore(%dma_start3A_1085 : memref<!tpu.dma_semaphore, #tpu.memory_space<semaphore_mem>>)
    }
    %scan3A_184 = arith.constant 14 : i32
    %dma_wait3A = arith.constant 0 : i32
    %dma_wait3A_185 = arith.constant 0 : i32
    %dma_wait3A_186 = tpu.memref_slice %arg8[%dma_wait3A_185] : memref<8x!tpu.dma_semaphore, #tpu.memory_space<semaphore_mem>> -> memref<1x!tpu.dma_semaphore, #tpu.memory_space<semaphore_mem>>
    %dma_wait3A_187 = tpu.memref_squeeze %dma_wait3A_186 : memref<1x!tpu.dma_semaphore, #tpu.memory_space<semaphore_mem>> -> memref<!tpu.dma_semaphore, #tpu.memory_space<semaphore_mem>>
    %dma_wait3A_188 = arith.constant 0 : i32
    %dma_wait3A_189 = arith.constant 0 : i32
    %dma_wait3A_190 = tpu.memref_slice %arg5[%dma_wait3A, %dma_wait3A_188, %dma_wait3A_189] : memref<8x2560x128xf32, #tpu.memory_space<vmem>> -> memref<1x2560x128xf32, #tpu.memory_space<vmem>>
    %dma_wait3A_191 = tpu.memref_squeeze %dma_wait3A_190 : memref<1x2560x128xf32, #tpu.memory_space<vmem>> -> memref<2560x128xf32, #tpu.memory_space<vmem>>
    %dma_wait3A_192 = arith.constant 312320 : i32
    %dma_wait3A_193 = arith.constant 0 : i32
    %dma_wait3A_194 = tpu.memref_slice %arg0[%dma_wait3A_192, %dma_wait3A_193] : memref<320000x128xf32, #tpu.memory_space<hbm>> -> memref<2560x128xf32, #tpu.memory_space<hbm>>
    tpu.wait_dma2 semaphore(%dma_wait3A_187 : memref<!tpu.dma_semaphore, #tpu.memory_space<semaphore_mem>>) src(%dma_wait3A_194 : memref<2560x128xf32, #tpu.memory_space<hbm>>) dst(%dma_wait3A_191 : memref<2560x128xf32, #tpu.memory_space<vmem>>)
    %dma_wait3A_195 = arith.constant 0 : i32
    %dma_wait3A_196 = arith.constant 0 : i32
    %dma_wait3A_197 = tpu.memref_slice %arg9[%dma_wait3A_196] : memref<8x!tpu.dma_semaphore, #tpu.memory_space<semaphore_mem>> -> memref<1x!tpu.dma_semaphore, #tpu.memory_space<semaphore_mem>>
    %dma_wait3A_198 = tpu.memref_squeeze %dma_wait3A_197 : memref<1x!tpu.dma_semaphore, #tpu.memory_space<semaphore_mem>> -> memref<!tpu.dma_semaphore, #tpu.memory_space<semaphore_mem>>
    %dma_wait3A_199 = arith.constant 0 : i32
    %dma_wait3A_200 = arith.constant 0 : i32
    %dma_wait3A_201 = tpu.memref_slice %arg6[%dma_wait3A_195, %dma_wait3A_199, %dma_wait3A_200] : memref<8x2560x128xf32, #tpu.memory_space<vmem>> -> memref<1x2560x128xf32, #tpu.memory_space<vmem>>
    %dma_wait3A_202 = tpu.memref_squeeze %dma_wait3A_201 : memref<1x2560x128xf32, #tpu.memory_space<vmem>> -> memref<2560x128xf32, #tpu.memory_space<vmem>>
    %dma_wait3A_203 = arith.constant 312320 : i32
    %dma_wait3A_204 = arith.constant 0 : i32
    %dma_wait3A_205 = tpu.memref_slice %arg1[%dma_wait3A_203, %dma_wait3A_204] : memref<320000x128xf32, #tpu.memory_space<hbm>> -> memref<2560x128xf32, #tpu.memory_space<hbm>>
    tpu.wait_dma2 semaphore(%dma_wait3A_198 : memref<!tpu.dma_semaphore, #tpu.memory_space<semaphore_mem>>) src(%dma_wait3A_205 : memref<2560x128xf32, #tpu.memory_space<hbm>>) dst(%dma_wait3A_202 : memref<2560x128xf32, #tpu.memory_space<vmem>>)
    %get3A_206 = arith.constant 0 : index
    %get3A_207 = arith.constant 0 : index
    %get3A_208 = arith.constant 0 : index
    %get3A_209 = vector.load %arg6[%get3A_206, %get3A_207, %get3A_208] : memref<8x2560x128xf32, #tpu.memory_space<vmem>>, vector<1x2560x128xf32>
    %get3A_210 = vector.shape_cast %get3A_209 : vector<1x2560x128xf32> to vector<2560x128xf32>
    %get3A_211 = arith.constant 0 : index
    %get3A_212 = arith.constant 0 : index
    %get3A_213 = arith.constant 0 : index
    %get3A_214 = vector.load %arg5[%get3A_211, %get3A_212, %get3A_213] : memref<8x2560x128xf32, #tpu.memory_space<vmem>>, vector<1x2560x128xf32>
    %get3A_215 = vector.shape_cast %get3A_214 : vector<1x2560x128xf32> to vector<2560x128xf32>
    %mul3A = arith.mulf %get3A_210, %get3A_215 : vector<2560x128xf32>
    %max3A = arith.constant 0.000000e+00 : f32
    %max3A_216 = vector.broadcast %max3A : f32 to vector<2560x128xf32>
    %max3A_217 = arith.maximumf %mul3A, %max3A_216 : vector<2560x128xf32>
    %dot_general3A = arith.constant dense<0.000000e+00> : vector<1x2560xf32>
    %dot_general3A_218 = tpu.matmul %get3A_1, %max3A_217, %dot_general3A {dimension_numbers = #tpu.dot_dimension_numbers<[1], [1], [0], [0], [0, 0, 1, 0], [], []>, transpose_lhs_hint = false} : vector<1x128xf32>, vector<2560x128xf32>, vector<1x2560xf32> -> vector<1x2560xf32>
    %add3A = vector.broadcast %get3A_5 : f32 to vector<1x2560xf32>
    %add3A_219 = arith.addf %dot_general3A_218, %add3A : vector<1x2560xf32>
    %dma_wait3A_220 = arith.constant 0 : i32
    %dma_wait3A_221 = arith.constant 0 : i32
    %dma_wait3A_222 = tpu.memref_slice %arg10[%dma_wait3A_221] : memref<8x!tpu.dma_semaphore, #tpu.memory_space<semaphore_mem>> -> memref<1x!tpu.dma_semaphore, #tpu.memory_space<semaphore_mem>>
    %dma_wait3A_223 = tpu.memref_squeeze %dma_wait3A_222 : memref<1x!tpu.dma_semaphore, #tpu.memory_space<semaphore_mem>> -> memref<!tpu.dma_semaphore, #tpu.memory_space<semaphore_mem>>
    %dma_wait3A_224 = arith.constant 104 : i32
    %dma_wait3A_225 = arith.constant 0 : i32
    %dma_wait3A_226 = tpu.memref_slice %arg4[%dma_wait3A_224, %dma_wait3A_225] : memref<115x2560xf32, #tpu.memory_space<hbm>> -> memref<1x2560xf32, #tpu.memory_space<hbm>>
    %dma_wait3A_227 = arith.constant 0 : i32
    %dma_wait3A_228 = arith.constant 0 : i32
    %dma_wait3A_229 = tpu.memref_slice %arg7[%dma_wait3A_220, %dma_wait3A_227, %dma_wait3A_228] : memref<8x1x2560xf32, #tpu.memory_space<vmem>> -> memref<1x1x2560xf32, #tpu.memory_space<vmem>>
    %dma_wait3A_230 = tpu.memref_squeeze %dma_wait3A_229 : memref<1x1x2560xf32, #tpu.memory_space<vmem>> -> memref<1x2560xf32, #tpu.memory_space<vmem>>
    tpu.wait_dma2 semaphore(%dma_wait3A_223 : memref<!tpu.dma_semaphore, #tpu.memory_space<semaphore_mem>>) src(%dma_wait3A_230 : memref<1x2560xf32, #tpu.memory_space<vmem>>) dst(%dma_wait3A_226 : memref<1x2560xf32, #tpu.memory_space<hbm>>)
    %swap3A = arith.constant 0 : index
    %swap3A_231 = arith.constant 0 : index
    %swap3A_232 = arith.constant 0 : index
    %swap3A_233 = vector.load %arg7[%swap3A, %swap3A_231, %swap3A_232] : memref<8x1x2560xf32, #tpu.memory_space<vmem>>, vector<1x1x2560xf32>
    %swap3A_234 = vector.shape_cast %swap3A_233 : vector<1x1x2560xf32> to vector<1x2560xf32>
    %swap3A_235 = vector.shape_cast %add3A_219 : vector<1x2560xf32> to vector<1x1x2560xf32>
    tpu.vector_store %arg7[%swap3A, %swap3A_231, %swap3A_232], %swap3A_235 {strides = array<i32>} : memref<8x1x2560xf32, #tpu.memory_space<vmem>>, vector<1x1x2560xf32>,
    %dma_start3A_236 = arith.constant 0 : i32
    %dma_start3A_237 = arith.constant 0 : i32
    %dma_start3A_238 = tpu.memref_slice %arg10[%dma_start3A_237] : memref<8x!tpu.dma_semaphore, #tpu.memory_space<semaphore_mem>> -> memref<1x!tpu.dma_semaphore, #tpu.memory_space<semaphore_mem>>
    %dma_start3A_239 = tpu.memref_squeeze %dma_start3A_238 : memref<1x!tpu.dma_semaphore, #tpu.memory_space<semaphore_mem>> -> memref<!tpu.dma_semaphore, #tpu.memory_space<semaphore_mem>>
    %dma_start3A_240 = arith.constant 112 : i32
    %dma_start3A_241 = arith.constant 0 : i32
    %dma_start3A_242 = tpu.memref_slice %arg4[%dma_start3A_240, %dma_start3A_241] : memref<115x2560xf32, #tpu.memory_space<hbm>> -> memref<1x2560xf32, #tpu.memory_space<hbm>>
    %dma_start3A_243 = arith.constant 0 : i32
    %dma_start3A_244 = arith.constant 0 : i32
    %dma_start3A_245 = tpu.memref_slice %arg7[%dma_start3A_236, %dma_start3A_243, %dma_start3A_244] : memref<8x1x2560xf32, #tpu.memory_space<vmem>> -> memref<1x1x2560xf32, #tpu.memory_space<vmem>>
    %dma_start3A_246 = tpu.memref_squeeze %dma_start3A_245 : memref<1x1x2560xf32, #tpu.memory_space<vmem>> -> memref<1x2560xf32, #tpu.memory_space<vmem>>
    tpu.enqueue_dma source(%dma_start3A_246 : memref<1x2560xf32, #tpu.memory_space<vmem>>) target(%dma_start3A_242 : memref<1x2560xf32, #tpu.memory_space<hbm>>) target_semaphore(%dma_start3A_239 : memref<!tpu.dma_semaphore, #tpu.memory_space<semaphore_mem>>)
    %dma_wait3A_247 = arith.constant 1 : i32
    %dma_wait3A_248 = arith.constant 1 : i32
    %dma_wait3A_249 = tpu.memref_slice %arg8[%dma_wait3A_248] : memref<8x!tpu.dma_semaphore, #tpu.memory_space<semaphore_mem>> -> memref<1x!tpu.dma_semaphore, #tpu.memory_space<semaphore_mem>>
    %dma_wait3A_250 = tpu.memref_squeeze %dma_wait3A_249 : memref<1x!tpu.dma_semaphore, #tpu.memory_space<semaphore_mem>> -> memref<!tpu.dma_semaphore, #tpu.memory_space<semaphore_mem>>
    %dma_wait3A_251 = arith.constant 0 : i32
    %dma_wait3A_252 = arith.constant 0 : i32
    %dma_wait3A_253 = tpu.memref_slice %arg5[%dma_wait3A_247, %dma_wait3A_251, %dma_wait3A_252] : memref<8x2560x128xf32, #tpu.memory_space<vmem>> -> memref<1x2560x128xf32, #tpu.memory_space<vmem>>
    %dma_wait3A_254 = tpu.memref_squeeze %dma_wait3A_253 : memref<1x2560x128xf32, #tpu.memory_space<vmem>> -> memref<2560x128xf32, #tpu.memory_space<vmem>>
    %dma_wait3A_255 = arith.constant 314880 : i32
    %dma_wait3A_256 = arith.constant 0 : i32
    %dma_wait3A_257 = tpu.memref_slice %arg0[%dma_wait3A_255, %dma_wait3A_256] : memref<320000x128xf32, #tpu.memory_space<hbm>> -> memref<2560x128xf32, #tpu.memory_space<hbm>>
    tpu.wait_dma2 semaphore(%dma_wait3A_250 : memref<!tpu.dma_semaphore, #tpu.memory_space<semaphore_mem>>) src(%dma_wait3A_257 : memref<2560x128xf32, #tpu.memory_space<hbm>>) dst(%dma_wait3A_254 : memref<2560x128xf32, #tpu.memory_space<vmem>>)
    %dma_wait3A_258 = arith.constant 1 : i32
    %dma_wait3A_259 = arith.constant 1 : i32
    %dma_wait3A_260 = tpu.memref_slice %arg9[%dma_wait3A_259] : memref<8x!tpu.dma_semaphore, #tpu.memory_space<semaphore_mem>> -> memref<1x!tpu.dma_semaphore, #tpu.memory_space<semaphore_mem>>
    %dma_wait3A_261 = tpu.memref_squeeze %dma_wait3A_260 : memref<1x!tpu.dma_semaphore, #tpu.memory_space<semaphore_mem>> -> memref<!tpu.dma_semaphore, #tpu.memory_space<semaphore_mem>>
    %dma_wait3A_262 = arith.constant 0 : i32
    %dma_wait3A_263 = arith.constant 0 : i32
    %dma_wait3A_264 = tpu.memref_slice %arg6[%dma_wait3A_258, %dma_wait3A_262, %dma_wait3A_263] : memref<8x2560x128xf32, #tpu.memory_space<vmem>> -> memref<1x2560x128xf32, #tpu.memory_space<vmem>>
    %dma_wait3A_265 = tpu.memref_squeeze %dma_wait3A_264 : memref<1x2560x128xf32, #tpu.memory_space<vmem>> -> memref<2560x128xf32, #tpu.memory_space<vmem>>
    %dma_wait3A_266 = arith.constant 314880 : i32
    %dma_wait3A_267 = arith.constant 0 : i32
    %dma_wait3A_268 = tpu.memref_slice %arg1[%dma_wait3A_266, %dma_wait3A_267] : memref<320000x128xf32, #tpu.memory_space<hbm>> -> memref<2560x128xf32, #tpu.memory_space<hbm>>
    tpu.wait_dma2 semaphore(%dma_wait3A_261 : memref<!tpu.dma_semaphore, #tpu.memory_space<semaphore_mem>>) src(%dma_wait3A_268 : memref<2560x128xf32, #tpu.memory_space<hbm>>) dst(%dma_wait3A_265 : memref<2560x128xf32, #tpu.memory_space<vmem>>)
    %get3A_269 = arith.constant 1 : index
    %get3A_270 = arith.constant 0 : index
    %get3A_271 = arith.constant 0 : index
    %get3A_272 = vector.load %arg6[%get3A_269, %get3A_270, %get3A_271] : memref<8x2560x128xf32, #tpu.memory_space<vmem>>, vector<1x2560x128xf32>
    %get3A_273 = vector.shape_cast %get3A_272 : vector<1x2560x128xf32> to vector<2560x128xf32>
    %get3A_274 = arith.constant 1 : index
    %get3A_275 = arith.constant 0 : index
    %get3A_276 = arith.constant 0 : index
    %get3A_277 = vector.load %arg5[%get3A_274, %get3A_275, %get3A_276] : memref<8x2560x128xf32, #tpu.memory_space<vmem>>, vector<1x2560x128xf32>
    %get3A_278 = vector.shape_cast %get3A_277 : vector<1x2560x128xf32> to vector<2560x128xf32>
    %mul3A_279 = arith.mulf %get3A_273, %get3A_278 : vector<2560x128xf32>
    %max3A_280 = arith.constant 0.000000e+00 : f32
    %max3A_281 = vector.broadcast %max3A_280 : f32 to vector<2560x128xf32>
    %max3A_282 = arith.maximumf %mul3A_279, %max3A_281 : vector<2560x128xf32>
    %dot_general3A_283 = arith.constant dense<0.000000e+00> : vector<1x2560xf32>
    %dot_general3A_284 = tpu.matmul %get3A_1, %max3A_282, %dot_general3A_283 {dimension_numbers = #tpu.dot_dimension_numbers<[1], [1], [0], [0], [0, 0, 1, 0], [], []>, transpose_lhs_hint = false} : vector<1x128xf32>, vector<2560x128xf32>, vector<1x2560xf32> -> vector<1x2560xf32>
    %add3A_285 = vector.broadcast %get3A_5 : f32 to vector<1x2560xf32>
    %add3A_286 = arith.addf %dot_general3A_284, %add3A_285 : vector<1x2560xf32>
    %dma_wait3A_287 = arith.constant 1 : i32
    %dma_wait3A_288 = arith.constant 1 : i32
    %dma_wait3A_289 = tpu.memref_slice %arg10[%dma_wait3A_288] : memref<8x!tpu.dma_semaphore, #tpu.memory_space<semaphore_mem>> -> memref<1x!tpu.dma_semaphore, #tpu.memory_space<semaphore_mem>>
    %dma_wait3A_290 = tpu.memref_squeeze %dma_wait3A_289 : memref<1x!tpu.dma_semaphore, #tpu.memory_space<semaphore_mem>> -> memref<!tpu.dma_semaphore, #tpu.memory_space<semaphore_mem>>
    %dma_wait3A_291 = arith.constant 105 : i32
    %dma_wait3A_292 = arith.constant 0 : i32
    %dma_wait3A_293 = tpu.memref_slice %arg4[%dma_wait3A_291, %dma_wait3A_292] : memref<115x2560xf32, #tpu.memory_space<hbm>> -> memref<1x2560xf32, #tpu.memory_space<hbm>>
    %dma_wait3A_294 = arith.constant 0 : i32
    %dma_wait3A_295 = arith.constant 0 : i32
    %dma_wait3A_296 = tpu.memref_slice %arg7[%dma_wait3A_287, %dma_wait3A_294, %dma_wait3A_295] : memref<8x1x2560xf32, #tpu.memory_space<vmem>> -> memref<1x1x2560xf32, #tpu.memory_space<vmem>>
    %dma_wait3A_297 = tpu.memref_squeeze %dma_wait3A_296 : memref<1x1x2560xf32, #tpu.memory_space<vmem>> -> memref<1x2560xf32, #tpu.memory_space<vmem>>
    tpu.wait_dma2 semaphore(%dma_wait3A_290 : memref<!tpu.dma_semaphore, #tpu.memory_space<semaphore_mem>>) src(%dma_wait3A_297 : memref<1x2560xf32, #tpu.memory_space<vmem>>) dst(%dma_wait3A_293 : memref<1x2560xf32, #tpu.memory_space<hbm>>)
    %swap3A_298 = arith.constant 1 : index
    %swap3A_299 = arith.constant 0 : index
    %swap3A_300 = arith.constant 0 : index
    %swap3A_301 = vector.load %arg7[%swap3A_298, %swap3A_299, %swap3A_300] : memref<8x1x2560xf32, #tpu.memory_space<vmem>>, vector<1x1x2560xf32>
    %swap3A_302 = vector.shape_cast %swap3A_301 : vector<1x1x2560xf32> to vector<1x2560xf32>
    %swap3A_303 = vector.shape_cast %add3A_286 : vector<1x2560xf32> to vector<1x1x2560xf32>
    tpu.vector_store %arg7[%swap3A_298, %swap3A_299, %swap3A_300], %swap3A_303 {strides = array<i32>} : memref<8x1x2560xf32, #tpu.memory_space<vmem>>, vector<1x1x2560xf32>,
    %dma_start3A_304 = arith.constant 1 : i32
    %dma_start3A_305 = arith.constant 1 : i32
    %dma_start3A_306 = tpu.memref_slice %arg10[%dma_start3A_305] : memref<8x!tpu.dma_semaphore, #tpu.memory_space<semaphore_mem>> -> memref<1x!tpu.dma_semaphore, #tpu.memory_space<semaphore_mem>>
    %dma_start3A_307 = tpu.memref_squeeze %dma_start3A_306 : memref<1x!tpu.dma_semaphore, #tpu.memory_space<semaphore_mem>> -> memref<!tpu.dma_semaphore, #tpu.memory_space<semaphore_mem>>
    %dma_start3A_308 = arith.constant 113 : i32
    %dma_start3A_309 = arith.constant 0 : i32
    %dma_start3A_310 = tpu.memref_slice %arg4[%dma_start3A_308, %dma_start3A_309] : memref<115x2560xf32, #tpu.memory_space<hbm>> -> memref<1x2560xf32, #tpu.memory_space<hbm>>
    %dma_start3A_311 = arith.constant 0 : i32
    %dma_start3A_312 = arith.constant 0 : i32
    %dma_start3A_313 = tpu.memref_slice %arg7[%dma_start3A_304, %dma_start3A_311, %dma_start3A_312] : memref<8x1x2560xf32, #tpu.memory_space<vmem>> -> memref<1x1x2560xf32, #tpu.memory_space<vmem>>
    %dma_start3A_314 = tpu.memref_squeeze %dma_start3A_313 : memref<1x1x2560xf32, #tpu.memory_space<vmem>> -> memref<1x2560xf32, #tpu.memory_space<vmem>>
    tpu.enqueue_dma source(%dma_start3A_314 : memref<1x2560xf32, #tpu.memory_space<vmem>>) target(%dma_start3A_310 : memref<1x2560xf32, #tpu.memory_space<hbm>>) target_semaphore(%dma_start3A_307 : memref<!tpu.dma_semaphore, #tpu.memory_space<semaphore_mem>>)
    %dma_wait3A_315 = arith.constant 2 : i32
    %dma_wait3A_316 = arith.constant 2 : i32
    %dma_wait3A_317 = tpu.memref_slice %arg8[%dma_wait3A_316] : memref<8x!tpu.dma_semaphore, #tpu.memory_space<semaphore_mem>> -> memref<1x!tpu.dma_semaphore, #tpu.memory_space<semaphore_mem>>
    %dma_wait3A_318 = tpu.memref_squeeze %dma_wait3A_317 : memref<1x!tpu.dma_semaphore, #tpu.memory_space<semaphore_mem>> -> memref<!tpu.dma_semaphore, #tpu.memory_space<semaphore_mem>>
    %dma_wait3A_319 = arith.constant 0 : i32
    %dma_wait3A_320 = arith.constant 0 : i32
    %dma_wait3A_321 = tpu.memref_slice %arg5[%dma_wait3A_315, %dma_wait3A_319, %dma_wait3A_320] : memref<8x2560x128xf32, #tpu.memory_space<vmem>> -> memref<1x2560x128xf32, #tpu.memory_space<vmem>>
    %dma_wait3A_322 = tpu.memref_squeeze %dma_wait3A_321 : memref<1x2560x128xf32, #tpu.memory_space<vmem>> -> memref<2560x128xf32, #tpu.memory_space<vmem>>
    %dma_wait3A_323 = arith.constant 317440 : i32
    %dma_wait3A_324 = arith.constant 0 : i32
    %dma_wait3A_325 = tpu.memref_slice %arg0[%dma_wait3A_323, %dma_wait3A_324] : memref<320000x128xf32, #tpu.memory_space<hbm>> -> memref<2560x128xf32, #tpu.memory_space<hbm>>
    tpu.wait_dma2 semaphore(%dma_wait3A_318 : memref<!tpu.dma_semaphore, #tpu.memory_space<semaphore_mem>>) src(%dma_wait3A_325 : memref<2560x128xf32, #tpu.memory_space<hbm>>) dst(%dma_wait3A_322 : memref<2560x128xf32, #tpu.memory_space<vmem>>)
    %dma_wait3A_326 = arith.constant 2 : i32
    %dma_wait3A_327 = arith.constant 2 : i32
    %dma_wait3A_328 = tpu.memref_slice %arg9[%dma_wait3A_327] : memref<8x!tpu.dma_semaphore, #tpu.memory_space<semaphore_mem>> -> memref<1x!tpu.dma_semaphore, #tpu.memory_space<semaphore_mem>>
    %dma_wait3A_329 = tpu.memref_squeeze %dma_wait3A_328 : memref<1x!tpu.dma_semaphore, #tpu.memory_space<semaphore_mem>> -> memref<!tpu.dma_semaphore, #tpu.memory_space<semaphore_mem>>
    %dma_wait3A_330 = arith.constant 0 : i32
    %dma_wait3A_331 = arith.constant 0 : i32
    %dma_wait3A_332 = tpu.memref_slice %arg6[%dma_wait3A_326, %dma_wait3A_330, %dma_wait3A_331] : memref<8x2560x128xf32, #tpu.memory_space<vmem>> -> memref<1x2560x128xf32, #tpu.memory_space<vmem>>
    %dma_wait3A_333 = tpu.memref_squeeze %dma_wait3A_332 : memref<1x2560x128xf32, #tpu.memory_space<vmem>> -> memref<2560x128xf32, #tpu.memory_space<vmem>>
    %dma_wait3A_334 = arith.constant 317440 : i32
    %dma_wait3A_335 = arith.constant 0 : i32
    %dma_wait3A_336 = tpu.memref_slice %arg1[%dma_wait3A_334, %dma_wait3A_335] : memref<320000x128xf32, #tpu.memory_space<hbm>> -> memref<2560x128xf32, #tpu.memory_space<hbm>>
    tpu.wait_dma2 semaphore(%dma_wait3A_329 : memref<!tpu.dma_semaphore, #tpu.memory_space<semaphore_mem>>) src(%dma_wait3A_336 : memref<2560x128xf32, #tpu.memory_space<hbm>>) dst(%dma_wait3A_333 : memref<2560x128xf32, #tpu.memory_space<vmem>>)
    %get3A_337 = arith.constant 2 : index
    %get3A_338 = arith.constant 0 : index
    %get3A_339 = arith.constant 0 : index
    %get3A_340 = vector.load %arg6[%get3A_337, %get3A_338, %get3A_339] : memref<8x2560x128xf32, #tpu.memory_space<vmem>>, vector<1x2560x128xf32>
    %get3A_341 = vector.shape_cast %get3A_340 : vector<1x2560x128xf32> to vector<2560x128xf32>
    %get3A_342 = arith.constant 2 : index
    %get3A_343 = arith.constant 0 : index
    %get3A_344 = arith.constant 0 : index
    %get3A_345 = vector.load %arg5[%get3A_342, %get3A_343, %get3A_344] : memref<8x2560x128xf32, #tpu.memory_space<vmem>>, vector<1x2560x128xf32>
    %get3A_346 = vector.shape_cast %get3A_345 : vector<1x2560x128xf32> to vector<2560x128xf32>
    %mul3A_347 = arith.mulf %get3A_341, %get3A_346 : vector<2560x128xf32>
    %max3A_348 = arith.constant 0.000000e+00 : f32
    %max3A_349 = vector.broadcast %max3A_348 : f32 to vector<2560x128xf32>
    %max3A_350 = arith.maximumf %mul3A_347, %max3A_349 : vector<2560x128xf32>
    %dot_general3A_351 = arith.constant dense<0.000000e+00> : vector<1x2560xf32>
    %dot_general3A_352 = tpu.matmul %get3A_1, %max3A_350, %dot_general3A_351 {dimension_numbers = #tpu.dot_dimension_numbers<[1], [1], [0], [0], [0, 0, 1, 0], [], []>, transpose_lhs_hint = false} : vector<1x128xf32>, vector<2560x128xf32>, vector<1x2560xf32> -> vector<1x2560xf32>
    %add3A_353 = vector.broadcast %get3A_5 : f32 to vector<1x2560xf32>
    %add3A_354 = arith.addf %dot_general3A_352, %add3A_353 : vector<1x2560xf32>
    %dma_wait3A_355 = arith.constant 2 : i32
    %dma_wait3A_356 = arith.constant 2 : i32
    %dma_wait3A_357 = tpu.memref_slice %arg10[%dma_wait3A_356] : memref<8x!tpu.dma_semaphore, #tpu.memory_space<semaphore_mem>> -> memref<1x!tpu.dma_semaphore, #tpu.memory_space<semaphore_mem>>
    %dma_wait3A_358 = tpu.memref_squeeze %dma_wait3A_357 : memref<1x!tpu.dma_semaphore, #tpu.memory_space<semaphore_mem>> -> memref<!tpu.dma_semaphore, #tpu.memory_space<semaphore_mem>>
    %dma_wait3A_359 = arith.constant 106 : i32
    %dma_wait3A_360 = arith.constant 0 : i32
    %dma_wait3A_361 = tpu.memref_slice %arg4[%dma_wait3A_359, %dma_wait3A_360] : memref<115x2560xf32, #tpu.memory_space<hbm>> -> memref<1x2560xf32, #tpu.memory_space<hbm>>
    %dma_wait3A_362 = arith.constant 0 : i32
    %dma_wait3A_363 = arith.constant 0 : i32
    %dma_wait3A_364 = tpu.memref_slice %arg7[%dma_wait3A_355, %dma_wait3A_362, %dma_wait3A_363] : memref<8x1x2560xf32, #tpu.memory_space<vmem>> -> memref<1x1x2560xf32, #tpu.memory_space<vmem>>
    %dma_wait3A_365 = tpu.memref_squeeze %dma_wait3A_364 : memref<1x1x2560xf32, #tpu.memory_space<vmem>> -> memref<1x2560xf32, #tpu.memory_space<vmem>>
    tpu.wait_dma2 semaphore(%dma_wait3A_358 : memref<!tpu.dma_semaphore, #tpu.memory_space<semaphore_mem>>) src(%dma_wait3A_365 : memref<1x2560xf32, #tpu.memory_space<vmem>>) dst(%dma_wait3A_361 : memref<1x2560xf32, #tpu.memory_space<hbm>>)
    %swap3A_366 = arith.constant 2 : index
    %swap3A_367 = arith.constant 0 : index
    %swap3A_368 = arith.constant 0 : index
    %swap3A_369 = vector.load %arg7[%swap3A_366, %swap3A_367, %swap3A_368] : memref<8x1x2560xf32, #tpu.memory_space<vmem>>, vector<1x1x2560xf32>
    %swap3A_370 = vector.shape_cast %swap3A_369 : vector<1x1x2560xf32> to vector<1x2560xf32>
    %swap3A_371 = vector.shape_cast %add3A_354 : vector<1x2560xf32> to vector<1x1x2560xf32>
    tpu.vector_store %arg7[%swap3A_366, %swap3A_367, %swap3A_368], %swap3A_371 {strides = array<i32>} : memref<8x1x2560xf32, #tpu.memory_space<vmem>>, vector<1x1x2560xf32>,
    %dma_start3A_372 = arith.constant 2 : i32
    %dma_start3A_373 = arith.constant 2 : i32
    %dma_start3A_374 = tpu.memref_slice %arg10[%dma_start3A_373] : memref<8x!tpu.dma_semaphore, #tpu.memory_space<semaphore_mem>> -> memref<1x!tpu.dma_semaphore, #tpu.memory_space<semaphore_mem>>
    %dma_start3A_375 = tpu.memref_squeeze %dma_start3A_374 : memref<1x!tpu.dma_semaphore, #tpu.memory_space<semaphore_mem>> -> memref<!tpu.dma_semaphore, #tpu.memory_space<semaphore_mem>>
    %dma_start3A_376 = arith.constant 114 : i32
    %dma_start3A_377 = arith.constant 0 : i32
    %dma_start3A_378 = tpu.memref_slice %arg4[%dma_start3A_376, %dma_start3A_377] : memref<115x2560xf32, #tpu.memory_space<hbm>> -> memref<1x2560xf32, #tpu.memory_space<hbm>>
    %dma_start3A_379 = arith.constant 0 : i32
    %dma_start3A_380 = arith.constant 0 : i32
    %dma_start3A_381 = tpu.memref_slice %arg7[%dma_start3A_372, %dma_start3A_379, %dma_start3A_380] : memref<8x1x2560xf32, #tpu.memory_space<vmem>> -> memref<1x1x2560xf32, #tpu.memory_space<vmem>>
    %dma_start3A_382 = tpu.memref_squeeze %dma_start3A_381 : memref<1x1x2560xf32, #tpu.memory_space<vmem>> -> memref<1x2560xf32, #tpu.memory_space<vmem>>
    tpu.enqueue_dma source(%dma_start3A_382 : memref<1x2560xf32, #tpu.memory_space<vmem>>) target(%dma_start3A_378 : memref<1x2560xf32, #tpu.memory_space<hbm>>) target_semaphore(%dma_start3A_375 : memref<!tpu.dma_semaphore, #tpu.memory_space<semaphore_mem>>)
    %dma_wait3A_383 = arith.constant 3 : i32
    %dma_wait3A_384 = arith.constant 3 : i32
    %dma_wait3A_385 = tpu.memref_slice %arg10[%dma_wait3A_384] : memref<8x!tpu.dma_semaphore, #tpu.memory_space<semaphore_mem>> -> memref<1x!tpu.dma_semaphore, #tpu.memory_space<semaphore_mem>>
    %dma_wait3A_386 = tpu.memref_squeeze %dma_wait3A_385 : memref<1x!tpu.dma_semaphore, #tpu.memory_space<semaphore_mem>> -> memref<!tpu.dma_semaphore, #tpu.memory_space<semaphore_mem>>
    %dma_wait3A_387 = arith.constant 107 : i32
    %dma_wait3A_388 = arith.constant 0 : i32
    %dma_wait3A_389 = tpu.memref_slice %arg4[%dma_wait3A_387, %dma_wait3A_388] : memref<115x2560xf32, #tpu.memory_space<hbm>> -> memref<1x2560xf32, #tpu.memory_space<hbm>>
    %dma_wait3A_390 = arith.constant 0 : i32
    %dma_wait3A_391 = arith.constant 0 : i32
    %dma_wait3A_392 = tpu.memref_slice %arg7[%dma_wait3A_383, %dma_wait3A_390, %dma_wait3A_391] : memref<8x1x2560xf32, #tpu.memory_space<vmem>> -> memref<1x1x2560xf32, #tpu.memory_space<vmem>>
    %dma_wait3A_393 = tpu.memref_squeeze %dma_wait3A_392 : memref<1x1x2560xf32, #tpu.memory_space<vmem>> -> memref<1x2560xf32, #tpu.memory_space<vmem>>
    tpu.wait_dma2 semaphore(%dma_wait3A_386 : memref<!tpu.dma_semaphore, #tpu.memory_space<semaphore_mem>>) src(%dma_wait3A_393 : memref<1x2560xf32, #tpu.memory_space<vmem>>) dst(%dma_wait3A_389 : memref<1x2560xf32, #tpu.memory_space<hbm>>)
    %dma_wait3A_394 = arith.constant 4 : i32
    %dma_wait3A_395 = arith.constant 4 : i32
    %dma_wait3A_396 = tpu.memref_slice %arg10[%dma_wait3A_395] : memref<8x!tpu.dma_semaphore, #tpu.memory_space<semaphore_mem>> -> memref<1x!tpu.dma_semaphore, #tpu.memory_space<semaphore_mem>>
    %dma_wait3A_397 = tpu.memref_squeeze %dma_wait3A_396 : memref<1x!tpu.dma_semaphore, #tpu.memory_space<semaphore_mem>> -> memref<!tpu.dma_semaphore, #tpu.memory_space<semaphore_mem>>
    %dma_wait3A_398 = arith.constant 108 : i32
    %dma_wait3A_399 = arith.constant 0 : i32
    %dma_wait3A_400 = tpu.memref_slice %arg4[%dma_wait3A_398, %dma_wait3A_399] : memref<115x2560xf32, #tpu.memory_space<hbm>> -> memref<1x2560xf32, #tpu.memory_space<hbm>>
    %dma_wait3A_401 = arith.constant 0 : i32
    %dma_wait3A_402 = arith.constant 0 : i32
    %dma_wait3A_403 = tpu.memref_slice %arg7[%dma_wait3A_394, %dma_wait3A_401, %dma_wait3A_402] : memref<8x1x2560xf32, #tpu.memory_space<vmem>> -> memref<1x1x2560xf32, #tpu.memory_space<vmem>>
    %dma_wait3A_404 = tpu.memref_squeeze %dma_wait3A_403 : memref<1x1x2560xf32, #tpu.memory_space<vmem>> -> memref<1x2560xf32, #tpu.memory_space<vmem>>
    tpu.wait_dma2 semaphore(%dma_wait3A_397 : memref<!tpu.dma_semaphore, #tpu.memory_space<semaphore_mem>>) src(%dma_wait3A_404 : memref<1x2560xf32, #tpu.memory_space<vmem>>) dst(%dma_wait3A_400 : memref<1x2560xf32, #tpu.memory_space<hbm>>)
    %dma_wait3A_405 = arith.constant 5 : i32
    %dma_wait3A_406 = arith.constant 5 : i32
    %dma_wait3A_407 = tpu.memref_slice %arg10[%dma_wait3A_406] : memref<8x!tpu.dma_semaphore, #tpu.memory_space<semaphore_mem>> -> memref<1x!tpu.dma_semaphore, #tpu.memory_space<semaphore_mem>>
    %dma_wait3A_408 = tpu.memref_squeeze %dma_wait3A_407 : memref<1x!tpu.dma_semaphore, #tpu.memory_space<semaphore_mem>> -> memref<!tpu.dma_semaphore, #tpu.memory_space<semaphore_mem>>
    %dma_wait3A_409 = arith.constant 109 : i32
    %dma_wait3A_410 = arith.constant 0 : i32
    %dma_wait3A_411 = tpu.memref_slice %arg4[%dma_wait3A_409, %dma_wait3A_410] : memref<115x2560xf32, #tpu.memory_space<hbm>> -> memref<1x2560xf32, #tpu.memory_space<hbm>>
    %dma_wait3A_412 = arith.constant 0 : i32
    %dma_wait3A_413 = arith.constant 0 : i32
    %dma_wait3A_414 = tpu.memref_slice %arg7[%dma_wait3A_405, %dma_wait3A_412, %dma_wait3A_413] : memref<8x1x2560xf32, #tpu.memory_space<vmem>> -> memref<1x1x2560xf32, #tpu.memory_space<vmem>>
    %dma_wait3A_415 = tpu.memref_squeeze %dma_wait3A_414 : memref<1x1x2560xf32, #tpu.memory_space<vmem>> -> memref<1x2560xf32, #tpu.memory_space<vmem>>
    tpu.wait_dma2 semaphore(%dma_wait3A_408 : memref<!tpu.dma_semaphore, #tpu.memory_space<semaphore_mem>>) src(%dma_wait3A_415 : memref<1x2560xf32, #tpu.memory_space<vmem>>) dst(%dma_wait3A_411 : memref<1x2560xf32, #tpu.memory_space<hbm>>)
    %dma_wait3A_416 = arith.constant 6 : i32
    %dma_wait3A_417 = arith.constant 6 : i32
    %dma_wait3A_418 = tpu.memref_slice %arg10[%dma_wait3A_417] : memref<8x!tpu.dma_semaphore, #tpu.memory_space<semaphore_mem>> -> memref<1x!tpu.dma_semaphore, #tpu.memory_space<semaphore_mem>>
    %dma_wait3A_419 = tpu.memref_squeeze %dma_wait3A_418 : memref<1x!tpu.dma_semaphore, #tpu.memory_space<semaphore_mem>> -> memref<!tpu.dma_semaphore, #tpu.memory_space<semaphore_mem>>
    %dma_wait3A_420 = arith.constant 110 : i32
    %dma_wait3A_421 = arith.constant 0 : i32
    %dma_wait3A_422 = tpu.memref_slice %arg4[%dma_wait3A_420, %dma_wait3A_421] : memref<115x2560xf32, #tpu.memory_space<hbm>> -> memref<1x2560xf32, #tpu.memory_space<hbm>>
    %dma_wait3A_423 = arith.constant 0 : i32
    %dma_wait3A_424 = arith.constant 0 : i32
    %dma_wait3A_425 = tpu.memref_slice %arg7[%dma_wait3A_416, %dma_wait3A_423, %dma_wait3A_424] : memref<8x1x2560xf32, #tpu.memory_space<vmem>> -> memref<1x1x2560xf32, #tpu.memory_space<vmem>>
    %dma_wait3A_426 = tpu.memref_squeeze %dma_wait3A_425 : memref<1x1x2560xf32, #tpu.memory_space<vmem>> -> memref<1x2560xf32, #tpu.memory_space<vmem>>
    tpu.wait_dma2 semaphore(%dma_wait3A_419 : memref<!tpu.dma_semaphore, #tpu.memory_space<semaphore_mem>>) src(%dma_wait3A_426 : memref<1x2560xf32, #tpu.memory_space<vmem>>) dst(%dma_wait3A_422 : memref<1x2560xf32, #tpu.memory_space<hbm>>)
    %dma_wait3A_427 = arith.constant 7 : i32
    %dma_wait3A_428 = arith.constant 7 : i32
    %dma_wait3A_429 = tpu.memref_slice %arg10[%dma_wait3A_428] : memref<8x!tpu.dma_semaphore, #tpu.memory_space<semaphore_mem>> -> memref<1x!tpu.dma_semaphore, #tpu.memory_space<semaphore_mem>>
    %dma_wait3A_430 = tpu.memref_squeeze %dma_wait3A_429 : memref<1x!tpu.dma_semaphore, #tpu.memory_space<semaphore_mem>> -> memref<!tpu.dma_semaphore, #tpu.memory_space<semaphore_mem>>
    %dma_wait3A_431 = arith.constant 111 : i32
    %dma_wait3A_432 = arith.constant 0 : i32
    %dma_wait3A_433 = tpu.memref_slice %arg4[%dma_wait3A_431, %dma_wait3A_432] : memref<115x2560xf32, #tpu.memory_space<hbm>> -> memref<1x2560xf32, #tpu.memory_space<hbm>>
    %dma_wait3A_434 = arith.constant 0 : i32
    %dma_wait3A_435 = arith.constant 0 : i32
    %dma_wait3A_436 = tpu.memref_slice %arg7[%dma_wait3A_427, %dma_wait3A_434, %dma_wait3A_435] : memref<8x1x2560xf32, #tpu.memory_space<vmem>> -> memref<1x1x2560xf32, #tpu.memory_space<vmem>>
    %dma_wait3A_437 = tpu.memref_squeeze %dma_wait3A_436 : memref<1x1x2560xf32, #tpu.memory_space<vmem>> -> memref<1x2560xf32, #tpu.memory_space<vmem>>
    tpu.wait_dma2 semaphore(%dma_wait3A_430 : memref<!tpu.dma_semaphore, #tpu.memory_space<semaphore_mem>>) src(%dma_wait3A_437 : memref<1x2560xf32, #tpu.memory_space<vmem>>) dst(%dma_wait3A_433 : memref<1x2560xf32, #tpu.memory_space<hbm>>)
    %dma_wait3A_438 = arith.constant 0 : i32
    %dma_wait3A_439 = arith.constant 0 : i32
    %dma_wait3A_440 = tpu.memref_slice %arg10[%dma_wait3A_439] : memref<8x!tpu.dma_semaphore, #tpu.memory_space<semaphore_mem>> -> memref<1x!tpu.dma_semaphore, #tpu.memory_space<semaphore_mem>>
    %dma_wait3A_441 = tpu.memref_squeeze %dma_wait3A_440 : memref<1x!tpu.dma_semaphore, #tpu.memory_space<semaphore_mem>> -> memref<!tpu.dma_semaphore, #tpu.memory_space<semaphore_mem>>
    %dma_wait3A_442 = arith.constant 112 : i32
    %dma_wait3A_443 = arith.constant 0 : i32
    %dma_wait3A_444 = tpu.memref_slice %arg4[%dma_wait3A_442, %dma_wait3A_443] : memref<115x2560xf32, #tpu.memory_space<hbm>> -> memref<1x2560xf32, #tpu.memory_space<hbm>>
    %dma_wait3A_445 = arith.constant 0 : i32
    %dma_wait3A_446 = arith.constant 0 : i32
    %dma_wait3A_447 = tpu.memref_slice %arg7[%dma_wait3A_438, %dma_wait3A_445, %dma_wait3A_446] : memref<8x1x2560xf32, #tpu.memory_space<vmem>> -> memref<1x1x2560xf32, #tpu.memory_space<vmem>>
    %dma_wait3A_448 = tpu.memref_squeeze %dma_wait3A_447 : memref<1x1x2560xf32, #tpu.memory_space<vmem>> -> memref<1x2560xf32, #tpu.memory_space<vmem>>
    tpu.wait_dma2 semaphore(%dma_wait3A_441 : memref<!tpu.dma_semaphore, #tpu.memory_space<semaphore_mem>>) src(%dma_wait3A_448 : memref<1x2560xf32, #tpu.memory_space<vmem>>) dst(%dma_wait3A_444 : memref<1x2560xf32, #tpu.memory_space<hbm>>)
    %dma_wait3A_449 = arith.constant 1 : i32
    %dma_wait3A_450 = arith.constant 1 : i32
    %dma_wait3A_451 = tpu.memref_slice %arg10[%dma_wait3A_450] : memref<8x!tpu.dma_semaphore, #tpu.memory_space<semaphore_mem>> -> memref<1x!tpu.dma_semaphore, #tpu.memory_space<semaphore_mem>>
    %dma_wait3A_452 = tpu.memref_squeeze %dma_wait3A_451 : memref<1x!tpu.dma_semaphore, #tpu.memory_space<semaphore_mem>> -> memref<!tpu.dma_semaphore, #tpu.memory_space<semaphore_mem>>
    %dma_wait3A_453 = arith.constant 113 : i32
    %dma_wait3A_454 = arith.constant 0 : i32
    %dma_wait3A_455 = tpu.memref_slice %arg4[%dma_wait3A_453, %dma_wait3A_454] : memref<115x2560xf32, #tpu.memory_space<hbm>> -> memref<1x2560xf32, #tpu.memory_space<hbm>>
    %dma_wait3A_456 = arith.constant 0 : i32
    %dma_wait3A_457 = arith.constant 0 : i32
    %dma_wait3A_458 = tpu.memref_slice %arg7[%dma_wait3A_449, %dma_wait3A_456, %dma_wait3A_457] : memref<8x1x2560xf32, #tpu.memory_space<vmem>> -> memref<1x1x2560xf32, #tpu.memory_space<vmem>>
    %dma_wait3A_459 = tpu.memref_squeeze %dma_wait3A_458 : memref<1x1x2560xf32, #tpu.memory_space<vmem>> -> memref<1x2560xf32, #tpu.memory_space<vmem>>
    tpu.wait_dma2 semaphore(%dma_wait3A_452 : memref<!tpu.dma_semaphore, #tpu.memory_space<semaphore_mem>>) src(%dma_wait3A_459 : memref<1x2560xf32, #tpu.memory_space<vmem>>) dst(%dma_wait3A_455 : memref<1x2560xf32, #tpu.memory_space<hbm>>)
    %dma_wait3A_460 = arith.constant 2 : i32
    %dma_wait3A_461 = arith.constant 2 : i32
    %dma_wait3A_462 = tpu.memref_slice %arg10[%dma_wait3A_461] : memref<8x!tpu.dma_semaphore, #tpu.memory_space<semaphore_mem>> -> memref<1x!tpu.dma_semaphore, #tpu.memory_space<semaphore_mem>>
    %dma_wait3A_463 = tpu.memref_squeeze %dma_wait3A_462 : memref<1x!tpu.dma_semaphore, #tpu.memory_space<semaphore_mem>> -> memref<!tpu.dma_semaphore, #tpu.memory_space<semaphore_mem>>
    %dma_wait3A_464 = arith.constant 114 : i32
    %dma_wait3A_465 = arith.constant 0 : i32
    %dma_wait3A_466 = tpu.memref_slice %arg4[%dma_wait3A_464, %dma_wait3A_465] : memref<115x2560xf32, #tpu.memory_space<hbm>> -> memref<1x2560xf32, #tpu.memory_space<hbm>>
    %dma_wait3A_467 = arith.constant 0 : i32
    %dma_wait3A_468 = arith.constant 0 : i32
    %dma_wait3A_469 = tpu.memref_slice %arg7[%dma_wait3A_460, %dma_wait3A_467, %dma_wait3A_468] : memref<8x1x2560xf32, #tpu.memory_space<vmem>> -> memref<1x1x2560xf32, #tpu.memory_space<vmem>>
    %dma_wait3A_470 = tpu.memref_squeeze %dma_wait3A_469 : memref<1x1x2560xf32, #tpu.memory_space<vmem>> -> memref<1x2560xf32, #tpu.memory_space<vmem>>
    tpu.wait_dma2 semaphore(%dma_wait3A_463 : memref<!tpu.dma_semaphore, #tpu.memory_space<semaphore_mem>>) src(%dma_wait3A_470 : memref<1x2560xf32, #tpu.memory_space<vmem>>) dst(%dma_wait3A_466 : memref<1x2560xf32, #tpu.memory_space<hbm>>)
    return
  }
}

</mosaic_0001>

<sc_bundles>
// kernel: kernel.4.cloned.1.call-start
scs
__scs_entry_jumppad:
0x0: {  	(pc) =	sbr.rel $0x88, $3  }
0x1: {  	(tag) =	ssettag $0x0;
	lr =	simm.s32 $0x1  }
0x2: {  	[smem:$0x3F9D] =	sst lr;
	_ =	strace $0xD0000000  }
0x3: {  	_ = 	snop  }
0x4: {  	_ = 	snop  }
0x5: {  	_ = 	snop  }
0x6: {  	_ = 	snop  }
0x7: {  	_ = 	snop  }
__scs_overlays_trampoline_lowered:
0x8: {  	[smem:$0x3FAC] =	sst s0  }
0x9: {  	[smem:$0x3FAD] =	sst s1  }
0xa: {  	[smem:$0x3FAE] =	sst s2  }
0xb: {  	[smem:$0x3FAF] =	sst s3  }
0xc: {  	[smem:$0x3FB0] =	sst s4  }
0xd: {  	[smem:$0x3FB1] =	sst s5  }
0xe: {  	[smem:$0x3FB2] =	sst s6  }
0xf: {  	[smem:$0x3FB3] =	sst s7  }
0x10: {  	[smem:$0x3FB4] =	sst s8  }
0x11: {  	[smem:$0x3FB5] =	sst s9;
	s0 =	simm.s32 @!p0 $0x0  }
0x12: {  	s1 =	sld [smem:$0x3F9B];
	s0 =	simm.s32 @p0 $0x1  }
0x13: {  	[smem:$0x3FB6] =	sst s0;
	s0 =	simm.s32 @!p1 $0x0  }
0x14: {  	s2 =	sld [smem:$0x3F9A];
	s0 =	simm.s32 @p1 $0x1  }
0x15: {  	[smem:$0x3FB7] =	sst s0;
	s0 =	simm.s32 @!p2 $0x0  }
0x16: {  	s3 =	sld [smem:$0x3FDB];
	s0 =	simm.s32 @p2 $0x1  }
0x17: {  	s4 =	simm.s32 $0x1BF5;
	[smem:$0x3FB9] =	sst s0  }
0x18: {  	s0 =	sld [smem:$0x3F9C];
	_ =	swait.ge [sflag:s4], $0x0  }
0x19: {  	s7 =	sld [smem:$0x3F9D]  }
0x1a: {  	s8 =	sadd.s32 $0xFFFFE003, lr  }
0x1b: {  	s9 =	sadd.s32 $0xFFFFFEF7, lr;
	s5 =	simm.s32 $0xFFFFFFFF;
	p2 =	slt.u32 s8, $0xFFFFF086  }
0x1c: {  	p1 =	slt.u32 s9, $0xF7A;
	s5 =	simm.s32 @!p2 $0x0  }
0x1d: {  	s5 =	simm.s32 @p1 $0x1;
	p0 =	seq.s32 s7, s2  }
0x1e: {  	s7 =	smul.u32 @!p0 $0xF7A, s2;
	p2 =	seq.s32 @!p0 s5, $0x0  }
0x1f: {  	s9 =	smul.u32 $0xF7A, s1;
	s8 =	simm.s32 @!p0 $0x1BF5;
	p2 =	por !p2, p0  }
0x20: {  	[sflag:s8] =	ssyncset.s32 @!p0 $0xFFFFF086;
	s6 =	sadd.s32 @!p0 s3, s7;
	s7 =	simm.s32 @!p0 $0x108  }
0x21: {  	s3 =	sadd.s32 s3, s9;
	s6 =	sadd.s32 @!p0 $0x88, s6;
	s7 =	simm.s32 @p2 $0x1082  }
0x22: {  	[simem:s7], [sflag:s8] =	dma.local @!p0 [hbm:s6], $0xF7A  }
0x23: {  	s9 =	sor.u32 $0xD0000000, s2;
	s6 =	simm.s32 $0x108;
	_ =	swait.ge @!p0 [sflag:s8], $0x0  }
0x24: {  	s3 =	sadd.s32 $0x88, s3;
	s6 =	simm.s32 @!p1 $0x1082;
	[sflag:s4] =	ssyncset.s32 $0xFFFFF086  }
0x25: {  	[simem:s6], [sflag:s4] =	dma.local [hbm:s3], $0xF7A  }
0x26: {  	[smem:$0x3F9D] =	sst s1;
	(tag) =	ssettag s2;
	_ =	strace s9  }
0x27: {  	s1 =	sld [smem:$0x3FAD]  }
0x28: {  	s2 =	sld [smem:$0x3FAE]  }
0x29: {  	s4 =	sld [smem:$0x3FB0]  }
0x2a: {  	p0 =	seq.s32 s5, $0x0;
	s5 =	sld [smem:$0x3FB1]  }
0x2b: {  	s6 =	sld [smem:$0x3FB2]  }
0x2c: {  	s7 =	sld [smem:$0x3FB3]  }
0x2d: {  	s3 =	simm.s32 $0x108;
	s8 =	sld [smem:$0x3FB4]  }
0x2e: {  	s3 =	simm.s32 @!p0 $0x1082;
	s9 =	sld [smem:$0x3FB5]  }
0x2f: {  	lr =	sadd.s32 s0, s3;
	s0 =	sld [smem:$0x3FAC]  }
0x30: {  	s3 =	sld [smem:$0x3FAF]  }
0x31: {  	[smem:$0x3FB8] =	sst s10  }
0x32: {  	s10 =	sld [smem:$0x3FB6];
	_ =	sdelay $0x3  }
0x33: {  	p0 =	seq.s32 s10, $0x1;
	s10 =	sld [smem:$0x3FB8];
	_ =	sdelay $0x3  }
0x34: {  	[smem:$0x3FB8] =	sst s10  }
0x35: {  	s10 =	sld [smem:$0x3FB7];
	_ =	sdelay $0x3  }
0x36: {  	p1 =	seq.s32 s10, $0x1;
	s10 =	sld [smem:$0x3FB8];
	_ =	sdelay $0x3  }
0x37: {  	[smem:$0x3FB8] =	sst s10  }
0x38: {  	s10 =	sld [smem:$0x3FB9]  }
0x39: {  	_ = 	snop;
	(pc) =	sbr.ind lr, $3  }
0x3a: {  	_ = 	snop  }
0x3b: {  	_ = 	snop  }
0x3c: {  	p2 =	seq.s32 s10, $0x1;
	s10 =	sld [smem:$0x3FB8]  }
0x3d: {  	_ =	shalt  }
0x3e: {  	_ =	shalt  }
0x3f: {  	_ =	shalt  }
0x40: {  	_ =	shalt  }
0x41: {  	_ =	shalt  }
0x42: {  	_ =	shalt  }
0x43: {  	_ =	shalt  }
0x44: {  	_ =	shalt  }
0x45: {  	_ =	shalt  }
0x46: {  	_ =	shalt  }
0x47: {  	_ =	shalt  }
0x48: {  	_ =	shalt  }
0x49: {  	_ =	shalt  }
0x4a: {  	_ =	shalt  }
0x4b: {  	_ =	shalt  }
0x4c: {  	_ =	shalt  }
0x4d: {  	_ =	shalt  }
0x4e: {  	_ =	shalt  }
0x4f: {  	_ =	shalt  }
0x50: {  	_ =	shalt  }
0x51: {  	_ =	shalt  }
0x52: {  	_ =	shalt  }
0x53: {  	_ =	shalt  }
0x54: {  	_ =	shalt  }
0x55: {  	_ =	shalt  }
0x56: {  	_ =	shalt  }
0x57: {  	_ =	shalt  }
0x58: {  	_ =	shalt  }
0x59: {  	_ =	shalt  }
0x5a: {  	_ =	shalt  }
0x5b: {  	_ =	shalt  }
0x5c: {  	_ =	shalt  }
0x5d: {  	_ =	shalt  }
0x5e: {  	_ =	shalt  }
0x5f: {  	_ =	shalt  }
0x60: {  	_ =	shalt  }
0x61: {  	_ =	shalt  }
0x62: {  	_ =	shalt  }
0x63: {  	_ =	shalt  }
0x64: {  	_ =	shalt  }
0x65: {  	_ =	shalt  }
0x66: {  	_ =	shalt  }
0x67: {  	_ =	shalt  }
0x68: {  	_ =	shalt  }
0x69: {  	_ =	shalt  }
0x6a: {  	_ =	shalt  }
0x6b: {  	_ =	shalt  }
0x6c: {  	_ =	shalt  }
0x6d: {  	_ =	shalt  }
0x6e: {  	_ =	shalt  }
0x6f: {  	_ =	shalt  }
0x70: {  	_ =	shalt  }
0x71: {  	_ =	shalt  }
0x72: {  	_ =	shalt  }
0x73: {  	_ =	shalt  }
0x74: {  	_ =	shalt  }
0x75: {  	_ =	shalt  }
0x76: {  	_ =	shalt  }
0x77: {  	_ =	shalt  }
0x78: {  	_ =	shalt  }
0x79: {  	_ =	shalt  }
0x7a: {  	_ =	shalt  }
0x7b: {  	_ =	shalt  }
0x7c: {  	_ =	shalt  }
0x7d: {  	_ =	shalt  }
0x7e: {  	_ =	shalt  }
0x7f: {  	_ =	shalt  }
0x80: {  	_ =	shalt  }
0x81: {  	_ =	shalt  }
0x82: {  	_ =	shalt  }
0x83: {  	_ =	shalt  }
0x84: {  	_ =	shalt  }
0x85: {  	_ =	shalt  }
0x86: {  	_ =	shalt  }
0x87: {  	_ =	shalt  }
.Lfunc_end0:
.L_simem_size_0:
called_computation_lowered:
.L_overlay_start_0:
0x88: {  	s2 =	sld [smem:$0x3FD9]  }
0x89: {  	s3 =	sld [smem:$0x3FFE];
	_ =	sdelay $0x1  }
0x8a: {  	s1 =	srdreg.scid  }
0x8b: {  	s0 =	sand.u32 $0x1, s1  }
0x8c: {  	s17 =	sshll.u32 s0, $0xA;
	s2 =	sadd.s32 s3, s2  }
0x8d: {  	s2 =	sadd.s32 s2, s17  }
0x8e: {  	[smem:$0x3FC4] =	sst s2  }
0x8f: {  	_ = 	snop  }
0x90: {  	s2 =	sld [smem:$0x3FC9]  }
0x91: {  	s18 =	sld [smem:$0x3FC8]  }
0x92: {  	s4 =	sld [smem:$0x3FC7]  }
0x93: {  	s5 =	sld [smem:$0x3FD0];
	(tm) =	ssettm $0x1  }
0x94: {  	s6 =	sld [smem:$0x3FFB];
	_ =	sdelay $0x3  }
0x95: {  	_ =	strace s6  }
0x96: {  	s6 =	sld [smem:$0x3FFC];
	_ =	sdelay $0x3  }
0x97: {  	_ =	strace s6  }
0x98: {  	s6 =	sld [smem:$0x3FFD];
	_ =	sdelay $0x3  }
0x99: {  	_ =	strace s6  }
0x9a: {  	_ =	strace $0x8FFFFFFF  }
0x9b: {  	s19 =	sld [smem:$0x3FDB];
	_ =	sdelay $0x1  }
0x9c: {  	s7 =	simm.s32 $_scs_section_size  }
0x9d: {  	s8 =	simm.s32 $_size__tile_overlayer_lowered;
	s9 =	simm.s32 $_tile_overlayer_lowered  }
0x9e: {  	s22 =	simm.s32 $0x1BFF;
	s21 =	sshll.u32 s9, $0x1;
	s6 =	sadd.s32 s7, s19  }
0x9f: {  	s10 =	simm.s32 $0x0;
	s20 =	sshll.u32 s8, $0x1;
	s8 =	sadd.s32 s21, s6  }
0xa0: {  	[timem:s10], [sflag:s22] =	dma.local [hbm:s8], s20  }
0xa1: {  	_ =	swait.ge [sflag:s22], s20  }
0xa2: {  	s7 =	ssub.s32 $0x0, s20;
	[sflag:s22] =	ssyncset.done $0x0  }
0xa3: {  	[sflag:s22] =	ssyncadd.s32 s7;
	_ =	sdelay $0x1  }
0xa4: {  	s23 =	simm.s32 $0x1B8B  }
0xa5: {  	_ =	swait.ge [sflag:s23], $0x1  }
0xa6: {  	[sflag:s23] =	ssyncset.done $0x0  }
0xa7: {  	s25 =	simm.s32 $0x1B8E;
	s24 =	sld [smem:$0x3FFE];
	[sflag:s23] =	ssyncadd.s32 $0xFFFFFFFF  }
0xa8: {  	s26 =	simm.s32 $execute0_lowered;
	[smem:$0x3FD2] =	sst s25  }
0xa9: {  	s8 =	sshll.u32 s26, $0x1;
	_ =	strace $0x80000046;
	[dreg:$0x1] =	wrdreg $0xFFFFFFFF  }
0xaa: {  	s28 =	simm.s32 $_size_execute0_lowered;
	s6 =	sadd.s32 s6, s8;
	[dreg:$0x0] =	wrdreg $0x0  }
0xab: {  	s8 =	sshll.u32 s28, $0x1;
	[dreg:$0x2] =	wrdreg s6  }
0xac: {  	[dreg:$0x3] =	wrdreg s8  }
0xad: {  	[dreg:$0x4] =	wrdreg $0xC0  }
0xae: {  	_ =	task [dreg:s10], $0x5FFFF  }
0xaf: {  	[dreg:$0x1] =	wrdreg $0xFFFFFFFF  }
0xb0: {  	[dreg:$0x0] =	wrdreg $0x60  }
0xb1: {  	[dreg:$0x2] =	wrdreg s2  }
0xb2: {  	[dreg:$0x3] =	wrdreg s18  }
0xb3: {  	[dreg:$0x4] =	wrdreg s4  }
0xb4: {  	[dreg:$0x5] =	wrdreg s24  }
0xb5: {  	[dreg:$0x6] =	wrdreg s5  }
0xb6: {  	[dreg:$0x7] =	wrdreg $0x9  }
0xb7: {  	_ =	task.clear_ibuf [dreg:s10], $0x8FFFF;
	_ =	strace $0x90000046  }
0xb8: {  	s29 =	simm.s32 $0x9;
	_ =	strace $0x80000048  }
0xb9: {  	_ =	swait.ge [sflag:s29], $0x1  }
0xba: {  	[sflag:s29] =	ssyncadd.s32 $0xFFFFFFFF  }
0xbb: {  	_ =	strace $0x90000048  }
0xbc: {  	_ =	sfence  }
0xbd: {  	s30 =	sld [smem:$0x0];
	_ =	sdelay $0x2  }
0xbe: {  	s31 =	sshll.u32 s1, $0xD;
	s1 =	sshrl.u32 s1, $0x2  }
0xbf: {  	s3 =	sand.u32 $0x4000, s31;
	s1 =	sadd.s32 s1, s30  }
0xc0: {  	s0 =	sor.u32 s3, s0;
	s1 =	sshll.u32 s1, $0x11  }
0xc1: {  	s0 =	sor.u32 s1, s0  }
0xc2: {  	s0 =	sadd.s32 $0x8F2B, s0  }
0xc3: {  	[sflag:s0] =	ssyncadd.remote.s32 $0x1  }
0xc4: {  	_ =	sfence.sel $0xFFFF  }
0xc5: {  	[dreg:$0x0] =	wrdreg $0xFFFFFFFF;
	(pc) =	sbr.abs _section_cstart, $3  }
0xc6: {  	[dreg:$0x1] =	wrdreg $0xFFFFFFFF  }
0xc7: {  	_ =	task.clear_ibuf [dreg:s10], $0x2FFFF;
	_ =	strace $0x9FFFFFFF  }
0xc8: {  	(tm) =	ssettm $0x7FFFFFFF  }
0xc9: {  	_ =	shalt  }
tec
execute0_lowered:
.L_overlay_start_1:
0x0: {  	(tag) =	ssettag $0x1  }
0x1: {  	s0 =	rddreg [dreg:$0x0]  }
0x2: {  	s2 =	rddreg [dreg:$0x1]  }
0x3: {  	s1 =	rddreg [dreg:$0x3]  }
0x4: {  	s3 =	srdreg.scid;
	s5 =	stileid.u32  }
0x5: {  	s4 =	rddreg [dreg:$0x4];
	s16 =	simm.s32 $0x5;
	s18 =	simm.s32 $0x5000  }
0x6: {  	s19 =	simm.s32 $0x2800;
	s20 =	simm.s32 $0x7800;
	s21 =	simm.s32 $0x1  }
0x7: {  	s22 =	simm.s32 $0x3;
	s3 =	sand.u32 $0x1, s3;
	s6 =	sshll.u32 s5, $0x1  }
0x8: {  	s23 =	simm.s32 $0xA000;
	s24 =	simm.s32 $0x2;
	s7 =	sor.u32 s3, s6  }
0x9: {  	s25 =	simm.s32 $0x4;
	s5 =	simm.s32 $0x0;
	s8 =	smul.u32 $0x19000, s7  }
0xa: {  	s26 =	simm.s32 $0x0;
	[smem:$0x7FF] =	sst s5;
	s9 =	smul.u32 $0x3200, s7  }
0xb: {  	s6 =	sadd.s32 $0x800, s1;
	s30 =	ssub.s32 $0x2, s3;
	s31 =	smul.u32 $0x320, s7  }
.Ltmp0:
0xc: {  	_ =	strace $0x80000047;
	s3 =	sshrl.u32 s30, $0x1;
	(pc) =	sbr.rel .LBB2_1-.Ltmp0, $4  }
0xd: {  	s1 =	ssub.s32 s30, s3;
	s8 =	sshrl.u32 s8, $0x3;
	s7 =	sadd.s32 s0, s9  }
0xe: {  	s11 =	sadd.s32 $0xA0, s31;
	s13 =	sshrl.u32 s31, $0x3;
	s12 =	sadd.s32 $0xF0, s31  }
0xf: {  	s14 =	smax.u32 s1, $0x1;
	s10 =	sadd.s32 $0x500, s8;
	s8 =	sadd.s32 s2, s9  }
0x10: {  	vm0 =	vcmask $0x3F3C;
	s13 =	sadd.s32 s4, s13;
	s9 =	sadd.s32 s0, s10;
	s10 =	sadd.s32 s2, s10  }
.LBB2_8:
0x11: {  	s26 =	sadd.s32 $0x1, s26  }
0x12: {  	p0 =	sne.s32 s26, s14  }
.Ltmp1:
0x13: {  	_ = 	snop;
	(pc) =	sbr.rel @!p0 .LBB2_9-.Ltmp1, $4  }
0x14: {  	[hbm4b:s13+s5] =	stream.linear.scatter [tilespmem:s23], [sflag:$0x5], $0x320, $0x38;
	[tilespmem:$0xA480] =	vst v63  }
0x15: {  	_ =	swait.ge [sflag:s16], $0x320  }
0x16: {  	[sflag:s16] =	ssyncset.done $0x0  }
0x17: {  	[sflag:s16] =	ssyncadd.s32 $0xFFFFFCE0  }
.LBB2_1:
0x18: {  	s1 =	rddreg [dreg:$0x2];
	s3 =	simm.s32 $0xA380  }
0x19: {  	[tilespmem:s3], [sflag:$0x5] =	stream.linear.gather [hbm4b:s1+s5], $0x80, $0x38;
	[tilespmem:$0xA480] =	vst v63  }
0x1a: {  	_ =	swait.ge [sflag:s16], $0x80  }
0x1b: {  	[sflag:s16] =	ssyncset.done $0x0  }
0x1c: {  	s31 =	simm.s32 $0xA400;
	[sflag:s16] =	ssyncadd.s32 $0xFFFFFF80  }
0x1d: {  	[tilespmem:s31], [sflag:$0x5] =	stream.linear.gather [hbm4b:s6+s5], $0x80, $0x38;
	[tilespmem:$0xA480] =	vst v63  }
0x1e: {  	_ =	swait.ge [sflag:s16], $0x80  }
0x1f: {  	[sflag:s16] =	ssyncset.done $0x0  }
0x20: {  	[sflag:s16] =	ssyncadd.s32 $0xFFFFFF80  }
0x21: {  	[tilespmem:s5], [sflag:$0x1] =	stream.linear.gather [hbm4b:s7+s5], $0x2800, $0x38;
	[tilespmem:$0xA480] =	vst v63  }
0x22: {  	_ = 	snop  }
0x23: {  	[tilespmem:s18], [sflag:$0x3] =	stream.linear.gather [hbm4b:s8+s5], $0x2800, $0x38;
	[tilespmem:$0xA480] =	vst v63  }
0x24: {  	_ = 	snop  }
0x25: {  	[tilespmem:s19], [sflag:$0x2] =	stream.linear.gather [hbm4b:s9+s5], $0x2800, $0x38;
	[tilespmem:$0xA480] =	vst v63  }
0x26: {  	s28 =	simm.s32 $0x50;
	s30 =	simm.s32 $0x0;
	s3 =	simm.s32 $0x0  }
0x27: {  	[tilespmem:s20], [sflag:$0x4] =	stream.linear.gather [hbm4b:s10+s5], $0x2800, $0x38;
	[tilespmem:$0xA480] =	vst v63  }
.LBB2_2:
0x28: {  	_ =	swait.ge [sflag:s21], $0x2800  }
0x29: {  	[sflag:s21] =	ssyncset.done $0x0  }
0x2a: {  	[sflag:s21] =	ssyncadd.s32 $0xFFFFD800  }
0x2b: {  	_ =	swait.ge [sflag:s22], $0x2800  }
0x2c: {  	[sflag:s22] =	ssyncset.done $0x0  }
0x2d: {  	[sflag:s22] =	ssyncadd.s32 $0xFFFFD800  }
0x2e: {  	v0 =	vld [tilespmem:$0xA400]  }
0x2f: {  	v1 =	vld [tilespmem:$0xA380]  }
0x30: {  	v3 =	vld [tilespmem:$0xA390]  }
0x31: {  	v4 =	vld [tilespmem:$0xA3A0]  }
0x32: {  	v6 =	vld [tilespmem:$0xA3B0]  }
0x33: {  	v2 =	vld [tilespmem:$0xA3C0]  }
0x34: {  	v5 =	vld [tilespmem:$0xA3D0]  }
0x35: {  	v7 =	vld [tilespmem:$0xA3E0]  }
0x36: {  	s1 =	simm.s32 $0x0;
	v8 =	vld [tilespmem:$0xA3F0]  }
0x37: {  	v9 =	vld [tilespmem:s1+$0x70]  }
0x38: {  	v10 =	vld [tilespmem:s1+$0x5070]  }
0x39: {  	v11 =	vld [tilespmem:s1+$0x60]  }
0x3a: {  	v12 =	vld [tilespmem:s1+$0x5060]  }
0x3b: {  	v13 =	vld [tilespmem:s1+$0x30]  }
0x3c: {  	v14 =	vld [tilespmem:s1+$0x5030]  }
0x3d: {  	v15 =	vld [tilespmem:s1+$0x5020]  }
0x3e: {  	v16 =	vld [tilespmem:s1+$0x20]  }
0x3f: {  	v17 =	vld [tilespmem:s1+$0x50]  }
0x40: {  	v18 =	vld [tilespmem:s1+$0x5050]  }
0x41: {  	v19 =	vld [tilespmem:s1+$0x5010]  }
0x42: {  	v20 =	vld [tilespmem:s1+$0x40]  }
0x43: {  	v21 =	vld [tilespmem:s1+$0x10]  }
0x44: {  	s4 =	simm.s32 $0x80;
	v22 =	vld [tilespmem:s1+$0x5000]  }
0x45: {  	v23 =	vld [tilespmem:s4+$0x70]  }
0x46: {  	v9 =	vmul.f32 v9, v10;
	v10 =	vld [tilespmem:s1+$0x5040];
	v11 =	vmul.f32 v11, v12  }
0x47: {  	v12 =	vld [tilespmem:s1+$0x0];
	v13 =	vmul.f32 v13, v14  }
0x48: {  	v14 =	vmul.f32 v17, v18;
	v17 =	vld [tilespmem:s4+$0x5070];
	v15 =	vmul.f32 v16, v15;
	v11 =	vmax.f32 v11, $0.0e+00  }
0x49: {  	v16 =	vld [tilespmem:s4+$0x5060];
	v9 =	vmax.f32 v9, $0.0e+00;
	v18 =	vmul.f32 v11, v7;
	v11 =	vmul.f32 v21, v19  }
0x4a: {  	v13 =	vmax.f32 v13, $0.0e+00;
	v14 =	vmax.f32 v14, $0.0e+00;
	v9 =	vmul.f32 v9, v8;
	v19 =	vld [tilespmem:s4+$0x60]  }
0x4b: {  	v61 =	vld [tilespmem:s4+$0x5050];
	v13 =	vmul.f32 v13, v6;
	v11 =	vmax.f32 v11, $0.0e+00;
	v10 =	vmul.f32 v20, v10  }
0x4c: {  	v20 =	vld [tilespmem:s4+$0x30];
	v12 =	vmul.f32 v12, v22;
	v58 =	vmul.f32 v11, v3;
	v11 =	vmax.f32 v15, $0.0e+00  }
0x4d: {  	v17 =	vmul.f32 v23, v17;
	v15 =	vld [tilespmem:s4+$0x5030];
	v59 =	vmul.f32 v11, v4;
	v11 =	vmax.f32 v10, $0.0e+00  }
0x4e: {  	v14 =	vmul.f32 v14, v5;
	v10 =	vld [tilespmem:s4+$0x5020];
	v12 =	vmax.f32 v12, $0.0e+00;
	v60 =	vmul.f32 v11, v2  }
0x4f: {  	v17 =	vmax.f32 v17, $0.0e+00;
	v11 =	vld [tilespmem:s4+$0x20];
	v12 =	vmul.f32 v12, v1;
	v16 =	vmul.f32 v19, v16  }
0x50: {  	v9 =	vadd.f32 v9, v18;
	v19 =	vld [tilespmem:s4+$0x50];
	v62 =	vmul.f32 v17, v8;
	v18 =	vadd.f32 v13, v59  }
0x51: {  	v17 =	vld [tilespmem:s4+$0x10];
	v14 =	vadd.f32 v14, v60;
	v21 =	vadd.f32 v58, v12;
	v16 =	vmax.f32 v16, $0.0e+00  }
0x52: {  	v13 =	vld [tilespmem:s4+$0x5010];
	v16 =	vmul.f32 v16, v7  }
0x53: {  	v12 =	vld [tilespmem:s4+$0x40];
	v20 =	vmul.f32 v20, v15;
	v18 =	vadd.f32 v18, v21;
	v63 =	vadd.f32 v9, v14  }
0x54: {  	s31 =	smul.u32 $0xA0, s30;
	v15 =	vld [tilespmem:s4+$0x5000];
	v9 =	vadd.f32 v62, v16  }
0x55: {  	s15 =	simm.s32 $0x400;
	s29 =	smov.u32 s3;
	s1 =	smov.u32 s3;
	v14 =	vld [tilespmem:s4+$0x5040];
	v19 =	vmul.f32 v19, v61;
	v16 =	vadd.f32 v63, v18;
	v18 =	vmax.f32 v20, $0.0e+00  }
.LBB2_3:
0x56: {  	s17 =	smov.u32 s15  }
0x57: {  	v20 =	vld [tilespmem:s4+$0x0];
	s4 =	sshra.s32 s15, $0x2;
	s29 =	sadd.s32 $0x1, s29;
	(xrf2) =	vadd.scan.msk.f32 $0xffff, v16;
	s17 =	sadd.s32 $0x200, s15  }
0x58: {  	p0 =	sne.s32 s15, $0x9E00;
	v19 =	vmax.f32 v19, $0.0e+00;
	v16 =	vld [tilespmem:s4+$0x70]  }
0x59: {  	v13 =	vmul.f32 v17, v13;
	v21 =	vld [tilespmem:s4+$0x5070]  }
0x5a: {  	v10 =	vmul.f32 v11, v10;
	v17 =	vld [tilespmem:s4+$0x60]  }
0x5b: {  	v12 =	vmul.f32 v12, v14;
	v11 =	vmax.f32 v13, $0.0e+00;
	v13 =	vmul.f32 v18, v6;
	v22 =	vld [tilespmem:s4+$0x5060]  }
0x5c: {  	v10 =	vmax.f32 v10, $0.0e+00;
	v15 =	vmul.f32 v20, v15;
	v18 =	vmul.f32 v11, v3;
	v14 =	vld [tilespmem:s4+$0x30]  }
0x5d: {  	v23 =	vmul.f32 v10, v4;
	v11 =	vmax.f32 v12, $0.0e+00;
	v12 =	vmul.f32 v19, v5;
	v20 =	vld [tilespmem:s4+$0x5030]  }
0x5e: {  	v19 =	vmul.f32 v11, v2;
	v15 =	vmax.f32 v15, $0.0e+00;
	v10 =	vld [tilespmem:s4+$0x5020];
	v16 =	vmul.f32 v16, v21  }
0x5f: {  	v15 =	vmul.f32 v15, v1;
	v21 =	vadd.f32 v13, v23;
	v23 =	vmov s1;
	s1 =	smov.u32 s29;
	v11 =	vld [tilespmem:s4+$0x20]  }
0x60: {  	v19 =	vadd.f32 v12, v19;
	v24 =	vld [tilespmem:s4+$0x50];
	v17 =	vmul.f32 v17, v22;
	v16 =	vmax.f32 v16, $0.0e+00  }
0x61: {  	v15 =	vadd.f32 v18, v15;
	v22 =	vld [tilespmem:s4+$0x5050];
	v12, _, _ =	vpop (xrf2)  }
.Ltmp2:
0x62: {  	v16 =	vmul.f32 v16, v8;
	v13 =	vld [tilespmem:s4+$0x5010];
	v17 =	vmax.f32 v17, $0.0e+00;
	v18 =	vadd.f32 v12, v0;
	(pc) =	sbr.rel @p0 .LBB2_3-.Ltmp2, $4  }
0x63: {  	v19 =	vadd.f32 v9, v19;
	v15 =	vadd.f32 v21, v15;
	v12 =	vld [tilespmem:s4+$0x40];
	v25 =	vmul.f32 v17, v7  }
0x64: {  	v20 =	vmul.f32 v14, v20;
	v17 =	vld [tilespmem:s4+$0x10];
	[tilespmem:v23+s23+$0x0] =	vst.idx.msk vm0, v18  }
0x65: {  	v14 =	vld [tilespmem:s4+$0x5040];
	v9 =	vadd.f32 v16, v25;
	v16 =	vadd.f32 v19, v15  }
0x66: {  	s15 =	smov.u32 s17;
	v18 =	vmax.f32 v20, $0.0e+00;
	v15 =	vld [tilespmem:s4+$0x5000];
	v19 =	vmul.f32 v24, v22  }
0x67: {  	v7 =	vld [tilespmem:s4+$0x0];
	_ =	sdelay $0x1  }
0x68: {  	v10 =	vmul.f32 v11, v10;
	_ =	sdelay $0x1  }
0x69: {  	v6 =	vmul.f32 v18, v6;
	v8 =	vmul.f32 v17, v13;
	v10 =	vmax.f32 v10, $0.0e+00  }
0x6a: {  	v11 =	vmul.f32 v12, v14;
	v12 =	vmax.f32 v19, $0.0e+00;
	v7 =	vmul.f32 v7, v15  }
0x6b: {  	v4 =	vmul.f32 v10, v4;
	v8 =	vmax.f32 v8, $0.0e+00;
	v5 =	vmul.f32 v12, v5  }
0x6c: {  	v3 =	vmul.f32 v8, v3;
	v8 =	vmax.f32 v11, $0.0e+00;
	v7 =	vmax.f32 v7, $0.0e+00  }
0x6d: {  	v2 =	vmul.f32 v8, v2;
	v1 =	vmul.f32 v7, v1  }
0x6e: {  	v4 =	vadd.f32 v6, v4  }
0x6f: {  	v2 =	vadd.f32 v5, v2;
	v1 =	vadd.f32 v3, v1;
	_ =	sdelay $0x1  }
0x70: {  	v2 =	vadd.f32 v9, v2;
	v1 =	vadd.f32 v4, v1;
	_ =	sdelay $0x1  }
0x71: {  	v1 =	vadd.f32 v2, v1  }
0x72: {  	(xrf2) =	vadd.scan.msk.f32 $0xffff, v16  }
0x73: {  	(xrf2) =	vadd.scan.msk.f32 $0xffff, v1;
	_ =	sdelay $0x6  }
0x74: {  	s15 =	sadd.s32 $0x1, s29;
	v1 =	vmov s1  }
0x75: {  	v2 =	vmov s15  }
0x76: {  	v3, _, _ =	vpop (xrf2)  }
0x77: {  	p0 =	seq.s32 s30, $0x4;
	v3 =	vadd.f32 v3, v0;
	v4, _, _ =	vpop (xrf2)  }
0x78: {  	s1 =	sadd.s32 @!p0 s31, s11;
	v0 =	vadd.f32 v4, v0  }
0x79: {  	s1 =	sshll.u32 @!p0 s1, $0x4;
	[tilespmem:v1+s23+$0x0] =	vst.idx.msk vm0, v3  }
0x7a: {  	s15 =	simm.s32 @!p0 $0x0;
	s4 =	sadd.s32 @!p0 s0, s1;
	[tilespmem:v2+s23+$0x0] =	vst.idx.msk vm0, v0  }
0x7b: {  	[tilespmem:s15], [sflag:$0x1] =	stream.linear.gather @!p0 [hbm4b:s4+s15], $0x2800, $0x38;
	[tilespmem:$0xA480] =	vst v63  }
0x7c: {  	s1 =	sadd.s32 @!p0 s2, s1;
	s4 =	simm.s32 @!p0 $0x5000  }
0x7d: {  	[tilespmem:s4], [sflag:$0x3] =	stream.linear.gather @!p0 [hbm4b:s1+s15], $0x2800, $0x38;
	[tilespmem:$0xA480] =	vst v63  }
0x7e: {  	_ =	swait.ge [sflag:s24], $0x2800  }
0x7f: {  	[sflag:s24] =	ssyncset.done $0x0  }
0x80: {  	[sflag:s24] =	ssyncadd.s32 $0xFFFFD800  }
0x81: {  	_ =	swait.ge [sflag:s25], $0x2800  }
0x82: {  	[sflag:s25] =	ssyncset.done $0x0  }
0x83: {  	[sflag:s25] =	ssyncadd.s32 $0xFFFFD800  }
0x84: {  	v0 =	vld [tilespmem:$0xA400]  }
0x85: {  	v1 =	vld [tilespmem:$0xA380]  }
0x86: {  	v3 =	vld [tilespmem:$0xA390]  }
0x87: {  	v4 =	vld [tilespmem:$0xA3A0]  }
0x88: {  	v6 =	vld [tilespmem:$0xA3B0]  }
0x89: {  	v2 =	vld [tilespmem:$0xA3C0]  }
0x8a: {  	v5 =	vld [tilespmem:$0xA3D0]  }
0x8b: {  	v7 =	vld [tilespmem:$0xA3E0]  }
0x8c: {  	s17 =	simm.s32 $0x0;
	v8 =	vld [tilespmem:$0xA3F0]  }
0x8d: {  	v9 =	vld [tilespmem:s17+$0x2870]  }
0x8e: {  	v10 =	vld [tilespmem:s17+$0x7870]  }
0x8f: {  	v11 =	vld [tilespmem:s17+$0x2860]  }
0x90: {  	v12 =	vld [tilespmem:s17+$0x7860]  }
0x91: {  	v13 =	vld [tilespmem:s17+$0x2830]  }
0x92: {  	v14 =	vld [tilespmem:s17+$0x7830]  }
0x93: {  	v15 =	vld [tilespmem:s17+$0x7820]  }
0x94: {  	v16 =	vld [tilespmem:s17+$0x2820]  }
0x95: {  	v17 =	vld [tilespmem:s17+$0x2850]  }
0x96: {  	v18 =	vld [tilespmem:s17+$0x7850]  }
0x97: {  	v19 =	vld [tilespmem:s17+$0x7810]  }
0x98: {  	v20 =	vld [tilespmem:s17+$0x2840]  }
0x99: {  	v21 =	vld [tilespmem:s17+$0x2810]  }
0x9a: {  	s4 =	simm.s32 $0x80;
	v22 =	vld [tilespmem:s17+$0x7800]  }
0x9b: {  	v23 =	vld [tilespmem:s4+$0x2870]  }
0x9c: {  	v9 =	vmul.f32 v9, v10;
	v10 =	vld [tilespmem:s17+$0x7840];
	v11 =	vmul.f32 v11, v12  }
0x9d: {  	v12 =	vld [tilespmem:s17+$0x2800];
	v13 =	vmul.f32 v13, v14  }
0x9e: {  	v14 =	vmul.f32 v17, v18;
	v17 =	vld [tilespmem:s4+$0x7870];
	v15 =	vmul.f32 v16, v15;
	v11 =	vmax.f32 v11, $0.0e+00  }
0x9f: {  	v16 =	vld [tilespmem:s4+$0x7860];
	v9 =	vmax.f32 v9, $0.0e+00;
	v18 =	vmul.f32 v11, v7;
	v11 =	vmul.f32 v21, v19  }
0xa0: {  	v13 =	vmax.f32 v13, $0.0e+00;
	v14 =	vmax.f32 v14, $0.0e+00;
	v9 =	vmul.f32 v9, v8;
	v19 =	vld [tilespmem:s4+$0x2860]  }
0xa1: {  	v61 =	vld [tilespmem:s4+$0x7850];
	v13 =	vmul.f32 v13, v6;
	v11 =	vmax.f32 v11, $0.0e+00;
	v10 =	vmul.f32 v20, v10  }
0xa2: {  	v20 =	vld [tilespmem:s4+$0x2830];
	v12 =	vmul.f32 v12, v22;
	v58 =	vmul.f32 v11, v3;
	v11 =	vmax.f32 v15, $0.0e+00  }
0xa3: {  	v17 =	vmul.f32 v23, v17;
	v15 =	vld [tilespmem:s4+$0x7830];
	v59 =	vmul.f32 v11, v4;
	v11 =	vmax.f32 v10, $0.0e+00  }
0xa4: {  	v14 =	vmul.f32 v14, v5;
	v10 =	vld [tilespmem:s4+$0x7820];
	v12 =	vmax.f32 v12, $0.0e+00;
	v60 =	vmul.f32 v11, v2  }
0xa5: {  	v17 =	vmax.f32 v17, $0.0e+00;
	v11 =	vld [tilespmem:s4+$0x2820];
	v12 =	vmul.f32 v12, v1;
	v16 =	vmul.f32 v19, v16  }
0xa6: {  	v9 =	vadd.f32 v9, v18;
	v19 =	vld [tilespmem:s4+$0x2850];
	v62 =	vmul.f32 v17, v8;
	v18 =	vadd.f32 v13, v59  }
0xa7: {  	v17 =	vld [tilespmem:s4+$0x2810];
	v14 =	vadd.f32 v14, v60;
	v21 =	vadd.f32 v58, v12;
	v16 =	vmax.f32 v16, $0.0e+00  }
0xa8: {  	v13 =	vld [tilespmem:s4+$0x7810];
	v16 =	vmul.f32 v16, v7  }
0xa9: {  	v12 =	vld [tilespmem:s4+$0x2840];
	v20 =	vmul.f32 v20, v15;
	v18 =	vadd.f32 v18, v21;
	v63 =	vadd.f32 v9, v14  }
0xaa: {  	v15 =	vld [tilespmem:s4+$0x7800];
	v9 =	vadd.f32 v62, v16  }
0xab: {  	s29 =	smov.u32 s28;
	s1 =	smov.u32 s28;
	s17 =	simm.s32 $0x400;
	v14 =	vld [tilespmem:s4+$0x7840];
	v19 =	vmul.f32 v19, v61;
	v16 =	vadd.f32 v63, v18;
	v18 =	vmax.f32 v20, $0.0e+00  }
.LBB2_5:
0xac: {  	s15 =	smov.u32 s17  }
0xad: {  	v20 =	vld [tilespmem:s4+$0x2800];
	s4 =	sshra.s32 s17, $0x2;
	s29 =	sadd.s32 $0x1, s29;
	(xrf2) =	vadd.scan.msk.f32 $0xffff, v16;
	s15 =	sadd.s32 $0x200, s17  }
0xae: {  	p1 =	sne.s32 s17, $0x9E00;
	v19 =	vmax.f32 v19, $0.0e+00;
	v16 =	vld [tilespmem:s4+$0x2870]  }
0xaf: {  	v13 =	vmul.f32 v17, v13;
	v21 =	vld [tilespmem:s4+$0x7870]  }
0xb0: {  	v10 =	vmul.f32 v11, v10;
	v17 =	vld [tilespmem:s4+$0x2860]  }
0xb1: {  	v12 =	vmul.f32 v12, v14;
	v11 =	vmax.f32 v13, $0.0e+00;
	v13 =	vmul.f32 v18, v6;
	v22 =	vld [tilespmem:s4+$0x7860]  }
0xb2: {  	v10 =	vmax.f32 v10, $0.0e+00;
	v15 =	vmul.f32 v20, v15;
	v18 =	vmul.f32 v11, v3;
	v14 =	vld [tilespmem:s4+$0x2830]  }
0xb3: {  	v23 =	vmul.f32 v10, v4;
	v11 =	vmax.f32 v12, $0.0e+00;
	v12 =	vmul.f32 v19, v5;
	v20 =	vld [tilespmem:s4+$0x7830]  }
0xb4: {  	v19 =	vmul.f32 v11, v2;
	v15 =	vmax.f32 v15, $0.0e+00;
	v10 =	vld [tilespmem:s4+$0x7820];
	v16 =	vmul.f32 v16, v21  }
0xb5: {  	v15 =	vmul.f32 v15, v1;
	v21 =	vadd.f32 v13, v23;
	v23 =	vmov s1;
	s1 =	smov.u32 s29;
	v11 =	vld [tilespmem:s4+$0x2820]  }
0xb6: {  	v19 =	vadd.f32 v12, v19;
	v24 =	vld [tilespmem:s4+$0x2850];
	v17 =	vmul.f32 v17, v22;
	v16 =	vmax.f32 v16, $0.0e+00  }
0xb7: {  	v15 =	vadd.f32 v18, v15;
	v22 =	vld [tilespmem:s4+$0x7850];
	v12, _, _ =	vpop (xrf2)  }
.Ltmp3:
0xb8: {  	v16 =	vmul.f32 v16, v8;
	v13 =	vld [tilespmem:s4+$0x7810];
	v17 =	vmax.f32 v17, $0.0e+00;
	v18 =	vadd.f32 v12, v0;
	(pc) =	sbr.rel @p1 .LBB2_5-.Ltmp3, $4  }
0xb9: {  	v19 =	vadd.f32 v9, v19;
	v15 =	vadd.f32 v21, v15;
	v12 =	vld [tilespmem:s4+$0x2840];
	v25 =	vmul.f32 v17, v7  }
0xba: {  	v20 =	vmul.f32 v14, v20;
	v17 =	vld [tilespmem:s4+$0x2810];
	[tilespmem:v23+s23+$0x0] =	vst.idx.msk vm0, v18  }
0xbb: {  	v14 =	vld [tilespmem:s4+$0x7840];
	v9 =	vadd.f32 v16, v25;
	v16 =	vadd.f32 v19, v15  }
0xbc: {  	s17 =	smov.u32 s15;
	v18 =	vmax.f32 v20, $0.0e+00;
	v15 =	vld [tilespmem:s4+$0x7800];
	v19 =	vmul.f32 v24, v22  }
0xbd: {  	v7 =	vld [tilespmem:s4+$0x2800];
	_ =	sdelay $0x2  }
0xbe: {  	v10 =	vmul.f32 v11, v10  }
0xbf: {  	v6 =	vmul.f32 v18, v6;
	v57 =	vmax.f32 v19, $0.0e+00;
	v8 =	vmul.f32 v17, v13  }
0xc0: {  	v10 =	vmax.f32 v10, $0.0e+00;
	v56 =	vmul.f32 v12, v14;
	v7 =	vmul.f32 v7, v15  }
0xc1: {  	v5 =	vmul.f32 v57, v5;
	v4 =	vmul.f32 v10, v4;
	v8 =	vmax.f32 v8, $0.0e+00  }
0xc2: {  	v3 =	vmul.f32 v8, v3;
	v58 =	vmax.f32 v56, $0.0e+00;
	v7 =	vmax.f32 v7, $0.0e+00  }
0xc3: {  	v2 =	vmul.f32 v58, v2;
	v1 =	vmul.f32 v7, v1  }
0xc4: {  	v4 =	vadd.f32 v6, v4  }
0xc5: {  	v2 =	vadd.f32 v5, v2;
	v1 =	vadd.f32 v3, v1;
	_ =	sdelay $0x1  }
0xc6: {  	v2 =	vadd.f32 v9, v2;
	v1 =	vadd.f32 v4, v1;
	_ =	sdelay $0x1  }
0xc7: {  	v1 =	vadd.f32 v2, v1  }
0xc8: {  	(xrf2) =	vadd.scan.msk.f32 $0xffff, v16  }
0xc9: {  	(xrf2) =	vadd.scan.msk.f32 $0xffff, v1;
	_ =	sdelay $0x6  }
0xca: {  	s29 =	sadd.s32 $0x1, s29;
	v59 =	vmov s1  }
0xcb: {  	v60 =	vmov s29  }
.Ltmp4:
0xcc: {  	v61, _, _ =	vpop (xrf2);
	(pc) =	sbr.rel @p0 .LBB2_8-.Ltmp4, $4  }
0xcd: {  	v3 =	vadd.f32 v61, v0;
	v62, _, _ =	vpop (xrf2)  }
0xce: {  	v63 =	vadd.f32 v62, v0  }
0xcf: {  	[tilespmem:v59+s23+$0x0] =	vst.idx.msk vm0, v3  }
0xd0: {  	[tilespmem:v60+s23+$0x0] =	vst.idx.msk vm0, v63  }
0xd1: {  	s1 =	sadd.s32 s31, s12  }
.Ltmp5:
0xd2: {  	s1 =	sshll.u32 s1, $0x4;
	(pc) =	sbr.rel .LBB2_2-.Ltmp5, $4  }
0xd3: {  	s30 =	sadd.s32 $0x1, s30;
	s4 =	sadd.s32 s0, s1  }
0xd4: {  	[tilespmem:s19], [sflag:$0x2] =	stream.linear.gather [hbm4b:s4+s5], $0x2800, $0x38;
	[tilespmem:$0xA480] =	vst v63  }
0xd5: {  	s3 =	sadd.s32 $0xA0, s3;
	s28 =	sadd.s32 $0xA0, s28;
	s1 =	sadd.s32 s2, s1  }
0xd6: {  	[tilespmem:s20], [sflag:$0x4] =	stream.linear.gather [hbm4b:s1+s5], $0x2800, $0x38;
	[tilespmem:$0xA480] =	vst v63  }
.LBB2_9:
0xd7: {  	_ =	sfence.sel $0x180000  }
0xd8: {  	[bflag:$0x0] =	sbarrier.arrive $0xFFFF  }
0xd9: {  	_ =	strace $0x90000047  }
0xda: {  	s0 =	stileid.u32;
	[bflag:$0x2] =	sbarrier.arrive $0xFFFF  }
0xdb: {  	p0 =	sne.s32 s0, $0x0;
	s0 =	rddreg [dreg:$0x5]  }
0xdc: {  	s0 =	sadd.s32 @!p0 $0x100000, s0  }
0xdd: {  	[sflag:s0] =	ssyncadd.tile.s32 @!p0 $0x1;
	_ =	shalt  }
.Lfunc_end2:
_tile_overlayer_lowered:
.L_overlay_start_2:
0xde: {  	(tag) =	ssettag $0x2  }
0xdf: {  	s0 =	rddreg [dreg:$0x0];
	s2 =	stileid.u32  }
0xe0: {  	s1 =	rddreg [dreg:$0x1];
	p0 =	sne.s32 s2, $0x0  }
0xe1: {  	s3 =	rddreg [dreg:$0x2];
	[bflag:$0x3] =	sbarrier.arrive $0xFFFF;
	s2 =	simm.s32 @!p0 $0x1C05  }
0xe2: {  	[timem:s3], [sflag:s2] =	dma.local @!p0 [hbm:s0], s1  }
0xe3: {  	s0 =	simm.s32 @!p0 $0x5  }
0xe4: {  	_ =	swait.ge @!p0 [sflag:s0], s1  }
0xe5: {  	s1 =	ssub.s32 @!p0 $0x0, s1;
	[sflag:s0] =	ssyncset.done @!p0 $0x0  }
0xe6: {  	[sflag:s0] =	ssyncadd.s32 @!p0 s1  }
0xe7: {  	[bflag:$0x3] =	sbarrier.arrive $0xFFFF  }
0xe8: {  	_ =	shalt  }

</sc_bundles>
